<compile_context>
chip_gen: v7x
topology: tpu7x:2x2x1
jax: 0.10.2.dev20260603
libtpu: 0.0.44.dev20260713+nightly
codegen_flags: <defaults>
</compile_context>

<pallas_src>
import functools

import jax
import jax.numpy as jnp
from jax import lax
from jax.experimental import pallas as pl
from jax.experimental.pallas import tpu as pltpu
from jax.experimental.pallas import tpu_sc as plsc

B = 16
H = 128
G3 = 3 * H
NC = 2
NS = 16
NW = NC * NS


def _proj_body(tab_ref, wc_ref, bc_ref, out_ref):
    out_ref[...] = jnp.dot(tab_ref[...], wc_ref[...],
                           preferred_element_type=jnp.float32) + bc_ref[...]


def _project_table(table, Wc, bc):
    V, D = table.shape
    E = Wc.shape[1]
    blk = 2000
    assert V % blk == 0
    return pl.pallas_call(
        _proj_body,
        grid=(V // blk,),
        in_specs=[
            pl.BlockSpec((blk, D), lambda i: (i, 0)),
            pl.BlockSpec((D, E), lambda i: (0, 0)),
            pl.BlockSpec((1, E), lambda i: (0, 0)),
        ],
        out_specs=pl.BlockSpec((blk, E), lambda i: (i, 0)),
        out_shape=jax.ShapeDtypeStruct((V, E), jnp.float32),
    )(table, Wc, bc.reshape(1, E))


def _sc_gather(table, ids):
    R = ids.shape[0]
    D = table.shape[1]
    assert R % (NW * 128) == 0
    K = R // (NW * 128)
    idx2d = ids.reshape(R // 128, 128)
    mesh = plsc.VectorSubcoreMesh(core_axis_name="c", subcore_axis_name="s")

    def body(table_hbm, idx_hbm, out_hbm, idx_v, rows_v, sem):
        wid = lax.axis_index("s") * NC + lax.axis_index("c")
        pltpu.sync_copy(idx_hbm.at[pl.ds(wid * K, K)], idx_v)

        def chunk(k, carry):
            pltpu.async_copy(table_hbm.at[idx_v.at[k]], rows_v, sem).wait()
            pltpu.sync_copy(rows_v,
                            out_hbm.at[pl.ds((wid * K + k) * 128, 128)])
            return carry

        lax.fori_loop(0, K, chunk, 0)

    f = pl.kernel(
        body,
        out_type=jax.ShapeDtypeStruct((R, D), jnp.float32),
        mesh=mesh,
        scratch_types=[
            pltpu.VMEM((K, 128), jnp.int32),
            pltpu.VMEM((128, D), jnp.float32),
            pltpu.SemaphoreType.DMA,
        ],
    )
    return f(table, idx2d)


def _gru_update(gi, gh, h):
    ir, iz, inn = gi[:, :H], gi[:, H:2 * H], gi[:, 2 * H:]
    hr, hz, hn = gh[:, :H], gh[:, H:2 * H], gh[:, 2 * H:]
    r = jax.nn.sigmoid(ir + hr)
    z = jax.nn.sigmoid(iz + hz)
    n = jnp.tanh(inn + r * hn)
    return (1.0 - z) * n + z * h


def _bigru_max_body(xs_ref, giw0_ref, bih0_ref, whh0_ref, bhh0_ref,
                    giw1_ref, bih1_ref, whh1_ref, bhh1_ref,
                    out_ref, l0_ref, gi_ref):
    T = xs_ref.shape[0]
    Din = xs_ref.shape[2]

    xs = xs_ref[...].reshape(T * B, Din)
    gi0 = jnp.dot(xs, giw0_ref[...], preferred_element_type=jnp.float32)
    gi_ref[...] = (gi0 + bih0_ref[...]).reshape(T, B, 2 * G3)

    def step0(t, carry):
        hf, hb = carry
        gh = jnp.dot(jnp.concatenate([hf, hb], axis=1), whh0_ref[...],
                     preferred_element_type=jnp.float32) + bhh0_ref[...]
        gif = gi_ref[t, :, :G3]
        gib = gi_ref[T - 1 - t, :, G3:]
        hf = _gru_update(gif, gh[:, :G3], hf)
        hb = _gru_update(gib, gh[:, G3:], hb)
        l0_ref[t, :, :H] = hf
        l0_ref[T - 1 - t, :, H:] = hb
        return hf, hb

    z16 = jnp.zeros((B, H), jnp.float32)
    jax.lax.fori_loop(0, T, step0, (z16, z16))

    l0 = l0_ref[...].reshape(T * B, 2 * H)
    gi1 = jnp.dot(l0, giw1_ref[...], preferred_element_type=jnp.float32)
    gi_ref[...] = (gi1 + bih1_ref[...]).reshape(T, B, 2 * G3)

    def step1(t, carry):
        hf, hb, acc = carry
        gh = jnp.dot(jnp.concatenate([hf, hb], axis=1), whh1_ref[...],
                     preferred_element_type=jnp.float32) + bhh1_ref[...]
        gif = gi_ref[t, :, :G3]
        gib = gi_ref[T - 1 - t, :, G3:]
        hf = _gru_update(gif, gh[:, :G3], hf)
        hb = _gru_update(gib, gh[:, G3:], hb)
        acc = jnp.maximum(acc, jnp.concatenate([hf, hb], axis=1))
        return hf, hb, acc

    ninf = jnp.full((B, 2 * H), -jnp.inf, jnp.float32)
    _, _, acc = jax.lax.fori_loop(0, T, step1, (z16, z16, ninf))
    out_ref[...] = acc


def _bigru_maxpool(xs_tm, giw0, bih0c, whh0b, bhh0c, giw1, bih1c, whh1b, bhh1c,
                   interpret=False):
    T = xs_tm.shape[0]
    return pl.pallas_call(
        _bigru_max_body,
        out_shape=jax.ShapeDtypeStruct((B, 2 * H), jnp.float32),
        scratch_shapes=[
            pltpu.VMEM((T, B, 2 * H), jnp.float32),
            pltpu.VMEM((T, B, 2 * G3), jnp.float32),
        ],
        interpret=interpret,
    )(xs_tm, giw0, bih0c, whh0b, bhh0c, giw1, bih1c, whh1b, bhh1c)


N_NODES = 163840
NSEG = 8192
SCAN = N_NODES // NS
SEG_PER_W = NSEG // NW
BS = 256


def _segmax_body(nodeh_hbm, agg_hbm, seg_hbm, out_hbm,
                 sbuf, pc_local, pcall, cflat, segw, vbuf, idxw, outbuf,
                 spm_pc):
    cidx = lax.axis_index("c")
    sidx = lax.axis_index("s")
    w = sidx * NC + cidx
    iota = lax.iota(jnp.int32, 16)
    zvec = jnp.zeros((16,), jnp.float32)
    ninf = jnp.full((16,), -jnp.inf, jnp.float32)

    def zloop2(i, c):
        for j in range(8):
            outbuf[i, pl.ds(j * 16, 16)] = zvec
        return c
    lax.fori_loop(0, SEG_PER_W, zloop2, 0)

    base_row = sidx * SCAN
    pltpu.sync_copy(seg_hbm.at[pl.ds(base_row, SCAN + 16)], sbuf)

    def search(k, c):
        t = k * (NSEG // NW)
        cnt = jnp.int32(0)
        step = 8192
        while step >= 1:
            idx = cnt + step - 1
            v = sbuf[pl.ds(jnp.minimum(idx, SCAN - 1), 16)][0]
            take = (idx < SCAN) & (v < t)
            cnt = jnp.where(take, cnt + step, cnt)
            step //= 2
        pc_local[pl.ds(k, 16)] = jnp.full((16,), cnt, jnp.int32)
        return c
    lax.fori_loop(0, NW + 1, search, 0)

    pltpu.sync_copy(pc_local, spm_pc.at[sidx])
    plsc.subcore_barrier()
    pltpu.sync_copy(spm_pc, pcall)
    c0 = jnp.zeros((16,), jnp.int32)
    c1 = jnp.zeros((16,), jnp.int32)
    c2 = jnp.zeros((16,), jnp.int32)
    for t2 in range(NS):
        c0 = c0 + pcall[t2, pl.ds(0, 16)]
        c1 = c1 + pcall[t2, pl.ds(16, 16)]
        c2 = c2 + pcall[t2, pl.ds(32, 16)]
    cflat[pl.ds(0, 16)] = c0
    cflat[pl.ds(16, 16)] = c1
    cflat[pl.ds(32, 16)] = c2

    s0 = w * SEG_PER_W
    rbeg = cflat[pl.ds(w, 16)][0]
    rend = cflat[pl.ds(w + 1, 16)][0]

    def block(bi, carry):
        base = bi * BS
        pltpu.sync_copy(seg_hbm.at[pl.ds(base, BS + 16)], segw)
        pltpu.sync_copy(nodeh_hbm.at[pl.ds(base, BS)], vbuf)
        for h in range(2):
            for k in range(8):
                idxw[h, pl.ds(k * 16, 16)] = (base + h * 128 + k * 16) + iota
        for h in range(2):
            pltpu.sync_copy(agg_hbm.at[idxw.at[h]],
                            vbuf.at[pl.ds(h * 128, 128)], add=True)

        def row(r, c2):
            seg_prev = c2[0]
            acc = c2[1:]
            i = r - base
            seg = segw[pl.ds(i, 16)][0]
            off = seg - s0
            same = seg == seg_prev
            new = []
            for j in range(8):
                v = vbuf[i, pl.ds(j * 16, 16)]
                aj = jnp.maximum(jnp.where(same, acc[j], ninf), v)
                outbuf[off, pl.ds(j * 16, 16)] = aj
                new.append(aj)
            return (seg,) + tuple(new)

        lo = jnp.maximum(rbeg, base)
        hi = jnp.minimum(rend, base + BS)
        return lax.fori_loop(lo, hi, row, carry)

    carry0 = (jnp.int32(-1),) + tuple(ninf for _ in range(8))
    lax.fori_loop(rbeg // BS, (rend + BS - 1) // BS, block, carry0)
    pltpu.sync_copy(outbuf, out_hbm.at[pl.ds(s0, SEG_PER_W)])


def _sc_segmax(nodeh, agg, seg_ext):
    mesh = plsc.VectorSubcoreMesh(core_axis_name="c", subcore_axis_name="s")
    f = pl.kernel(
        _segmax_body,
        out_type=jax.ShapeDtypeStruct((NSEG, 128), jnp.float32),
        mesh=mesh,
        scratch_types=[
            pltpu.VMEM((SCAN + 16,), jnp.int32),
            pltpu.VMEM((128,), jnp.int32),
            pltpu.VMEM((NS, 128), jnp.int32),
            pltpu.VMEM((48,), jnp.int32),
            pltpu.VMEM((BS + 16,), jnp.int32),
            pltpu.VMEM((BS, 128), jnp.float32),
            pltpu.VMEM((2, 128), jnp.int32),
            pltpu.VMEM((SEG_PER_W, 128), jnp.float32),
            pltpu.VMEM_SHARED((NS, 128), jnp.int32),
        ],
    )
    return f(nodeh, agg, seg_ext)


def _pack_dir_weights(Wih, bih, Whh, bhh):
    giw = jnp.concatenate([Wih[0], Wih[1]], axis=1)
    bihc = jnp.concatenate([bih[0], bih[1]])
    Din = Whh.shape[1]
    whhb = jnp.zeros((2 * Din, 2 * G3), jnp.float32)
    whhb = whhb.at[:Din, :G3].set(Whh[0]).at[Din:, G3:].set(Whh[1])
    bhhc = jnp.concatenate([bhh[0], bhh[1]])
    return giw, bihc, whhb, bhhc


def kernel(word_table, node_table, Wc, bc, Wih0, Whh0, bih0, bhh0,
           Wih1, Whh1, bih1, bhh1, Wm1, bm1, Wm2, bm2,
           word_ids, node_ids, parent_idx, segment_ids):
    S = 512
    giw0, bih0c, whh0b, bhh0c = _pack_dir_weights(Wih0, bih0, Whh0, bhh0)
    giw1, bih1c, whh1b, bhh1c = _pack_dir_weights(Wih1, bih1, Whh1, bhh1)

    L = word_ids.shape[1]
    wids = jnp.concatenate(
        [word_ids.reshape(-1), jnp.zeros((4096 - word_ids.size,), jnp.int32)])
    word_emb = _sc_gather(word_table, wids)[:word_ids.size]
    word_tm = jnp.swapaxes(word_emb.reshape(B, L, -1), 0, 1)
    word_vec = _bigru_maxpool(word_tm, giw0, bih0c, whh0b, bhh0c,
                              giw1, bih1c, whh1b, bhh1c)

    Wc_b, _ = lax.optimization_barrier((Wc, word_emb))
    proj = _project_table(node_table, Wc_b, bc)
    node_h = _sc_gather(proj, node_ids)
    agg = jnp.zeros_like(node_h).at[parent_idx].add(node_h)
    stmt = jax.ops.segment_max(node_h + agg, segment_ids,
                               num_segments=B * S)
    stmt = jnp.where(jnp.isfinite(stmt), stmt, 0.0)
    stmt_tm = jnp.swapaxes(stmt.reshape(B, S, -1), 0, 1)
    code_vec = _bigru_maxpool(stmt_tm, giw0, bih0c, whh0b, bhh0c,
                              giw1, bih1c, whh1b, bhh1c)

    dot = jnp.sum(word_vec * code_vec, axis=-1, keepdims=True)
    nw = jnp.sqrt(jnp.sum(word_vec ** 2, axis=-1, keepdims=True))
    nc = jnp.sqrt(jnp.sum(code_vec ** 2, axis=-1, keepdims=True))
    cos = dot / (nw * nc + 1e-8)
    diff = word_vec - code_vec
    l2 = jnp.sqrt(jnp.sum(diff ** 2, axis=-1, keepdims=True) + 1e-12)
    l1 = jnp.sum(jnp.abs(diff), axis=-1, keepdims=True)
    feats = jnp.concatenate([cos, dot, l2, l1], axis=-1)
    hid = jax.nn.relu(feats @ Wm1 + bm1)
    score = hid @ Wm2 + bm2
    return score

# --- scband reference (transcript-rebuilt; emitter-appended) ---
"""Pipeline reference for scband-learner-matcher-78838419686004 (READ-ONLY COPY).

The authoritative reference and input builder live on the scoring server;
editing this copy changes nothing except your own understanding.
"""

import jax, jax.numpy as jnp
import numpy as np

B = 16
L = 200
N = 163840
S = 512
VOCAB = 100000
WVOCAB = 100000
D = 128
E = 128
H = 128


def gru_cell(x, h, Wih, Whh, bih, bhh):
    gi = x @ Wih + bih
    gh = h @ Whh + bhh
    ir, iz, inew = jnp.split(gi, 3, axis=-1)
    hr, hz, hnew = jnp.split(gh, 3, axis=-1)
    r = jax.nn.sigmoid(ir + hr)
    z = jax.nn.sigmoid(iz + hz)
    n = jnp.tanh(inew + r * hnew)
    return (1.0 - z) * n + z * h


def gru_dir(xs, Wih, Whh, bih, bhh, reverse):
    Bb = xs.shape[0]
    Hh = Whh.shape[0]
    h0 = jnp.zeros((Bb, Hh), xs.dtype)
    seq = jnp.swapaxes(xs, 0, 1)

    def step(h, x):
        hn = gru_cell(x, h, Wih, Whh, bih, bhh)
        return hn, hn

    _, out = jax.lax.scan(step, h0, seq, reverse=reverse)
    return jnp.swapaxes(out, 0, 1)


def bigru(xs, Wih0, Whh0, bih0, bhh0, Wih1, Whh1, bih1, bhh1):
    f0 = gru_dir(xs, Wih0[0], Whh0[0], bih0[0], bhh0[0], False)
    b0 = gru_dir(xs, Wih0[1], Whh0[1], bih0[1], bhh0[1], True)
    l0 = jnp.concatenate([f0, b0], axis=-1)
    f1 = gru_dir(l0, Wih1[0], Whh1[0], bih1[0], bhh1[0], False)
    b1 = gru_dir(l0, Wih1[1], Whh1[1], bih1[1], bhh1[1], True)
    return jnp.concatenate([f1, b1], axis=-1)


def setup_inputs(seed: int = 0) -> dict:
    key = jax.random.key(seed)
    ks = jax.random.split(key, 16)
    word_ids = jax.random.randint(ks[0], (B, L), 0, WVOCAB)
    node_ids = jax.random.randint(ks[1], (N,), 0, VOCAB)
    parent_idx = jax.random.randint(ks[2], (N,), 0, N)
    segment_ids = jnp.sort(jax.random.randint(ks[3], (N,), 0, B * S))
    word_table = jax.random.normal(ks[4], (WVOCAB, D), dtype=jnp.float32) * 0.02
    node_table = jax.random.normal(ks[5], (VOCAB, D), dtype=jnp.float32) * 0.02
    Wc = jax.random.normal(ks[6], (D, E), dtype=jnp.float32) * 0.05
    bc = jnp.zeros((E,), jnp.float32)
    Wih0 = jax.random.normal(ks[7], (2, E, 3 * H), dtype=jnp.float32) * 0.05
    Whh0 = jax.random.normal(ks[8], (2, H, 3 * H), dtype=jnp.float32) * 0.05
    bih0 = jnp.zeros((2, 3 * H), jnp.float32)
    bhh0 = jnp.zeros((2, 3 * H), jnp.float32)
    Wih1 = jax.random.normal(ks[9], (2, 2 * H, 3 * H), dtype=jnp.float32) * 0.05
    Whh1 = jax.random.normal(ks[10], (2, H, 3 * H), dtype=jnp.float32) * 0.05
    bih1 = jnp.zeros((2, 3 * H), jnp.float32)
    bhh1 = jnp.zeros((2, 3 * H), jnp.float32)
    Wm1 = jax.random.normal(ks[11], (4, H), dtype=jnp.float32) * 0.1
    bm1 = jnp.zeros((H,), jnp.float32)
    Wm2 = jax.random.normal(ks[12], (H, 1), dtype=jnp.float32) * 0.1
    bm2 = jnp.zeros((1,), jnp.float32)
    return {
        'word_table': word_table, 'node_table': node_table, 'Wc': Wc, 'bc': bc,
        'Wih0': Wih0, 'Whh0': Whh0, 'bih0': bih0, 'bhh0': bhh0,
        'Wih1': Wih1, 'Whh1': Whh1, 'bih1': bih1, 'bhh1': bhh1,
        'Wm1': Wm1, 'bm1': bm1, 'Wm2': Wm2, 'bm2': bm2,
        'word_ids': word_ids, 'node_ids': node_ids,
        'parent_idx': parent_idx, 'segment_ids': segment_ids,
    }


def reference(word_table, node_table, Wc, bc, Wih0, Whh0, bih0, bhh0,
              Wih1, Whh1, bih1, bhh1, Wm1, bm1, Wm2, bm2,
              word_ids, node_ids, parent_idx, segment_ids):
    Bq = word_ids.shape[0]
    # report_encode: word embedding gather -> 2-layer biGRU -> max pool over time
    word_emb = word_table[word_ids]
    wout = bigru(word_emb, Wih0, Whh0, bih0, bhh0, Wih1, Whh1, bih1, bhh1)
    word_vec = jnp.max(wout, axis=1)
    # BatchTreeEncoder core: node embedding gather, W_c projection,
    # child->parent scatter-add (tree message passing), per-statement max reduce
    node_emb = node_table[node_ids]
    node_h = node_emb @ Wc + bc
    agg = jnp.zeros_like(node_h).at[parent_idx].add(node_h)
    node_h = node_h + agg
    stmt = jax.ops.segment_max(node_h, segment_ids, num_segments=Bq * S)
    stmt = jnp.where(jnp.isfinite(stmt), stmt, 0.0)
    stmt = stmt.reshape(Bq, S, -1)
    cout = bigru(stmt, Wih0, Whh0, bih0, bhh0, Wih1, Whh1, bih1, bhh1)
    code_vec = jnp.max(cout, axis=1)
    # matcher MLP over 4 similarity features (mlp: Linear(4,H)->ReLU->Linear(H,1))
    dot = jnp.sum(word_vec * code_vec, axis=-1, keepdims=True)
    nw = jnp.sqrt(jnp.sum(word_vec ** 2, axis=-1, keepdims=True))
    nc = jnp.sqrt(jnp.sum(code_vec ** 2, axis=-1, keepdims=True))
    cos = dot / (nw * nc + 1e-8)
    diff = word_vec - code_vec
    l2 = jnp.sqrt(jnp.sum(diff ** 2, axis=-1, keepdims=True) + 1e-12)
    l1 = jnp.sum(jnp.abs(diff), axis=-1, keepdims=True)
    feats = jnp.concatenate([cos, dot, l2, l1], axis=-1)
    hid = jax.nn.relu(feats @ Wm1 + bm1)
    score = hid @ Wm2 + bm2
    return score

if __name__ == "__main__":
    import jax
    _d = setup_inputs()
    print(jax.jit(kernel)(*tuple(_d.values())))

</pallas_src>

<mosaic_0001>
#map = affine_map<(d0, d1) -> (0, 0)>
module attributes {stable_mosaic.version = 14 : i64} {
  func.func @body(%arg0: i32, %arg1: i32, %arg2: memref<100000x128xf32, #tpu.memory_space<hbm>>, %arg3: memref<1280x128xi32, #tpu.memory_space<hbm>>, %arg4: memref<163840x128xf32, #tpu.memory_space<hbm>>, %arg5: memref<40x128xi32, #tpu.memory_space<vmem>>, %arg6: memref<128x128xf32, #tpu.memory_space<vmem>>, %arg7: memref<!tpu.dma_semaphore, #tpu.memory_space<semaphore_mem>>) attributes {dimension_semantics = [#tpu.dimension_semantics<core_parallel>, #tpu.dimension_semantics<subcore_parallel>], iteration_bounds = array<i64: 2, 16>, scalar_prefetch = 0 : i64, scratch_operands = 3 : i64, tpu.core_type = #tpu.core_type<sc_vector_subcore>, window_params = [{transform_indices = #map}, {transform_indices = #map}, {transform_indices = #map}]} {
    %mul3A = arith.constant 2 : i32
    %mul3A_0 = arith.muli %arg1, %mul3A : i32
    %add3A = arith.addi %mul3A_0, %arg0 : i32
    %mul3A_1 = arith.constant 40 : i32
    %mul3A_2 = arith.muli %add3A, %mul3A_1 : i32
    "tpu.region"() ({
      %run_scoped3A = tpu.sem_alloc : memref<!tpu.dma_semaphore, #tpu.memory_space<semaphore_mem>>
      %dma_start3A = arith.constant 0 : i32
      %dma_start3A_8 = tpu.memref_slice %arg3[%mul3A_2, %dma_start3A] : memref<1280x128xi32, #tpu.memory_space<hbm>> -> memref<40x128xi32, #tpu.memory_space<hbm>>
      %dma_start3A_9 = arith.constant 0 : i32
      %dma_start3A_10 = tpu.memref_slice %arg3[%mul3A_2, %dma_start3A_9] : memref<1280x128xi32, #tpu.memory_space<hbm>> -> memref<40x128xi32, #tpu.memory_space<hbm>>
      tpu.enqueue_dma source(%dma_start3A_10 : memref<40x128xi32, #tpu.memory_space<hbm>>) target(%arg5 : memref<40x128xi32, #tpu.memory_space<vmem>>) target_semaphore(%run_scoped3A : memref<!tpu.dma_semaphore, #tpu.memory_space<semaphore_mem>>)
      %dma_wait3A = arith.constant 0 : i32
      %dma_wait3A_11 = tpu.memref_slice %arg3[%mul3A_2, %dma_wait3A] : memref<1280x128xi32, #tpu.memory_space<hbm>> -> memref<40x128xi32, #tpu.memory_space<hbm>>
      %dma_wait3A_12 = arith.constant 0 : i32
      %dma_wait3A_13 = tpu.memref_slice %arg3[%mul3A_2, %dma_wait3A_12] : memref<1280x128xi32, #tpu.memory_space<hbm>> -> memref<40x128xi32, #tpu.memory_space<hbm>>
      tpu.wait_dma2 semaphore(%run_scoped3A : memref<!tpu.dma_semaphore, #tpu.memory_space<semaphore_mem>>) src(%dma_wait3A_13 : memref<40x128xi32, #tpu.memory_space<hbm>>) dst(%arg5 : memref<40x128xi32, #tpu.memory_space<vmem>>)
      tpu.yield
    }) : () -> ()
    %scan3A = arith.constant 0 : i32
    %scan3A_3 = arith.constant 0 : i32
    %scan3A_4 = arith.constant 40 : i32
    %scan3A_5 = arith.addi %scan3A_3, %scan3A_4 : i32
    %scan3A_6 = arith.constant 1 : i32
    scf.for %scan3A_8 = %scan3A_3 to %scan3A_5 step %scan3A_6  : i32 {
      %dma_start3A = arith.constant 0 : i32
      %dma_start3A_9 = tpu.memref_slice %arg5[%scan3A_8, %dma_start3A] : memref<40x128xi32, #tpu.memory_space<vmem>> -> memref<1x128xi32, #tpu.memory_space<vmem>>
      %dma_start3A_10 = tpu.memref_squeeze %dma_start3A_9 : memref<1x128xi32, #tpu.memory_space<vmem>> -> memref<128xi32, #tpu.memory_space<vmem>>
      %dma_start3A_11 = arith.constant 0 : i32
      %dma_start3A_12 = arith.constant 0 : i32
      %dma_start3A_13 = tpu.memref_slice %arg2[%dma_start3A_11, %dma_start3A_12] : memref<100000x128xf32, #tpu.memory_space<hbm>> -> memref<100000x128xf32, #tpu.memory_space<hbm>>
      tpu.enqueue_indirect_dma source(%dma_start3A_13 : memref<100000x128xf32, #tpu.memory_space<hbm>>) target(%arg6 : memref<128x128xf32, #tpu.memory_space<vmem>>) offsets(%dma_start3A_10 : memref<128xi32, #tpu.memory_space<vmem>>) semaphore(%arg7 : memref<!tpu.dma_semaphore, #tpu.memory_space<semaphore_mem>>)
      %dma_wait3A = arith.constant 0 : i32
      %dma_wait3A_14 = tpu.memref_slice %arg5[%scan3A_8, %dma_wait3A] : memref<40x128xi32, #tpu.memory_space<vmem>> -> memref<1x128xi32, #tpu.memory_space<vmem>>
      %dma_wait3A_15 = tpu.memref_squeeze %dma_wait3A_14 : memref<1x128xi32, #tpu.memory_space<vmem>> -> memref<128xi32, #tpu.memory_space<vmem>>
      %dma_wait3A_16 = arith.constant 0 : i32
      %dma_wait3A_17 = arith.constant 0 : i32
      %dma_wait3A_18 = tpu.memref_slice %arg2[%dma_wait3A_16, %dma_wait3A_17] : memref<100000x128xf32, #tpu.memory_space<hbm>> -> memref<100000x128xf32, #tpu.memory_space<hbm>>
      tpu.wait_indirect_dma semaphore(%arg7 : memref<!tpu.dma_semaphore, #tpu.memory_space<semaphore_mem>>) src(%dma_wait3A_18 : memref<100000x128xf32, #tpu.memory_space<hbm>>) dst(%arg6 : memref<128x128xf32, #tpu.memory_space<vmem>>)
      %mul3A_19 = arith.constant 40 : i32
      %mul3A_20 = arith.muli %add3A, %mul3A_19 : i32
      %add3A_21 = arith.addi %mul3A_20, %scan3A_8 : i32
      %mul3A_22 = arith.constant 128 : i32
      %mul3A_23 = arith.muli %add3A_21, %mul3A_22 : i32
      "tpu.region"() ({
        %run_scoped3A = tpu.sem_alloc : memref<!tpu.dma_semaphore, #tpu.memory_space<semaphore_mem>>
        %dma_start3A_24 = arith.constant 0 : i32
        %dma_start3A_25 = tpu.memref_slice %arg4[%mul3A_23, %dma_start3A_24] : memref<163840x128xf32, #tpu.memory_space<hbm>> -> memref<128x128xf32, #tpu.memory_space<hbm>>
        %dma_start3A_26 = arith.constant 0 : i32
        %dma_start3A_27 = tpu.memref_slice %arg4[%mul3A_23, %dma_start3A_26] : memref<163840x128xf32, #tpu.memory_space<hbm>> -> memref<128x128xf32, #tpu.memory_space<hbm>>
        tpu.enqueue_dma source(%arg6 : memref<128x128xf32, #tpu.memory_space<vmem>>) target(%dma_start3A_27 : memref<128x128xf32, #tpu.memory_space<hbm>>) target_semaphore(%run_scoped3A : memref<!tpu.dma_semaphore, #tpu.memory_space<semaphore_mem>>)
        %dma_wait3A_28 = arith.constant 0 : i32
        %dma_wait3A_29 = tpu.memref_slice %arg4[%mul3A_23, %dma_wait3A_28] : memref<163840x128xf32, #tpu.memory_space<hbm>> -> memref<128x128xf32, #tpu.memory_space<hbm>>
        %dma_wait3A_30 = arith.constant 0 : i32
        %dma_wait3A_31 = tpu.memref_slice %arg4[%mul3A_23, %dma_wait3A_30] : memref<163840x128xf32, #tpu.memory_space<hbm>> -> memref<128x128xf32, #tpu.memory_space<hbm>>
        tpu.wait_dma2 semaphore(%run_scoped3A : memref<!tpu.dma_semaphore, #tpu.memory_space<semaphore_mem>>) src(%arg6 : memref<128x128xf32, #tpu.memory_space<vmem>>) dst(%dma_wait3A_31 : memref<128x128xf32, #tpu.memory_space<hbm>>)
        tpu.yield
      }) : () -> ()
    }
    %scan3A_7 = arith.constant 40 : i32
    return
  }
}

#map = affine_map<(d0, d1) -> (0, 0)>
module attributes {stable_mosaic.version = 14 : i64} {
  func.func @body(%arg0: i32, %arg1: i32, %arg2: memref<100000x128xf32, #tpu.memory_space<hbm>>, %arg3: memref<32x128xi32, #tpu.memory_space<hbm>>, %arg4: memref<4096x128xf32, #tpu.memory_space<hbm>>, %arg5: memref<1x128xi32, #tpu.memory_space<vmem>>, %arg6: memref<128x128xf32, #tpu.memory_space<vmem>>, %arg7: memref<!tpu.dma_semaphore, #tpu.memory_space<semaphore_mem>>) attributes {dimension_semantics = [#tpu.dimension_semantics<core_parallel>, #tpu.dimension_semantics<subcore_parallel>], iteration_bounds = array<i64: 2, 16>, scalar_prefetch = 0 : i64, scratch_operands = 3 : i64, tpu.core_type = #tpu.core_type<sc_vector_subcore>, window_params = [{transform_indices = #map}, {transform_indices = #map}, {transform_indices = #map}]} {
    %mul3A = arith.constant 2 : i32
    %mul3A_0 = arith.muli %arg1, %mul3A : i32
    %add3A = arith.addi %mul3A_0, %arg0 : i32
    %mul3A_1 = arith.constant 1 : i32
    %mul3A_2 = arith.muli %add3A, %mul3A_1 : i32
    "tpu.region"() ({
      %run_scoped3A = tpu.sem_alloc : memref<!tpu.dma_semaphore, #tpu.memory_space<semaphore_mem>>
      %dma_start3A_20 = arith.constant 0 : i32
      %dma_start3A_21 = tpu.memref_slice %arg3[%mul3A_2, %dma_start3A_20] : memref<32x128xi32, #tpu.memory_space<hbm>> -> memref<1x128xi32, #tpu.memory_space<hbm>>
      %dma_start3A_22 = arith.constant 0 : i32
      %dma_start3A_23 = tpu.memref_slice %arg3[%mul3A_2, %dma_start3A_22] : memref<32x128xi32, #tpu.memory_space<hbm>> -> memref<1x128xi32, #tpu.memory_space<hbm>>
      tpu.enqueue_dma source(%dma_start3A_23 : memref<1x128xi32, #tpu.memory_space<hbm>>) target(%arg5 : memref<1x128xi32, #tpu.memory_space<vmem>>) target_semaphore(%run_scoped3A : memref<!tpu.dma_semaphore, #tpu.memory_space<semaphore_mem>>)
      %dma_wait3A_24 = arith.constant 0 : i32
      %dma_wait3A_25 = tpu.memref_slice %arg3[%mul3A_2, %dma_wait3A_24] : memref<32x128xi32, #tpu.memory_space<hbm>> -> memref<1x128xi32, #tpu.memory_space<hbm>>
      %dma_wait3A_26 = arith.constant 0 : i32
      %dma_wait3A_27 = tpu.memref_slice %arg3[%mul3A_2, %dma_wait3A_26] : memref<32x128xi32, #tpu.memory_space<hbm>> -> memref<1x128xi32, #tpu.memory_space<hbm>>
      tpu.wait_dma2 semaphore(%run_scoped3A : memref<!tpu.dma_semaphore, #tpu.memory_space<semaphore_mem>>) src(%dma_wait3A_27 : memref<1x128xi32, #tpu.memory_space<hbm>>) dst(%arg5 : memref<1x128xi32, #tpu.memory_space<vmem>>)
      tpu.yield
    }) : () -> ()
    %scan3A = arith.constant 0 : i32
    %scan3A_3 = arith.constant 0 : i32
    %dma_start3A = arith.constant 0 : i32
    %dma_start3A_4 = tpu.memref_slice %arg5[%scan3A_3, %dma_start3A] : memref<1x128xi32, #tpu.memory_space<vmem>> -> memref<1x128xi32, #tpu.memory_space<vmem>>
    %dma_start3A_5 = tpu.memref_squeeze %dma_start3A_4 : memref<1x128xi32, #tpu.memory_space<vmem>> -> memref<128xi32, #tpu.memory_space<vmem>>
    %dma_start3A_6 = arith.constant 0 : i32
    %dma_start3A_7 = arith.constant 0 : i32
    %dma_start3A_8 = tpu.memref_slice %arg2[%dma_start3A_6, %dma_start3A_7] : memref<100000x128xf32, #tpu.memory_space<hbm>> -> memref<100000x128xf32, #tpu.memory_space<hbm>>
    tpu.enqueue_indirect_dma source(%dma_start3A_8 : memref<100000x128xf32, #tpu.memory_space<hbm>>) target(%arg6 : memref<128x128xf32, #tpu.memory_space<vmem>>) offsets(%dma_start3A_5 : memref<128xi32, #tpu.memory_space<vmem>>) semaphore(%arg7 : memref<!tpu.dma_semaphore, #tpu.memory_space<semaphore_mem>>)
    %dma_wait3A = arith.constant 0 : i32
    %dma_wait3A_9 = tpu.memref_slice %arg5[%scan3A_3, %dma_wait3A] : memref<1x128xi32, #tpu.memory_space<vmem>> -> memref<1x128xi32, #tpu.memory_space<vmem>>
    %dma_wait3A_10 = tpu.memref_squeeze %dma_wait3A_9 : memref<1x128xi32, #tpu.memory_space<vmem>> -> memref<128xi32, #tpu.memory_space<vmem>>
    %dma_wait3A_11 = arith.constant 0 : i32
    %dma_wait3A_12 = arith.constant 0 : i32
    %dma_wait3A_13 = tpu.memref_slice %arg2[%dma_wait3A_11, %dma_wait3A_12] : memref<100000x128xf32, #tpu.memory_space<hbm>> -> memref<100000x128xf32, #tpu.memory_space<hbm>>
    tpu.wait_indirect_dma semaphore(%arg7 : memref<!tpu.dma_semaphore, #tpu.memory_space<semaphore_mem>>) src(%dma_wait3A_13 : memref<100000x128xf32, #tpu.memory_space<hbm>>) dst(%arg6 : memref<128x128xf32, #tpu.memory_space<vmem>>)
    %mul3A_14 = arith.constant 1 : i32
    %mul3A_15 = arith.muli %add3A, %mul3A_14 : i32
    %add3A_16 = arith.addi %mul3A_15, %scan3A_3 : i32
    %mul3A_17 = arith.constant 128 : i32
    %mul3A_18 = arith.muli %add3A_16, %mul3A_17 : i32
    "tpu.region"() ({
      %run_scoped3A = tpu.sem_alloc : memref<!tpu.dma_semaphore, #tpu.memory_space<semaphore_mem>>
      %dma_start3A_20 = arith.constant 0 : i32
      %dma_start3A_21 = tpu.memref_slice %arg4[%mul3A_18, %dma_start3A_20] : memref<4096x128xf32, #tpu.memory_space<hbm>> -> memref<128x128xf32, #tpu.memory_space<hbm>>
      %dma_start3A_22 = arith.constant 0 : i32
      %dma_start3A_23 = tpu.memref_slice %arg4[%mul3A_18, %dma_start3A_22] : memref<4096x128xf32, #tpu.memory_space<hbm>> -> memref<128x128xf32, #tpu.memory_space<hbm>>
      tpu.enqueue_dma source(%arg6 : memref<128x128xf32, #tpu.memory_space<vmem>>) target(%dma_start3A_23 : memref<128x128xf32, #tpu.memory_space<hbm>>) target_semaphore(%run_scoped3A : memref<!tpu.dma_semaphore, #tpu.memory_space<semaphore_mem>>)
      %dma_wait3A_24 = arith.constant 0 : i32
      %dma_wait3A_25 = tpu.memref_slice %arg4[%mul3A_18, %dma_wait3A_24] : memref<4096x128xf32, #tpu.memory_space<hbm>> -> memref<128x128xf32, #tpu.memory_space<hbm>>
      %dma_wait3A_26 = arith.constant 0 : i32
      %dma_wait3A_27 = tpu.memref_slice %arg4[%mul3A_18, %dma_wait3A_26] : memref<4096x128xf32, #tpu.memory_space<hbm>> -> memref<128x128xf32, #tpu.memory_space<hbm>>
      tpu.wait_dma2 semaphore(%run_scoped3A : memref<!tpu.dma_semaphore, #tpu.memory_space<semaphore_mem>>) src(%arg6 : memref<128x128xf32, #tpu.memory_space<vmem>>) dst(%dma_wait3A_27 : memref<128x128xf32, #tpu.memory_space<hbm>>)
      tpu.yield
    }) : () -> ()
    %scan3A_19 = arith.constant 1 : i32
    return
  }
}

module attributes {stable_mosaic.version = 14 : i64} {
  func.func @_proj_body(%arg0: i32, %arg1: memref<2000x128xf32, #tpu.memory_space<vmem>>, %arg2: memref<128x128xf32, #tpu.memory_space<vmem>>, %arg3: memref<1x128xf32, #tpu.memory_space<vmem>>, %arg4: memref<2000x128xf32, #tpu.memory_space<vmem>>) attributes {dimension_semantics = [#tpu.dimension_semantics<arbitrary>], iteration_bounds = array<i64: 50>, scalar_prefetch = 0 : i64, scratch_operands = 0 : i64, tpu.core_type = #tpu.core_type<tc>, window_params = [{transform_indices = @transform_0, window_bounds = array<i64: 2000, 128>}, {pipeline_mode = #tpu.pipeline_mode<synchronous>, transform_indices = @transform_1, window_bounds = array<i64: 128, 128>}, {pipeline_mode = #tpu.pipeline_mode<synchronous>, transform_indices = @transform_2, window_bounds = array<i64: 1, 128>}, {transform_indices = @transform_3, window_bounds = array<i64: 2000, 128>}]} {
    %get3A = arith.constant 0 : index
    %get3A_0 = arith.constant 0 : index
    %get3A_1 = vector.load %arg1[%get3A, %get3A_0] : memref<2000x128xf32, #tpu.memory_space<vmem>>, vector<2000x128xf32>
    %get3A_2 = arith.constant 0 : index
    %get3A_3 = arith.constant 0 : index
    %get3A_4 = vector.load %arg2[%get3A_2, %get3A_3] : memref<128x128xf32, #tpu.memory_space<vmem>>, vector<128x128xf32>
    %dot_general3A = arith.constant dense<0.000000e+00> : vector<2000x128xf32>
    %dot_general3A_5 = tpu.matmul %get3A_1, %get3A_4, %dot_general3A {dimension_numbers = #tpu.dot_dimension_numbers<[1], [0], [0], [1], [0, 0, 1, 1], [], []>, transpose_lhs_hint = false} : vector<2000x128xf32>, vector<128x128xf32>, vector<2000x128xf32> -> vector<2000x128xf32>
    %get3A_6 = arith.constant 0 : index
    %get3A_7 = arith.constant 0 : index
    %get3A_8 = vector.load %arg3[%get3A_6, %get3A_7] : memref<1x128xf32, #tpu.memory_space<vmem>>, vector<1x128xf32>
    %add3A = vector.broadcast %get3A_8 : vector<1x128xf32> to vector<2000x128xf32>
    %add3A_9 = arith.addf %dot_general3A_5, %add3A : vector<2000x128xf32>
    %swap3A = arith.constant 0 : index
    %swap3A_10 = arith.constant 0 : index
    %swap3A_11 = vector.load %arg4[%swap3A, %swap3A_10] : memref<2000x128xf32, #tpu.memory_space<vmem>>, vector<2000x128xf32>
    tpu.vector_store %arg4[%swap3A, %swap3A_10], %add3A_9 {strides = array<i32>} : memref<2000x128xf32, #tpu.memory_space<vmem>>, vector<2000x128xf32>,
    return
  }
  func.func @transform_0(%arg0: i32) -> (i32, i32) {
    %c0_i32 = arith.constant 0 : i32
    %c0_i32_0 = arith.constant 0 : i32
    return %arg0, %c0_i32 : i32, i32
  }
  func.func @transform_1(%arg0: i32) -> (i32, i32) {
    %c0_i32 = arith.constant 0 : i32
    %c0_i32_0 = arith.constant 0 : i32
    %c0_i32_1 = arith.constant 0 : i32
    return %c0_i32, %c0_i32_0 : i32, i32
  }
  func.func @transform_2(%arg0: i32) -> (i32, i32) {
    %c0_i32 = arith.constant 0 : i32
    %c0_i32_0 = arith.constant 0 : i32
    %c0_i32_1 = arith.constant 0 : i32
    return %c0_i32, %c0_i32_0 : i32, i32
  }
  func.func @transform_3(%arg0: i32) -> (i32, i32) {
    %c0_i32 = arith.constant 0 : i32
    %c0_i32_0 = arith.constant 0 : i32
    return %arg0, %c0_i32 : i32, i32
  }
}

module attributes {stable_mosaic.version = 14 : i64} {
  func.func @_bigru_max_body(%arg0: memref<200x16x128xf32, #tpu.memory_space<vmem>>, %arg1: memref<128x768xf32, #tpu.memory_space<vmem>>, %arg2: memref<768xf32, #tpu.memory_space<vmem>>, %arg3: memref<256x768xf32, #tpu.memory_space<vmem>>, %arg4: memref<768xf32, #tpu.memory_space<vmem>>, %arg5: memref<256x768xf32, #tpu.memory_space<vmem>>, %arg6: memref<768xf32, #tpu.memory_space<vmem>>, %arg7: memref<256x768xf32, #tpu.memory_space<vmem>>, %arg8: memref<768xf32, #tpu.memory_space<vmem>>, %arg9: memref<16x256xf32, #tpu.memory_space<vmem>>, %arg10: memref<200x16x256xf32, #tpu.memory_space<vmem>>, %arg11: memref<200x16x768xf32, #tpu.memory_space<vmem>>) attributes {dimension_semantics = [], scalar_prefetch = 0 : i64, scratch_operands = 2 : i64, tpu.core_type = #tpu.core_type<tc>} {
    %get3A = arith.constant 0 : index
    %get3A_0 = arith.constant 0 : index
    %get3A_1 = arith.constant 0 : index
    %get3A_2 = vector.load %arg0[%get3A, %get3A_0, %get3A_1] : memref<200x16x128xf32, #tpu.memory_space<vmem>>, vector<200x16x128xf32>
    %reshape3A = vector.shape_cast %get3A_2 : vector<200x16x128xf32> to vector<3200x128xf32>
    %get3A_3 = arith.constant 0 : index
    %get3A_4 = arith.constant 0 : index
    %get3A_5 = vector.load %arg1[%get3A_3, %get3A_4] : memref<128x768xf32, #tpu.memory_space<vmem>>, vector<128x768xf32>
    %dot_general3A = arith.constant dense<0.000000e+00> : vector<3200x768xf32>
    %dot_general3A_6 = tpu.matmul %reshape3A, %get3A_5, %dot_general3A {dimension_numbers = #tpu.dot_dimension_numbers<[1], [0], [0], [1], [0, 0, 1, 1], [], []>, transpose_lhs_hint = false} : vector<3200x128xf32>, vector<128x768xf32>, vector<3200x768xf32> -> vector<3200x768xf32>
    %get3A_7 = arith.constant 0 : index
    %get3A_8 = vector.load %arg2[%get3A_7] : memref<768xf32, #tpu.memory_space<vmem>>, vector<768xf32>
    %broadcast_in_dim3A = vector.shape_cast %get3A_8 : vector<768xf32> to vector<1x768xf32>
    %add3A = vector.broadcast %broadcast_in_dim3A : vector<1x768xf32> to vector<3200x768xf32>
    %add3A_9 = arith.addf %dot_general3A_6, %add3A : vector<3200x768xf32>
    %reshape3A_10 = vector.shape_cast %add3A_9 : vector<3200x768xf32> to vector<200x16x768xf32>
    %swap3A = arith.constant 0 : index
    %swap3A_11 = arith.constant 0 : index
    %swap3A_12 = arith.constant 0 : index
    %swap3A_13 = vector.load %arg11[%swap3A, %swap3A_11, %swap3A_12] : memref<200x16x768xf32, #tpu.memory_space<vmem>>, vector<200x16x768xf32>
    tpu.vector_store %arg11[%swap3A, %swap3A_11, %swap3A_12], %reshape3A_10 {strides = array<i32>} : memref<200x16x768xf32, #tpu.memory_space<vmem>>, vector<200x16x768xf32>,
    %broadcast_in_dim3A_14 = arith.constant 0.000000e+00 : f32
    %broadcast_in_dim3A_15 = vector.broadcast %broadcast_in_dim3A_14 : f32 to vector<16x128xf32>
    %scan3A = arith.constant 0 : i32
    %scan3A_16 = arith.constant 200 : i32
    %scan3A_17 = arith.addi %scan3A, %scan3A_16 : i32
    %scan3A_18 = arith.constant 1 : i32
    %scan3A_19:2 = scf.for %scan3A_52 = %scan3A to %scan3A_17 step %scan3A_18 iter_args(%scan3A_53 = %broadcast_in_dim3A_15, %scan3A_54 = %broadcast_in_dim3A_15) -> (vector<16x128xf32>, vector<16x128xf32>)  : i32 {
      %concatenate3A = tpu.concatenate %scan3A_53, %scan3A_54 in 1 : vector<16x128xf32>, vector<16x128xf32> -> vector<16x256xf32>
      %get3A_55 = arith.constant 0 : index
      %get3A_56 = arith.constant 0 : index
      %get3A_57 = vector.load %arg3[%get3A_55, %get3A_56] : memref<256x768xf32, #tpu.memory_space<vmem>>, vector<256x768xf32>
      %dot_general3A_58 = arith.constant dense<0.000000e+00> : vector<16x768xf32>
      %dot_general3A_59 = tpu.matmul %concatenate3A, %get3A_57, %dot_general3A_58 {dimension_numbers = #tpu.dot_dimension_numbers<[1], [0], [0], [1], [0, 0, 1, 1], [], []>, transpose_lhs_hint = false} : vector<16x256xf32>, vector<256x768xf32>, vector<16x768xf32> -> vector<16x768xf32>
      %get3A_60 = arith.constant 0 : index
      %get3A_61 = vector.load %arg4[%get3A_60] : memref<768xf32, #tpu.memory_space<vmem>>, vector<768xf32>
      %broadcast_in_dim3A_62 = vector.shape_cast %get3A_61 : vector<768xf32> to vector<1x768xf32>
      %add3A_63 = vector.broadcast %broadcast_in_dim3A_62 : vector<1x768xf32> to vector<16x768xf32>
      %add3A_64 = arith.addf %dot_general3A_59, %add3A_63 : vector<16x768xf32>
      %get3A_65 = arith.index_cast %scan3A_52 : i32 to index
      %get3A_66 = arith.constant 0 : index
      %get3A_67 = arith.constant 0 : index
      %get3A_68 = vector.load %arg11[%get3A_65, %get3A_66, %get3A_67] : memref<200x16x768xf32, #tpu.memory_space<vmem>>, vector<1x16x384xf32>
      %get3A_69 = vector.shape_cast %get3A_68 : vector<1x16x384xf32> to vector<16x384xf32>
      %sub3A = arith.constant 199 : i32
      %sub3A_70 = arith.subi %sub3A, %scan3A_52 : i32
      %get3A_71 = arith.index_cast %sub3A_70 : i32 to index
      %get3A_72 = arith.constant 0 : index
      %get3A_73 = arith.constant 384 : index
      %get3A_74 = vector.load %arg11[%get3A_71, %get3A_72, %get3A_73] : memref<200x16x768xf32, #tpu.memory_space<vmem>>, vector<1x16x384xf32>
      %get3A_75 = vector.shape_cast %get3A_74 : vector<1x16x384xf32> to vector<16x384xf32>
      %slice3A = vector.extract_strided_slice %add3A_64 {offsets = [0, 0], sizes = [16, 384], strides = [1, 1]} : vector<16x768xf32> to vector<16x384xf32>
      %slice3A_76 = vector.extract_strided_slice %get3A_69 {offsets = [0, 0], sizes = [16, 128], strides = [1, 1]} : vector<16x384xf32> to vector<16x128xf32>
      %slice3A_77 = vector.extract_strided_slice %get3A_69 {offsets = [0, 128], sizes = [16, 128], strides = [1, 1]} : vector<16x384xf32> to vector<16x128xf32>
      %slice3A_78 = vector.extract_strided_slice %get3A_69 {offsets = [0, 256], sizes = [16, 128], strides = [1, 1]} : vector<16x384xf32> to vector<16x128xf32>
      %slice3A_79 = vector.extract_strided_slice %slice3A {offsets = [0, 0], sizes = [16, 128], strides = [1, 1]} : vector<16x384xf32> to vector<16x128xf32>
      %slice3A_80 = vector.extract_strided_slice %slice3A {offsets = [0, 128], sizes = [16, 128], strides = [1, 1]} : vector<16x384xf32> to vector<16x128xf32>
      %slice3A_81 = vector.extract_strided_slice %slice3A {offsets = [0, 256], sizes = [16, 128], strides = [1, 1]} : vector<16x384xf32> to vector<16x128xf32>
      %add3A_82 = arith.addf %slice3A_76, %slice3A_79 : vector<16x128xf32>
      %logistic3A = arith.negf %add3A_82 : vector<16x128xf32>
      %logistic3A_83 = math.exp %logistic3A : vector<16x128xf32>
      %logistic3A_84 = arith.constant 1.000000e+00 : f32
      %logistic3A_85 = vector.broadcast %logistic3A_84 : f32 to vector<16x128xf32>
      %logistic3A_86 = arith.addf %logistic3A_85, %logistic3A_83 : vector<16x128xf32>
      %logistic3A_87 = arith.divf %logistic3A_85, %logistic3A_86 : vector<16x128xf32>
      %add3A_88 = arith.addf %slice3A_77, %slice3A_80 : vector<16x128xf32>
      %logistic3A_89 = arith.negf %add3A_88 : vector<16x128xf32>
      %logistic3A_90 = math.exp %logistic3A_89 : vector<16x128xf32>
      %logistic3A_91 = arith.constant 1.000000e+00 : f32
      %logistic3A_92 = vector.broadcast %logistic3A_91 : f32 to vector<16x128xf32>
      %logistic3A_93 = arith.addf %logistic3A_92, %logistic3A_90 : vector<16x128xf32>
      %logistic3A_94 = arith.divf %logistic3A_92, %logistic3A_93 : vector<16x128xf32>
      %mul3A = arith.mulf %logistic3A_87, %slice3A_81 : vector<16x128xf32>
      %add3A_95 = arith.addf %slice3A_78, %mul3A : vector<16x128xf32>
      %tanh3A = math.tanh %add3A_95 : vector<16x128xf32>
      %sub3A_96 = arith.constant 1.000000e+00 : f32
      %sub3A_97 = vector.broadcast %sub3A_96 : f32 to vector<16x128xf32>
      %sub3A_98 = arith.subf %sub3A_97, %logistic3A_94 : vector<16x128xf32>
      %mul3A_99 = arith.mulf %sub3A_98, %tanh3A : vector<16x128xf32>
      %mul3A_100 = arith.mulf %logistic3A_94, %scan3A_53 : vector<16x128xf32>
      %add3A_101 = arith.addf %mul3A_99, %mul3A_100 : vector<16x128xf32>
      %slice3A_102 = vector.extract_strided_slice %add3A_64 {offsets = [0, 384], sizes = [16, 384], strides = [1, 1]} : vector<16x768xf32> to vector<16x384xf32>
      %slice3A_103 = vector.extract_strided_slice %get3A_75 {offsets = [0, 0], sizes = [16, 128], strides = [1, 1]} : vector<16x384xf32> to vector<16x128xf32>
      %slice3A_104 = vector.extract_strided_slice %get3A_75 {offsets = [0, 128], sizes = [16, 128], strides = [1, 1]} : vector<16x384xf32> to vector<16x128xf32>
      %slice3A_105 = vector.extract_strided_slice %get3A_75 {offsets = [0, 256], sizes = [16, 128], strides = [1, 1]} : vector<16x384xf32> to vector<16x128xf32>
      %slice3A_106 = vector.extract_strided_slice %slice3A_102 {offsets = [0, 0], sizes = [16, 128], strides = [1, 1]} : vector<16x384xf32> to vector<16x128xf32>
      %slice3A_107 = vector.extract_strided_slice %slice3A_102 {offsets = [0, 128], sizes = [16, 128], strides = [1, 1]} : vector<16x384xf32> to vector<16x128xf32>
      %slice3A_108 = vector.extract_strided_slice %slice3A_102 {offsets = [0, 256], sizes = [16, 128], strides = [1, 1]} : vector<16x384xf32> to vector<16x128xf32>
      %add3A_109 = arith.addf %slice3A_103, %slice3A_106 : vector<16x128xf32>
      %logistic3A_110 = arith.negf %add3A_109 : vector<16x128xf32>
      %logistic3A_111 = math.exp %logistic3A_110 : vector<16x128xf32>
      %logistic3A_112 = arith.constant 1.000000e+00 : f32
      %logistic3A_113 = vector.broadcast %logistic3A_112 : f32 to vector<16x128xf32>
      %logistic3A_114 = arith.addf %logistic3A_113, %logistic3A_111 : vector<16x128xf32>
      %logistic3A_115 = arith.divf %logistic3A_113, %logistic3A_114 : vector<16x128xf32>
      %add3A_116 = arith.addf %slice3A_104, %slice3A_107 : vector<16x128xf32>
      %logistic3A_117 = arith.negf %add3A_116 : vector<16x128xf32>
      %logistic3A_118 = math.exp %logistic3A_117 : vector<16x128xf32>
      %logistic3A_119 = arith.constant 1.000000e+00 : f32
      %logistic3A_120 = vector.broadcast %logistic3A_119 : f32 to vector<16x128xf32>
      %logistic3A_121 = arith.addf %logistic3A_120, %logistic3A_118 : vector<16x128xf32>
      %logistic3A_122 = arith.divf %logistic3A_120, %logistic3A_121 : vector<16x128xf32>
      %mul3A_123 = arith.mulf %logistic3A_115, %slice3A_108 : vector<16x128xf32>
      %add3A_124 = arith.addf %slice3A_105, %mul3A_123 : vector<16x128xf32>
      %tanh3A_125 = math.tanh %add3A_124 : vector<16x128xf32>
      %sub3A_126 = arith.constant 1.000000e+00 : f32
      %sub3A_127 = vector.broadcast %sub3A_126 : f32 to vector<16x128xf32>
      %sub3A_128 = arith.subf %sub3A_127, %logistic3A_122 : vector<16x128xf32>
      %mul3A_129 = arith.mulf %sub3A_128, %tanh3A_125 : vector<16x128xf32>
      %mul3A_130 = arith.mulf %logistic3A_122, %scan3A_54 : vector<16x128xf32>
      %add3A_131 = arith.addf %mul3A_129, %mul3A_130 : vector<16x128xf32>
      %swap3A_132 = arith.index_cast %scan3A_52 : i32 to index
      %swap3A_133 = arith.constant 0 : index
      %swap3A_134 = arith.constant 0 : index
      %swap3A_135 = vector.load %arg10[%swap3A_132, %swap3A_133, %swap3A_134] : memref<200x16x256xf32, #tpu.memory_space<vmem>>, vector<1x16x128xf32>
      %swap3A_136 = vector.shape_cast %swap3A_135 : vector<1x16x128xf32> to vector<16x128xf32>
      %swap3A_137 = vector.shape_cast %add3A_101 : vector<16x128xf32> to vector<1x16x128xf32>
      tpu.vector_store %arg10[%swap3A_132, %swap3A_133, %swap3A_134], %swap3A_137 {strides = array<i32>} : memref<200x16x256xf32, #tpu.memory_space<vmem>>, vector<1x16x128xf32>,
      %sub3A_138 = arith.constant 199 : i32
      %sub3A_139 = arith.subi %sub3A_138, %scan3A_52 : i32
      %swap3A_140 = arith.index_cast %sub3A_139 : i32 to index
      %swap3A_141 = arith.constant 0 : index
      %swap3A_142 = arith.constant 128 : index
      %swap3A_143 = vector.load %arg10[%swap3A_140, %swap3A_141, %swap3A_142] : memref<200x16x256xf32, #tpu.memory_space<vmem>>, vector<1x16x128xf32>
      %swap3A_144 = vector.shape_cast %swap3A_143 : vector<1x16x128xf32> to vector<16x128xf32>
      %swap3A_145 = vector.shape_cast %add3A_131 : vector<16x128xf32> to vector<1x16x128xf32>
      tpu.vector_store %arg10[%swap3A_140, %swap3A_141, %swap3A_142], %swap3A_145 {strides = array<i32>} : memref<200x16x256xf32, #tpu.memory_space<vmem>>, vector<1x16x128xf32>,
      scf.yield %add3A_101, %add3A_131 : vector<16x128xf32>, vector<16x128xf32>
    }
    %scan3A_20 = arith.constant 200 : i32
    %get3A_21 = arith.constant 0 : index
    %get3A_22 = arith.constant 0 : index
    %get3A_23 = arith.constant 0 : index
    %get3A_24 = vector.load %arg10[%get3A_21, %get3A_22, %get3A_23] : memref<200x16x256xf32, #tpu.memory_space<vmem>>, vector<200x16x256xf32>
    %reshape3A_25 = vector.shape_cast %get3A_24 : vector<200x16x256xf32> to vector<3200x256xf32>
    %get3A_26 = arith.constant 0 : index
    %get3A_27 = arith.constant 0 : index
    %get3A_28 = vector.load %arg5[%get3A_26, %get3A_27] : memref<256x768xf32, #tpu.memory_space<vmem>>, vector<256x768xf32>
    %dot_general3A_29 = arith.constant dense<0.000000e+00> : vector<3200x768xf32>
    %dot_general3A_30 = tpu.matmul %reshape3A_25, %get3A_28, %dot_general3A_29 {dimension_numbers = #tpu.dot_dimension_numbers<[1], [0], [0], [1], [0, 0, 1, 1], [], []>, transpose_lhs_hint = false} : vector<3200x256xf32>, vector<256x768xf32>, vector<3200x768xf32> -> vector<3200x768xf32>
    %get3A_31 = arith.constant 0 : index
    %get3A_32 = vector.load %arg6[%get3A_31] : memref<768xf32, #tpu.memory_space<vmem>>, vector<768xf32>
    %broadcast_in_dim3A_33 = vector.shape_cast %get3A_32 : vector<768xf32> to vector<1x768xf32>
    %add3A_34 = vector.broadcast %broadcast_in_dim3A_33 : vector<1x768xf32> to vector<3200x768xf32>
    %add3A_35 = arith.addf %dot_general3A_30, %add3A_34 : vector<3200x768xf32>
    %reshape3A_36 = vector.shape_cast %add3A_35 : vector<3200x768xf32> to vector<200x16x768xf32>
    %swap3A_37 = arith.constant 0 : index
    %swap3A_38 = arith.constant 0 : index
    %swap3A_39 = arith.constant 0 : index
    %swap3A_40 = vector.load %arg11[%swap3A_37, %swap3A_38, %swap3A_39] : memref<200x16x768xf32, #tpu.memory_space<vmem>>, vector<200x16x768xf32>
    tpu.vector_store %arg11[%swap3A_37, %swap3A_38, %swap3A_39], %reshape3A_36 {strides = array<i32>} : memref<200x16x768xf32, #tpu.memory_space<vmem>>, vector<200x16x768xf32>,
    %broadcast_in_dim3A_41 = arith.constant 0xFF800000 : f32
    %broadcast_in_dim3A_42 = vector.broadcast %broadcast_in_dim3A_41 : f32 to vector<16x256xf32>
    %scan3A_43 = arith.constant 0 : i32
    %scan3A_44 = arith.constant 200 : i32
    %scan3A_45 = arith.addi %scan3A_43, %scan3A_44 : i32
    %scan3A_46 = arith.constant 1 : i32
    %scan3A_47:3 = scf.for %scan3A_52 = %scan3A_43 to %scan3A_45 step %scan3A_46 iter_args(%scan3A_53 = %broadcast_in_dim3A_15, %scan3A_54 = %broadcast_in_dim3A_15, %scan3A_55 = %broadcast_in_dim3A_42) -> (vector<16x128xf32>, vector<16x128xf32>, vector<16x256xf32>)  : i32 {
      %concatenate3A = tpu.concatenate %scan3A_53, %scan3A_54 in 1 : vector<16x128xf32>, vector<16x128xf32> -> vector<16x256xf32>
      %get3A_56 = arith.constant 0 : index
      %get3A_57 = arith.constant 0 : index
      %get3A_58 = vector.load %arg7[%get3A_56, %get3A_57] : memref<256x768xf32, #tpu.memory_space<vmem>>, vector<256x768xf32>
      %dot_general3A_59 = arith.constant dense<0.000000e+00> : vector<16x768xf32>
      %dot_general3A_60 = tpu.matmul %concatenate3A, %get3A_58, %dot_general3A_59 {dimension_numbers = #tpu.dot_dimension_numbers<[1], [0], [0], [1], [0, 0, 1, 1], [], []>, transpose_lhs_hint = false} : vector<16x256xf32>, vector<256x768xf32>, vector<16x768xf32> -> vector<16x768xf32>
      %get3A_61 = arith.constant 0 : index
      %get3A_62 = vector.load %arg8[%get3A_61] : memref<768xf32, #tpu.memory_space<vmem>>, vector<768xf32>
      %broadcast_in_dim3A_63 = vector.shape_cast %get3A_62 : vector<768xf32> to vector<1x768xf32>
      %add3A_64 = vector.broadcast %broadcast_in_dim3A_63 : vector<1x768xf32> to vector<16x768xf32>
      %add3A_65 = arith.addf %dot_general3A_60, %add3A_64 : vector<16x768xf32>
      %get3A_66 = arith.index_cast %scan3A_52 : i32 to index
      %get3A_67 = arith.constant 0 : index
      %get3A_68 = arith.constant 0 : index
      %get3A_69 = vector.load %arg11[%get3A_66, %get3A_67, %get3A_68] : memref<200x16x768xf32, #tpu.memory_space<vmem>>, vector<1x16x384xf32>
      %get3A_70 = vector.shape_cast %get3A_69 : vector<1x16x384xf32> to vector<16x384xf32>
      %sub3A = arith.constant 199 : i32
      %sub3A_71 = arith.subi %sub3A, %scan3A_52 : i32
      %get3A_72 = arith.index_cast %sub3A_71 : i32 to index
      %get3A_73 = arith.constant 0 : index
      %get3A_74 = arith.constant 384 : index
      %get3A_75 = vector.load %arg11[%get3A_72, %get3A_73, %get3A_74] : memref<200x16x768xf32, #tpu.memory_space<vmem>>, vector<1x16x384xf32>
      %get3A_76 = vector.shape_cast %get3A_75 : vector<1x16x384xf32> to vector<16x384xf32>
      %slice3A = vector.extract_strided_slice %add3A_65 {offsets = [0, 0], sizes = [16, 384], strides = [1, 1]} : vector<16x768xf32> to vector<16x384xf32>
      %slice3A_77 = vector.extract_strided_slice %get3A_70 {offsets = [0, 0], sizes = [16, 128], strides = [1, 1]} : vector<16x384xf32> to vector<16x128xf32>
      %slice3A_78 = vector.extract_strided_slice %get3A_70 {offsets = [0, 128], sizes = [16, 128], strides = [1, 1]} : vector<16x384xf32> to vector<16x128xf32>
      %slice3A_79 = vector.extract_strided_slice %get3A_70 {offsets = [0, 256], sizes = [16, 128], strides = [1, 1]} : vector<16x384xf32> to vector<16x128xf32>
      %slice3A_80 = vector.extract_strided_slice %slice3A {offsets = [0, 0], sizes = [16, 128], strides = [1, 1]} : vector<16x384xf32> to vector<16x128xf32>
      %slice3A_81 = vector.extract_strided_slice %slice3A {offsets = [0, 128], sizes = [16, 128], strides = [1, 1]} : vector<16x384xf32> to vector<16x128xf32>
      %slice3A_82 = vector.extract_strided_slice %slice3A {offsets = [0, 256], sizes = [16, 128], strides = [1, 1]} : vector<16x384xf32> to vector<16x128xf32>
      %add3A_83 = arith.addf %slice3A_77, %slice3A_80 : vector<16x128xf32>
      %logistic3A = arith.negf %add3A_83 : vector<16x128xf32>
      %logistic3A_84 = math.exp %logistic3A : vector<16x128xf32>
      %logistic3A_85 = arith.constant 1.000000e+00 : f32
      %logistic3A_86 = vector.broadcast %logistic3A_85 : f32 to vector<16x128xf32>
      %logistic3A_87 = arith.addf %logistic3A_86, %logistic3A_84 : vector<16x128xf32>
      %logistic3A_88 = arith.divf %logistic3A_86, %logistic3A_87 : vector<16x128xf32>
      %add3A_89 = arith.addf %slice3A_78, %slice3A_81 : vector<16x128xf32>
      %logistic3A_90 = arith.negf %add3A_89 : vector<16x128xf32>
      %logistic3A_91 = math.exp %logistic3A_90 : vector<16x128xf32>
      %logistic3A_92 = arith.constant 1.000000e+00 : f32
      %logistic3A_93 = vector.broadcast %logistic3A_92 : f32 to vector<16x128xf32>
      %logistic3A_94 = arith.addf %logistic3A_93, %logistic3A_91 : vector<16x128xf32>
      %logistic3A_95 = arith.divf %logistic3A_93, %logistic3A_94 : vector<16x128xf32>
      %mul3A = arith.mulf %logistic3A_88, %slice3A_82 : vector<16x128xf32>
      %add3A_96 = arith.addf %slice3A_79, %mul3A : vector<16x128xf32>
      %tanh3A = math.tanh %add3A_96 : vector<16x128xf32>
      %sub3A_97 = arith.constant 1.000000e+00 : f32
      %sub3A_98 = vector.broadcast %sub3A_97 : f32 to vector<16x128xf32>
      %sub3A_99 = arith.subf %sub3A_98, %logistic3A_95 : vector<16x128xf32>
      %mul3A_100 = arith.mulf %sub3A_99, %tanh3A : vector<16x128xf32>
      %mul3A_101 = arith.mulf %logistic3A_95, %scan3A_53 : vector<16x128xf32>
      %add3A_102 = arith.addf %mul3A_100, %mul3A_101 : vector<16x128xf32>
      %slice3A_103 = vector.extract_strided_slice %add3A_65 {offsets = [0, 384], sizes = [16, 384], strides = [1, 1]} : vector<16x768xf32> to vector<16x384xf32>
      %slice3A_104 = vector.extract_strided_slice %get3A_76 {offsets = [0, 0], sizes = [16, 128], strides = [1, 1]} : vector<16x384xf32> to vector<16x128xf32>
      %slice3A_105 = vector.extract_strided_slice %get3A_76 {offsets = [0, 128], sizes = [16, 128], strides = [1, 1]} : vector<16x384xf32> to vector<16x128xf32>
      %slice3A_106 = vector.extract_strided_slice %get3A_76 {offsets = [0, 256], sizes = [16, 128], strides = [1, 1]} : vector<16x384xf32> to vector<16x128xf32>
      %slice3A_107 = vector.extract_strided_slice %slice3A_103 {offsets = [0, 0], sizes = [16, 128], strides = [1, 1]} : vector<16x384xf32> to vector<16x128xf32>
      %slice3A_108 = vector.extract_strided_slice %slice3A_103 {offsets = [0, 128], sizes = [16, 128], strides = [1, 1]} : vector<16x384xf32> to vector<16x128xf32>
      %slice3A_109 = vector.extract_strided_slice %slice3A_103 {offsets = [0, 256], sizes = [16, 128], strides = [1, 1]} : vector<16x384xf32> to vector<16x128xf32>
      %add3A_110 = arith.addf %slice3A_104, %slice3A_107 : vector<16x128xf32>
      %logistic3A_111 = arith.negf %add3A_110 : vector<16x128xf32>
      %logistic3A_112 = math.exp %logistic3A_111 : vector<16x128xf32>
      %logistic3A_113 = arith.constant 1.000000e+00 : f32
      %logistic3A_114 = vector.broadcast %logistic3A_113 : f32 to vector<16x128xf32>
      %logistic3A_115 = arith.addf %logistic3A_114, %logistic3A_112 : vector<16x128xf32>
      %logistic3A_116 = arith.divf %logistic3A_114, %logistic3A_115 : vector<16x128xf32>
      %add3A_117 = arith.addf %slice3A_105, %slice3A_108 : vector<16x128xf32>
      %logistic3A_118 = arith.negf %add3A_117 : vector<16x128xf32>
      %logistic3A_119 = math.exp %logistic3A_118 : vector<16x128xf32>
      %logistic3A_120 = arith.constant 1.000000e+00 : f32
      %logistic3A_121 = vector.broadcast %logistic3A_120 : f32 to vector<16x128xf32>
      %logistic3A_122 = arith.addf %logistic3A_121, %logistic3A_119 : vector<16x128xf32>
      %logistic3A_123 = arith.divf %logistic3A_121, %logistic3A_122 : vector<16x128xf32>
      %mul3A_124 = arith.mulf %logistic3A_116, %slice3A_109 : vector<16x128xf32>
      %add3A_125 = arith.addf %slice3A_106, %mul3A_124 : vector<16x128xf32>
      %tanh3A_126 = math.tanh %add3A_125 : vector<16x128xf32>
      %sub3A_127 = arith.constant 1.000000e+00 : f32
      %sub3A_128 = vector.broadcast %sub3A_127 : f32 to vector<16x128xf32>
      %sub3A_129 = arith.subf %sub3A_128, %logistic3A_123 : vector<16x128xf32>
      %mul3A_130 = arith.mulf %sub3A_129, %tanh3A_126 : vector<16x128xf32>
      %mul3A_131 = arith.mulf %logistic3A_123, %scan3A_54 : vector<16x128xf32>
      %add3A_132 = arith.addf %mul3A_130, %mul3A_131 : vector<16x128xf32>
      %concatenate3A_133 = tpu.concatenate %add3A_102, %add3A_132 in 1 : vector<16x128xf32>, vector<16x128xf32> -> vector<16x256xf32>
      %max3A = arith.maximumf %scan3A_55, %concatenate3A_133 : vector<16x256xf32>
      scf.yield %add3A_102, %add3A_132, %max3A : vector<16x128xf32>, vector<16x128xf32>, vector<16x256xf32>
    }
    %scan3A_48 = arith.constant 200 : i32
    %swap3A_49 = arith.constant 0 : index
    %swap3A_50 = arith.constant 0 : index
    %swap3A_51 = vector.load %arg9[%swap3A_49, %swap3A_50] : memref<16x256xf32, #tpu.memory_space<vmem>>, vector<16x256xf32>
    tpu.vector_store %arg9[%swap3A_49, %swap3A_50], %scan3A_47#2 {strides = array<i32>} : memref<16x256xf32, #tpu.memory_space<vmem>>, vector<16x256xf32>,
    return
  }
}

module attributes {stable_mosaic.version = 14 : i64} {
  func.func @_bigru_max_body(%arg0: memref<512x16x128xf32, #tpu.memory_space<vmem>>, %arg1: memref<128x768xf32, #tpu.memory_space<vmem>>, %arg2: memref<768xf32, #tpu.memory_space<vmem>>, %arg3: memref<256x768xf32, #tpu.memory_space<vmem>>, %arg4: memref<768xf32, #tpu.memory_space<vmem>>, %arg5: memref<256x768xf32, #tpu.memory_space<vmem>>, %arg6: memref<768xf32, #tpu.memory_space<vmem>>, %arg7: memref<256x768xf32, #tpu.memory_space<vmem>>, %arg8: memref<768xf32, #tpu.memory_space<vmem>>, %arg9: memref<16x256xf32, #tpu.memory_space<vmem>>, %arg10: memref<512x16x256xf32, #tpu.memory_space<vmem>>, %arg11: memref<512x16x768xf32, #tpu.memory_space<vmem>>) attributes {dimension_semantics = [], scalar_prefetch = 0 : i64, scratch_operands = 2 : i64, tpu.core_type = #tpu.core_type<tc>} {
    %get3A = arith.constant 0 : index
    %get3A_0 = arith.constant 0 : index
    %get3A_1 = arith.constant 0 : index
    %get3A_2 = vector.load %arg0[%get3A, %get3A_0, %get3A_1] : memref<512x16x128xf32, #tpu.memory_space<vmem>>, vector<512x16x128xf32>
    %reshape3A = vector.shape_cast %get3A_2 : vector<512x16x128xf32> to vector<8192x128xf32>
    %get3A_3 = arith.constant 0 : index
    %get3A_4 = arith.constant 0 : index
    %get3A_5 = vector.load %arg1[%get3A_3, %get3A_4] : memref<128x768xf32, #tpu.memory_space<vmem>>, vector<128x768xf32>
    %dot_general3A = arith.constant dense<0.000000e+00> : vector<8192x768xf32>
    %dot_general3A_6 = tpu.matmul %reshape3A, %get3A_5, %dot_general3A {dimension_numbers = #tpu.dot_dimension_numbers<[1], [0], [0], [1], [0, 0, 1, 1], [], []>, transpose_lhs_hint = false} : vector<8192x128xf32>, vector<128x768xf32>, vector<8192x768xf32> -> vector<8192x768xf32>
    %get3A_7 = arith.constant 0 : index
    %get3A_8 = vector.load %arg2[%get3A_7] : memref<768xf32, #tpu.memory_space<vmem>>, vector<768xf32>
    %broadcast_in_dim3A = vector.shape_cast %get3A_8 : vector<768xf32> to vector<1x768xf32>
    %add3A = vector.broadcast %broadcast_in_dim3A : vector<1x768xf32> to vector<8192x768xf32>
    %add3A_9 = arith.addf %dot_general3A_6, %add3A : vector<8192x768xf32>
    %reshape3A_10 = vector.shape_cast %add3A_9 : vector<8192x768xf32> to vector<512x16x768xf32>
    %swap3A = arith.constant 0 : index
    %swap3A_11 = arith.constant 0 : index
    %swap3A_12 = arith.constant 0 : index
    %swap3A_13 = vector.load %arg11[%swap3A, %swap3A_11, %swap3A_12] : memref<512x16x768xf32, #tpu.memory_space<vmem>>, vector<512x16x768xf32>
    tpu.vector_store %arg11[%swap3A, %swap3A_11, %swap3A_12], %reshape3A_10 {strides = array<i32>} : memref<512x16x768xf32, #tpu.memory_space<vmem>>, vector<512x16x768xf32>,
    %broadcast_in_dim3A_14 = arith.constant 0.000000e+00 : f32
    %broadcast_in_dim3A_15 = vector.broadcast %broadcast_in_dim3A_14 : f32 to vector<16x128xf32>
    %scan3A = arith.constant 0 : i32
    %scan3A_16 = arith.constant 512 : i32
    %scan3A_17 = arith.addi %scan3A, %scan3A_16 : i32
    %scan3A_18 = arith.constant 1 : i32
    %scan3A_19:2 = scf.for %scan3A_52 = %scan3A to %scan3A_17 step %scan3A_18 iter_args(%scan3A_53 = %broadcast_in_dim3A_15, %scan3A_54 = %broadcast_in_dim3A_15) -> (vector<16x128xf32>, vector<16x128xf32>)  : i32 {
      %concatenate3A = tpu.concatenate %scan3A_53, %scan3A_54 in 1 : vector<16x128xf32>, vector<16x128xf32> -> vector<16x256xf32>
      %get3A_55 = arith.constant 0 : index
      %get3A_56 = arith.constant 0 : index
      %get3A_57 = vector.load %arg3[%get3A_55, %get3A_56] : memref<256x768xf32, #tpu.memory_space<vmem>>, vector<256x768xf32>
      %dot_general3A_58 = arith.constant dense<0.000000e+00> : vector<16x768xf32>
      %dot_general3A_59 = tpu.matmul %concatenate3A, %get3A_57, %dot_general3A_58 {dimension_numbers = #tpu.dot_dimension_numbers<[1], [0], [0], [1], [0, 0, 1, 1], [], []>, transpose_lhs_hint = false} : vector<16x256xf32>, vector<256x768xf32>, vector<16x768xf32> -> vector<16x768xf32>
      %get3A_60 = arith.constant 0 : index
      %get3A_61 = vector.load %arg4[%get3A_60] : memref<768xf32, #tpu.memory_space<vmem>>, vector<768xf32>
      %broadcast_in_dim3A_62 = vector.shape_cast %get3A_61 : vector<768xf32> to vector<1x768xf32>
      %add3A_63 = vector.broadcast %broadcast_in_dim3A_62 : vector<1x768xf32> to vector<16x768xf32>
      %add3A_64 = arith.addf %dot_general3A_59, %add3A_63 : vector<16x768xf32>
      %get3A_65 = arith.index_cast %scan3A_52 : i32 to index
      %get3A_66 = arith.constant 0 : index
      %get3A_67 = arith.constant 0 : index
      %get3A_68 = vector.load %arg11[%get3A_65, %get3A_66, %get3A_67] : memref<512x16x768xf32, #tpu.memory_space<vmem>>, vector<1x16x384xf32>
      %get3A_69 = vector.shape_cast %get3A_68 : vector<1x16x384xf32> to vector<16x384xf32>
      %sub3A = arith.constant 511 : i32
      %sub3A_70 = arith.subi %sub3A, %scan3A_52 : i32
      %get3A_71 = arith.index_cast %sub3A_70 : i32 to index
      %get3A_72 = arith.constant 0 : index
      %get3A_73 = arith.constant 384 : index
      %get3A_74 = vector.load %arg11[%get3A_71, %get3A_72, %get3A_73] : memref<512x16x768xf32, #tpu.memory_space<vmem>>, vector<1x16x384xf32>
      %get3A_75 = vector.shape_cast %get3A_74 : vector<1x16x384xf32> to vector<16x384xf32>
      %slice3A = vector.extract_strided_slice %add3A_64 {offsets = [0, 0], sizes = [16, 384], strides = [1, 1]} : vector<16x768xf32> to vector<16x384xf32>
      %slice3A_76 = vector.extract_strided_slice %get3A_69 {offsets = [0, 0], sizes = [16, 128], strides = [1, 1]} : vector<16x384xf32> to vector<16x128xf32>
      %slice3A_77 = vector.extract_strided_slice %get3A_69 {offsets = [0, 128], sizes = [16, 128], strides = [1, 1]} : vector<16x384xf32> to vector<16x128xf32>
      %slice3A_78 = vector.extract_strided_slice %get3A_69 {offsets = [0, 256], sizes = [16, 128], strides = [1, 1]} : vector<16x384xf32> to vector<16x128xf32>
      %slice3A_79 = vector.extract_strided_slice %slice3A {offsets = [0, 0], sizes = [16, 128], strides = [1, 1]} : vector<16x384xf32> to vector<16x128xf32>
      %slice3A_80 = vector.extract_strided_slice %slice3A {offsets = [0, 128], sizes = [16, 128], strides = [1, 1]} : vector<16x384xf32> to vector<16x128xf32>
      %slice3A_81 = vector.extract_strided_slice %slice3A {offsets = [0, 256], sizes = [16, 128], strides = [1, 1]} : vector<16x384xf32> to vector<16x128xf32>
      %add3A_82 = arith.addf %slice3A_76, %slice3A_79 : vector<16x128xf32>
      %logistic3A = arith.negf %add3A_82 : vector<16x128xf32>
      %logistic3A_83 = math.exp %logistic3A : vector<16x128xf32>
      %logistic3A_84 = arith.constant 1.000000e+00 : f32
      %logistic3A_85 = vector.broadcast %logistic3A_84 : f32 to vector<16x128xf32>
      %logistic3A_86 = arith.addf %logistic3A_85, %logistic3A_83 : vector<16x128xf32>
      %logistic3A_87 = arith.divf %logistic3A_85, %logistic3A_86 : vector<16x128xf32>
      %add3A_88 = arith.addf %slice3A_77, %slice3A_80 : vector<16x128xf32>
      %logistic3A_89 = arith.negf %add3A_88 : vector<16x128xf32>
      %logistic3A_90 = math.exp %logistic3A_89 : vector<16x128xf32>
      %logistic3A_91 = arith.constant 1.000000e+00 : f32
      %logistic3A_92 = vector.broadcast %logistic3A_91 : f32 to vector<16x128xf32>
      %logistic3A_93 = arith.addf %logistic3A_92, %logistic3A_90 : vector<16x128xf32>
      %logistic3A_94 = arith.divf %logistic3A_92, %logistic3A_93 : vector<16x128xf32>
      %mul3A = arith.mulf %logistic3A_87, %slice3A_81 : vector<16x128xf32>
      %add3A_95 = arith.addf %slice3A_78, %mul3A : vector<16x128xf32>
      %tanh3A = math.tanh %add3A_95 : vector<16x128xf32>
      %sub3A_96 = arith.constant 1.000000e+00 : f32
      %sub3A_97 = vector.broadcast %sub3A_96 : f32 to vector<16x128xf32>
      %sub3A_98 = arith.subf %sub3A_97, %logistic3A_94 : vector<16x128xf32>
      %mul3A_99 = arith.mulf %sub3A_98, %tanh3A : vector<16x128xf32>
      %mul3A_100 = arith.mulf %logistic3A_94, %scan3A_53 : vector<16x128xf32>
      %add3A_101 = arith.addf %mul3A_99, %mul3A_100 : vector<16x128xf32>
      %slice3A_102 = vector.extract_strided_slice %add3A_64 {offsets = [0, 384], sizes = [16, 384], strides = [1, 1]} : vector<16x768xf32> to vector<16x384xf32>
      %slice3A_103 = vector.extract_strided_slice %get3A_75 {offsets = [0, 0], sizes = [16, 128], strides = [1, 1]} : vector<16x384xf32> to vector<16x128xf32>
      %slice3A_104 = vector.extract_strided_slice %get3A_75 {offsets = [0, 128], sizes = [16, 128], strides = [1, 1]} : vector<16x384xf32> to vector<16x128xf32>
      %slice3A_105 = vector.extract_strided_slice %get3A_75 {offsets = [0, 256], sizes = [16, 128], strides = [1, 1]} : vector<16x384xf32> to vector<16x128xf32>
      %slice3A_106 = vector.extract_strided_slice %slice3A_102 {offsets = [0, 0], sizes = [16, 128], strides = [1, 1]} : vector<16x384xf32> to vector<16x128xf32>
      %slice3A_107 = vector.extract_strided_slice %slice3A_102 {offsets = [0, 128], sizes = [16, 128], strides = [1, 1]} : vector<16x384xf32> to vector<16x128xf32>
      %slice3A_108 = vector.extract_strided_slice %slice3A_102 {offsets = [0, 256], sizes = [16, 128], strides = [1, 1]} : vector<16x384xf32> to vector<16x128xf32>
      %add3A_109 = arith.addf %slice3A_103, %slice3A_106 : vector<16x128xf32>
      %logistic3A_110 = arith.negf %add3A_109 : vector<16x128xf32>
      %logistic3A_111 = math.exp %logistic3A_110 : vector<16x128xf32>
      %logistic3A_112 = arith.constant 1.000000e+00 : f32
      %logistic3A_113 = vector.broadcast %logistic3A_112 : f32 to vector<16x128xf32>
      %logistic3A_114 = arith.addf %logistic3A_113, %logistic3A_111 : vector<16x128xf32>
      %logistic3A_115 = arith.divf %logistic3A_113, %logistic3A_114 : vector<16x128xf32>
      %add3A_116 = arith.addf %slice3A_104, %slice3A_107 : vector<16x128xf32>
      %logistic3A_117 = arith.negf %add3A_116 : vector<16x128xf32>
      %logistic3A_118 = math.exp %logistic3A_117 : vector<16x128xf32>
      %logistic3A_119 = arith.constant 1.000000e+00 : f32
      %logistic3A_120 = vector.broadcast %logistic3A_119 : f32 to vector<16x128xf32>
      %logistic3A_121 = arith.addf %logistic3A_120, %logistic3A_118 : vector<16x128xf32>
      %logistic3A_122 = arith.divf %logistic3A_120, %logistic3A_121 : vector<16x128xf32>
      %mul3A_123 = arith.mulf %logistic3A_115, %slice3A_108 : vector<16x128xf32>
      %add3A_124 = arith.addf %slice3A_105, %mul3A_123 : vector<16x128xf32>
      %tanh3A_125 = math.tanh %add3A_124 : vector<16x128xf32>
      %sub3A_126 = arith.constant 1.000000e+00 : f32
      %sub3A_127 = vector.broadcast %sub3A_126 : f32 to vector<16x128xf32>
      %sub3A_128 = arith.subf %sub3A_127, %logistic3A_122 : vector<16x128xf32>
      %mul3A_129 = arith.mulf %sub3A_128, %tanh3A_125 : vector<16x128xf32>
      %mul3A_130 = arith.mulf %logistic3A_122, %scan3A_54 : vector<16x128xf32>
      %add3A_131 = arith.addf %mul3A_129, %mul3A_130 : vector<16x128xf32>
      %swap3A_132 = arith.index_cast %scan3A_52 : i32 to index
      %swap3A_133 = arith.constant 0 : index
      %swap3A_134 = arith.constant 0 : index
      %swap3A_135 = vector.load %arg10[%swap3A_132, %swap3A_133, %swap3A_134] : memref<512x16x256xf32, #tpu.memory_space<vmem>>, vector<1x16x128xf32>
      %swap3A_136 = vector.shape_cast %swap3A_135 : vector<1x16x128xf32> to vector<16x128xf32>
      %swap3A_137 = vector.shape_cast %add3A_101 : vector<16x128xf32> to vector<1x16x128xf32>
      tpu.vector_store %arg10[%swap3A_132, %swap3A_133, %swap3A_134], %swap3A_137 {strides = array<i32>} : memref<512x16x256xf32, #tpu.memory_space<vmem>>, vector<1x16x128xf32>,
      %sub3A_138 = arith.constant 511 : i32
      %sub3A_139 = arith.subi %sub3A_138, %scan3A_52 : i32
      %swap3A_140 = arith.index_cast %sub3A_139 : i32 to index
      %swap3A_141 = arith.constant 0 : index
      %swap3A_142 = arith.constant 128 : index
      %swap3A_143 = vector.load %arg10[%swap3A_140, %swap3A_141, %swap3A_142] : memref<512x16x256xf32, #tpu.memory_space<vmem>>, vector<1x16x128xf32>
      %swap3A_144 = vector.shape_cast %swap3A_143 : vector<1x16x128xf32> to vector<16x128xf32>
      %swap3A_145 = vector.shape_cast %add3A_131 : vector<16x128xf32> to vector<1x16x128xf32>
      tpu.vector_store %arg10[%swap3A_140, %swap3A_141, %swap3A_142], %swap3A_145 {strides = array<i32>} : memref<512x16x256xf32, #tpu.memory_space<vmem>>, vector<1x16x128xf32>,
      scf.yield %add3A_101, %add3A_131 : vector<16x128xf32>, vector<16x128xf32>
    }
    %scan3A_20 = arith.constant 512 : i32
    %get3A_21 = arith.constant 0 : index
    %get3A_22 = arith.constant 0 : index
    %get3A_23 = arith.constant 0 : index
    %get3A_24 = vector.load %arg10[%get3A_21, %get3A_22, %get3A_23] : memref<512x16x256xf32, #tpu.memory_space<vmem>>, vector<512x16x256xf32>
    %reshape3A_25 = vector.shape_cast %get3A_24 : vector<512x16x256xf32> to vector<8192x256xf32>
    %get3A_26 = arith.constant 0 : index
    %get3A_27 = arith.constant 0 : index
    %get3A_28 = vector.load %arg5[%get3A_26, %get3A_27] : memref<256x768xf32, #tpu.memory_space<vmem>>, vector<256x768xf32>
    %dot_general3A_29 = arith.constant dense<0.000000e+00> : vector<8192x768xf32>
    %dot_general3A_30 = tpu.matmul %reshape3A_25, %get3A_28, %dot_general3A_29 {dimension_numbers = #tpu.dot_dimension_numbers<[1], [0], [0], [1], [0, 0, 1, 1], [], []>, transpose_lhs_hint = false} : vector<8192x256xf32>, vector<256x768xf32>, vector<8192x768xf32> -> vector<8192x768xf32>
    %get3A_31 = arith.constant 0 : index
    %get3A_32 = vector.load %arg6[%get3A_31] : memref<768xf32, #tpu.memory_space<vmem>>, vector<768xf32>
    %broadcast_in_dim3A_33 = vector.shape_cast %get3A_32 : vector<768xf32> to vector<1x768xf32>
    %add3A_34 = vector.broadcast %broadcast_in_dim3A_33 : vector<1x768xf32> to vector<8192x768xf32>
    %add3A_35 = arith.addf %dot_general3A_30, %add3A_34 : vector<8192x768xf32>
    %reshape3A_36 = vector.shape_cast %add3A_35 : vector<8192x768xf32> to vector<512x16x768xf32>
    %swap3A_37 = arith.constant 0 : index
    %swap3A_38 = arith.constant 0 : index
    %swap3A_39 = arith.constant 0 : index
    %swap3A_40 = vector.load %arg11[%swap3A_37, %swap3A_38, %swap3A_39] : memref<512x16x768xf32, #tpu.memory_space<vmem>>, vector<512x16x768xf32>
    tpu.vector_store %arg11[%swap3A_37, %swap3A_38, %swap3A_39], %reshape3A_36 {strides = array<i32>} : memref<512x16x768xf32, #tpu.memory_space<vmem>>, vector<512x16x768xf32>,
    %broadcast_in_dim3A_41 = arith.constant 0xFF800000 : f32
    %broadcast_in_dim3A_42 = vector.broadcast %broadcast_in_dim3A_41 : f32 to vector<16x256xf32>
    %scan3A_43 = arith.constant 0 : i32
    %scan3A_44 = arith.constant 512 : i32
    %scan3A_45 = arith.addi %scan3A_43, %scan3A_44 : i32
    %scan3A_46 = arith.constant 1 : i32
    %scan3A_47:3 = scf.for %scan3A_52 = %scan3A_43 to %scan3A_45 step %scan3A_46 iter_args(%scan3A_53 = %broadcast_in_dim3A_15, %scan3A_54 = %broadcast_in_dim3A_15, %scan3A_55 = %broadcast_in_dim3A_42) -> (vector<16x128xf32>, vector<16x128xf32>, vector<16x256xf32>)  : i32 {
      %concatenate3A = tpu.concatenate %scan3A_53, %scan3A_54 in 1 : vector<16x128xf32>, vector<16x128xf32> -> vector<16x256xf32>
      %get3A_56 = arith.constant 0 : index
      %get3A_57 = arith.constant 0 : index
      %get3A_58 = vector.load %arg7[%get3A_56, %get3A_57] : memref<256x768xf32, #tpu.memory_space<vmem>>, vector<256x768xf32>
      %dot_general3A_59 = arith.constant dense<0.000000e+00> : vector<16x768xf32>
      %dot_general3A_60 = tpu.matmul %concatenate3A, %get3A_58, %dot_general3A_59 {dimension_numbers = #tpu.dot_dimension_numbers<[1], [0], [0], [1], [0, 0, 1, 1], [], []>, transpose_lhs_hint = false} : vector<16x256xf32>, vector<256x768xf32>, vector<16x768xf32> -> vector<16x768xf32>
      %get3A_61 = arith.constant 0 : index
      %get3A_62 = vector.load %arg8[%get3A_61] : memref<768xf32, #tpu.memory_space<vmem>>, vector<768xf32>
      %broadcast_in_dim3A_63 = vector.shape_cast %get3A_62 : vector<768xf32> to vector<1x768xf32>
      %add3A_64 = vector.broadcast %broadcast_in_dim3A_63 : vector<1x768xf32> to vector<16x768xf32>
      %add3A_65 = arith.addf %dot_general3A_60, %add3A_64 : vector<16x768xf32>
      %get3A_66 = arith.index_cast %scan3A_52 : i32 to index
      %get3A_67 = arith.constant 0 : index
      %get3A_68 = arith.constant 0 : index
      %get3A_69 = vector.load %arg11[%get3A_66, %get3A_67, %get3A_68] : memref<512x16x768xf32, #tpu.memory_space<vmem>>, vector<1x16x384xf32>
      %get3A_70 = vector.shape_cast %get3A_69 : vector<1x16x384xf32> to vector<16x384xf32>
      %sub3A = arith.constant 511 : i32
      %sub3A_71 = arith.subi %sub3A, %scan3A_52 : i32
      %get3A_72 = arith.index_cast %sub3A_71 : i32 to index
      %get3A_73 = arith.constant 0 : index
      %get3A_74 = arith.constant 384 : index
      %get3A_75 = vector.load %arg11[%get3A_72, %get3A_73, %get3A_74] : memref<512x16x768xf32, #tpu.memory_space<vmem>>, vector<1x16x384xf32>
      %get3A_76 = vector.shape_cast %get3A_75 : vector<1x16x384xf32> to vector<16x384xf32>
      %slice3A = vector.extract_strided_slice %add3A_65 {offsets = [0, 0], sizes = [16, 384], strides = [1, 1]} : vector<16x768xf32> to vector<16x384xf32>
      %slice3A_77 = vector.extract_strided_slice %get3A_70 {offsets = [0, 0], sizes = [16, 128], strides = [1, 1]} : vector<16x384xf32> to vector<16x128xf32>
      %slice3A_78 = vector.extract_strided_slice %get3A_70 {offsets = [0, 128], sizes = [16, 128], strides = [1, 1]} : vector<16x384xf32> to vector<16x128xf32>
      %slice3A_79 = vector.extract_strided_slice %get3A_70 {offsets = [0, 256], sizes = [16, 128], strides = [1, 1]} : vector<16x384xf32> to vector<16x128xf32>
      %slice3A_80 = vector.extract_strided_slice %slice3A {offsets = [0, 0], sizes = [16, 128], strides = [1, 1]} : vector<16x384xf32> to vector<16x128xf32>
      %slice3A_81 = vector.extract_strided_slice %slice3A {offsets = [0, 128], sizes = [16, 128], strides = [1, 1]} : vector<16x384xf32> to vector<16x128xf32>
      %slice3A_82 = vector.extract_strided_slice %slice3A {offsets = [0, 256], sizes = [16, 128], strides = [1, 1]} : vector<16x384xf32> to vector<16x128xf32>
      %add3A_83 = arith.addf %slice3A_77, %slice3A_80 : vector<16x128xf32>
      %logistic3A = arith.negf %add3A_83 : vector<16x128xf32>
      %logistic3A_84 = math.exp %logistic3A : vector<16x128xf32>
      %logistic3A_85 = arith.constant 1.000000e+00 : f32
      %logistic3A_86 = vector.broadcast %logistic3A_85 : f32 to vector<16x128xf32>
      %logistic3A_87 = arith.addf %logistic3A_86, %logistic3A_84 : vector<16x128xf32>
      %logistic3A_88 = arith.divf %logistic3A_86, %logistic3A_87 : vector<16x128xf32>
      %add3A_89 = arith.addf %slice3A_78, %slice3A_81 : vector<16x128xf32>
      %logistic3A_90 = arith.negf %add3A_89 : vector<16x128xf32>
      %logistic3A_91 = math.exp %logistic3A_90 : vector<16x128xf32>
      %logistic3A_92 = arith.constant 1.000000e+00 : f32
      %logistic3A_93 = vector.broadcast %logistic3A_92 : f32 to vector<16x128xf32>
      %logistic3A_94 = arith.addf %logistic3A_93, %logistic3A_91 : vector<16x128xf32>
      %logistic3A_95 = arith.divf %logistic3A_93, %logistic3A_94 : vector<16x128xf32>
      %mul3A = arith.mulf %logistic3A_88, %slice3A_82 : vector<16x128xf32>
      %add3A_96 = arith.addf %slice3A_79, %mul3A : vector<16x128xf32>
      %tanh3A = math.tanh %add3A_96 : vector<16x128xf32>
      %sub3A_97 = arith.constant 1.000000e+00 : f32
      %sub3A_98 = vector.broadcast %sub3A_97 : f32 to vector<16x128xf32>
      %sub3A_99 = arith.subf %sub3A_98, %logistic3A_95 : vector<16x128xf32>
      %mul3A_100 = arith.mulf %sub3A_99, %tanh3A : vector<16x128xf32>
      %mul3A_101 = arith.mulf %logistic3A_95, %scan3A_53 : vector<16x128xf32>
      %add3A_102 = arith.addf %mul3A_100, %mul3A_101 : vector<16x128xf32>
      %slice3A_103 = vector.extract_strided_slice %add3A_65 {offsets = [0, 384], sizes = [16, 384], strides = [1, 1]} : vector<16x768xf32> to vector<16x384xf32>
      %slice3A_104 = vector.extract_strided_slice %get3A_76 {offsets = [0, 0], sizes = [16, 128], strides = [1, 1]} : vector<16x384xf32> to vector<16x128xf32>
      %slice3A_105 = vector.extract_strided_slice %get3A_76 {offsets = [0, 128], sizes = [16, 128], strides = [1, 1]} : vector<16x384xf32> to vector<16x128xf32>
      %slice3A_106 = vector.extract_strided_slice %get3A_76 {offsets = [0, 256], sizes = [16, 128], strides = [1, 1]} : vector<16x384xf32> to vector<16x128xf32>
      %slice3A_107 = vector.extract_strided_slice %slice3A_103 {offsets = [0, 0], sizes = [16, 128], strides = [1, 1]} : vector<16x384xf32> to vector<16x128xf32>
      %slice3A_108 = vector.extract_strided_slice %slice3A_103 {offsets = [0, 128], sizes = [16, 128], strides = [1, 1]} : vector<16x384xf32> to vector<16x128xf32>
      %slice3A_109 = vector.extract_strided_slice %slice3A_103 {offsets = [0, 256], sizes = [16, 128], strides = [1, 1]} : vector<16x384xf32> to vector<16x128xf32>
      %add3A_110 = arith.addf %slice3A_104, %slice3A_107 : vector<16x128xf32>
      %logistic3A_111 = arith.negf %add3A_110 : vector<16x128xf32>
      %logistic3A_112 = math.exp %logistic3A_111 : vector<16x128xf32>
      %logistic3A_113 = arith.constant 1.000000e+00 : f32
      %logistic3A_114 = vector.broadcast %logistic3A_113 : f32 to vector<16x128xf32>
      %logistic3A_115 = arith.addf %logistic3A_114, %logistic3A_112 : vector<16x128xf32>
      %logistic3A_116 = arith.divf %logistic3A_114, %logistic3A_115 : vector<16x128xf32>
      %add3A_117 = arith.addf %slice3A_105, %slice3A_108 : vector<16x128xf32>
      %logistic3A_118 = arith.negf %add3A_117 : vector<16x128xf32>
      %logistic3A_119 = math.exp %logistic3A_118 : vector<16x128xf32>
      %logistic3A_120 = arith.constant 1.000000e+00 : f32
      %logistic3A_121 = vector.broadcast %logistic3A_120 : f32 to vector<16x128xf32>
      %logistic3A_122 = arith.addf %logistic3A_121, %logistic3A_119 : vector<16x128xf32>
      %logistic3A_123 = arith.divf %logistic3A_121, %logistic3A_122 : vector<16x128xf32>
      %mul3A_124 = arith.mulf %logistic3A_116, %slice3A_109 : vector<16x128xf32>
      %add3A_125 = arith.addf %slice3A_106, %mul3A_124 : vector<16x128xf32>
      %tanh3A_126 = math.tanh %add3A_125 : vector<16x128xf32>
      %sub3A_127 = arith.constant 1.000000e+00 : f32
      %sub3A_128 = vector.broadcast %sub3A_127 : f32 to vector<16x128xf32>
      %sub3A_129 = arith.subf %sub3A_128, %logistic3A_123 : vector<16x128xf32>
      %mul3A_130 = arith.mulf %sub3A_129, %tanh3A_126 : vector<16x128xf32>
      %mul3A_131 = arith.mulf %logistic3A_123, %scan3A_54 : vector<16x128xf32>
      %add3A_132 = arith.addf %mul3A_130, %mul3A_131 : vector<16x128xf32>
      %concatenate3A_133 = tpu.concatenate %add3A_102, %add3A_132 in 1 : vector<16x128xf32>, vector<16x128xf32> -> vector<16x256xf32>
      %max3A = arith.maximumf %scan3A_55, %concatenate3A_133 : vector<16x256xf32>
      scf.yield %add3A_102, %add3A_132, %max3A : vector<16x128xf32>, vector<16x128xf32>, vector<16x256xf32>
    }
    %scan3A_48 = arith.constant 512 : i32
    %swap3A_49 = arith.constant 0 : index
    %swap3A_50 = arith.constant 0 : index
    %swap3A_51 = vector.load %arg9[%swap3A_49, %swap3A_50] : memref<16x256xf32, #tpu.memory_space<vmem>>, vector<16x256xf32>
    tpu.vector_store %arg9[%swap3A_49, %swap3A_50], %scan3A_47#2 {strides = array<i32>} : memref<16x256xf32, #tpu.memory_space<vmem>>, vector<16x256xf32>,
    return
  }
}

</mosaic_0001>

<sc_bundles>
// kernel: kernel.10.cloned.1.call-start
scs
__scs_entry_jumppad:
0x0: {  	(pc) =	sbr.rel $0x88, $3  }
0x1: {  	(tag) =	ssettag $0x0;
	lr =	simm.s32 $0x1  }
0x2: {  	[smem:$0x3F8D] =	sst lr;
	_ =	strace $0xD0000000  }
0x3: {  	_ = 	snop  }
0x4: {  	_ = 	snop  }
0x5: {  	_ = 	snop  }
0x6: {  	_ = 	snop  }
0x7: {  	_ = 	snop  }
__scs_overlays_trampoline_lowered:
0x8: {  	[smem:$0x3F9C] =	sst s0  }
0x9: {  	[smem:$0x3F9D] =	sst s1  }
0xa: {  	[smem:$0x3F9E] =	sst s2  }
0xb: {  	[smem:$0x3F9F] =	sst s3  }
0xc: {  	[smem:$0x3FA0] =	sst s4  }
0xd: {  	[smem:$0x3FA1] =	sst s5  }
0xe: {  	[smem:$0x3FA2] =	sst s6  }
0xf: {  	[smem:$0x3FA3] =	sst s7  }
0x10: {  	[smem:$0x3FA4] =	sst s8  }
0x11: {  	[smem:$0x3FA5] =	sst s9;
	s0 =	simm.s32 @!p0 $0x0  }
0x12: {  	s1 =	sld [smem:$0x3F8B];
	s0 =	simm.s32 @p0 $0x1  }
0x13: {  	[smem:$0x3FA6] =	sst s0;
	s0 =	simm.s32 @!p1 $0x0  }
0x14: {  	s2 =	sld [smem:$0x3F8A];
	s0 =	simm.s32 @p1 $0x1  }
0x15: {  	[smem:$0x3FA7] =	sst s0;
	s0 =	simm.s32 @!p2 $0x0  }
0x16: {  	s3 =	sld [smem:$0x3FDB];
	s0 =	simm.s32 @p2 $0x1  }
0x17: {  	s4 =	simm.s32 $0x1BF5;
	[smem:$0x3FA9] =	sst s0  }
0x18: {  	s0 =	sld [smem:$0x3F8C];
	_ =	swait.ge [sflag:s4], $0x0  }
0x19: {  	s7 =	sld [smem:$0x3F8D]  }
0x1a: {  	s8 =	sadd.s32 $0xFFFFE003, lr  }
0x1b: {  	s9 =	sadd.s32 $0xFFFFFEF7, lr;
	s5 =	simm.s32 $0xFFFFFFFF;
	p2 =	slt.u32 s8, $0xFFFFF086  }
0x1c: {  	p1 =	slt.u32 s9, $0xF7A;
	s5 =	simm.s32 @!p2 $0x0  }
0x1d: {  	s5 =	simm.s32 @p1 $0x1;
	p0 =	seq.s32 s7, s2  }
0x1e: {  	s7 =	smul.u32 @!p0 $0xF7A, s2;
	p2 =	seq.s32 @!p0 s5, $0x0  }
0x1f: {  	s9 =	smul.u32 $0xF7A, s1;
	s8 =	simm.s32 @!p0 $0x1BF5;
	p2 =	por !p2, p0  }
0x20: {  	[sflag:s8] =	ssyncset.s32 @!p0 $0xFFFFF086;
	s6 =	sadd.s32 @!p0 s3, s7;
	s7 =	simm.s32 @!p0 $0x108  }
0x21: {  	s3 =	sadd.s32 s3, s9;
	s6 =	sadd.s32 @!p0 $0x88, s6;
	s7 =	simm.s32 @p2 $0x1082  }
0x22: {  	[simem:s7], [sflag:s8] =	dma.local @!p0 [hbm:s6], $0xF7A  }
0x23: {  	s9 =	sor.u32 $0xD0000000, s2;
	s6 =	simm.s32 $0x108;
	_ =	swait.ge @!p0 [sflag:s8], $0x0  }
0x24: {  	s3 =	sadd.s32 $0x88, s3;
	s6 =	simm.s32 @!p1 $0x1082;
	[sflag:s4] =	ssyncset.s32 $0xFFFFF086  }
0x25: {  	[simem:s6], [sflag:s4] =	dma.local [hbm:s3], $0xF7A  }
0x26: {  	[smem:$0x3F8D] =	sst s1;
	(tag) =	ssettag s2;
	_ =	strace s9  }
0x27: {  	s1 =	sld [smem:$0x3F9D]  }
0x28: {  	s2 =	sld [smem:$0x3F9E]  }
0x29: {  	s4 =	sld [smem:$0x3FA0]  }
0x2a: {  	p0 =	seq.s32 s5, $0x0;
	s5 =	sld [smem:$0x3FA1]  }
0x2b: {  	s6 =	sld [smem:$0x3FA2]  }
0x2c: {  	s7 =	sld [smem:$0x3FA3]  }
0x2d: {  	s3 =	simm.s32 $0x108;
	s8 =	sld [smem:$0x3FA4]  }
0x2e: {  	s3 =	simm.s32 @!p0 $0x1082;
	s9 =	sld [smem:$0x3FA5]  }
0x2f: {  	lr =	sadd.s32 s0, s3;
	s0 =	sld [smem:$0x3F9C]  }
0x30: {  	s3 =	sld [smem:$0x3F9F]  }
0x31: {  	[smem:$0x3FA8] =	sst s10  }
0x32: {  	s10 =	sld [smem:$0x3FA6];
	_ =	sdelay $0x3  }
0x33: {  	p0 =	seq.s32 s10, $0x1;
	s10 =	sld [smem:$0x3FA8];
	_ =	sdelay $0x3  }
0x34: {  	[smem:$0x3FA8] =	sst s10  }
0x35: {  	s10 =	sld [smem:$0x3FA7];
	_ =	sdelay $0x3  }
0x36: {  	p1 =	seq.s32 s10, $0x1;
	s10 =	sld [smem:$0x3FA8];
	_ =	sdelay $0x3  }
0x37: {  	[smem:$0x3FA8] =	sst s10  }
0x38: {  	s10 =	sld [smem:$0x3FA9]  }
0x39: {  	_ = 	snop;
	(pc) =	sbr.ind lr, $3  }
0x3a: {  	_ = 	snop  }
0x3b: {  	_ = 	snop  }
0x3c: {  	p2 =	seq.s32 s10, $0x1;
	s10 =	sld [smem:$0x3FA8]  }
0x3d: {  	_ =	shalt  }
0x3e: {  	_ =	shalt  }
0x3f: {  	_ =	shalt  }
0x40: {  	_ =	shalt  }
0x41: {  	_ =	shalt  }
0x42: {  	_ =	shalt  }
0x43: {  	_ =	shalt  }
0x44: {  	_ =	shalt  }
0x45: {  	_ =	shalt  }
0x46: {  	_ =	shalt  }
0x47: {  	_ =	shalt  }
0x48: {  	_ =	shalt  }
0x49: {  	_ =	shalt  }
0x4a: {  	_ =	shalt  }
0x4b: {  	_ =	shalt  }
0x4c: {  	_ =	shalt  }
0x4d: {  	_ =	shalt  }
0x4e: {  	_ =	shalt  }
0x4f: {  	_ =	shalt  }
0x50: {  	_ =	shalt  }
0x51: {  	_ =	shalt  }
0x52: {  	_ =	shalt  }
0x53: {  	_ =	shalt  }
0x54: {  	_ =	shalt  }
0x55: {  	_ =	shalt  }
0x56: {  	_ =	shalt  }
0x57: {  	_ =	shalt  }
0x58: {  	_ =	shalt  }
0x59: {  	_ =	shalt  }
0x5a: {  	_ =	shalt  }
0x5b: {  	_ =	shalt  }
0x5c: {  	_ =	shalt  }
0x5d: {  	_ =	shalt  }
0x5e: {  	_ =	shalt  }
0x5f: {  	_ =	shalt  }
0x60: {  	_ =	shalt  }
0x61: {  	_ =	shalt  }
0x62: {  	_ =	shalt  }
0x63: {  	_ =	shalt  }
0x64: {  	_ =	shalt  }
0x65: {  	_ =	shalt  }
0x66: {  	_ =	shalt  }
0x67: {  	_ =	shalt  }
0x68: {  	_ =	shalt  }
0x69: {  	_ =	shalt  }
0x6a: {  	_ =	shalt  }
0x6b: {  	_ =	shalt  }
0x6c: {  	_ =	shalt  }
0x6d: {  	_ =	shalt  }
0x6e: {  	_ =	shalt  }
0x6f: {  	_ =	shalt  }
0x70: {  	_ =	shalt  }
0x71: {  	_ =	shalt  }
0x72: {  	_ =	shalt  }
0x73: {  	_ =	shalt  }
0x74: {  	_ =	shalt  }
0x75: {  	_ =	shalt  }
0x76: {  	_ =	shalt  }
0x77: {  	_ =	shalt  }
0x78: {  	_ =	shalt  }
0x79: {  	_ =	shalt  }
0x7a: {  	_ =	shalt  }
0x7b: {  	_ =	shalt  }
0x7c: {  	_ =	shalt  }
0x7d: {  	_ =	shalt  }
0x7e: {  	_ =	shalt  }
0x7f: {  	_ =	shalt  }
0x80: {  	_ =	shalt  }
0x81: {  	_ =	shalt  }
0x82: {  	_ =	shalt  }
0x83: {  	_ =	shalt  }
0x84: {  	_ =	shalt  }
0x85: {  	_ =	shalt  }
0x86: {  	_ =	shalt  }
0x87: {  	_ =	shalt  }
.Lfunc_end0:
.L_simem_size_0:
called_computation.3_lowered:
.L_overlay_start_0:
0x88: {  	s2 =	sld [smem:$0x3FD9]  }
0x89: {  	s3 =	sld [smem:$0x3FFE];
	_ =	sdelay $0x1  }
0x8a: {  	s1 =	srdreg.scid  }
0x8b: {  	s0 =	sand.u32 $0x1, s1  }
0x8c: {  	s17 =	sshll.u32 s0, $0xA;
	s2 =	sadd.s32 s3, s2  }
0x8d: {  	s2 =	sadd.s32 s2, s17  }
0x8e: {  	[smem:$0x3FB4] =	sst s2  }
0x8f: {  	_ = 	snop  }
0x90: {  	s2 =	sld [smem:$0x3FB8];
	(tm) =	ssettm $0x1  }
0x91: {  	s18 =	sld [smem:$0x3FFB];
	_ =	sdelay $0x3  }
0x92: {  	_ =	strace s18  }
0x93: {  	s3 =	sld [smem:$0x3FFC];
	_ =	sdelay $0x3  }
0x94: {  	_ =	strace s3  }
0x95: {  	s3 =	sld [smem:$0x3FFD];
	_ =	sdelay $0x3  }
0x96: {  	_ =	strace s3  }
0x97: {  	_ =	strace $0x8FFFFFFF  }
0x98: {  	s19 =	sld [smem:$0x3FDB];
	_ =	sdelay $0x1  }
0x99: {  	s4 =	simm.s32 $_scs_section_size  }
0x9a: {  	s5 =	simm.s32 $_size__tile_overlayer_lowered;
	s6 =	simm.s32 $_tile_overlayer_lowered  }
0x9b: {  	s22 =	simm.s32 $0x1BFF;
	s21 =	sshll.u32 s6, $0x1;
	s3 =	sadd.s32 s4, s19  }
0x9c: {  	s7 =	simm.s32 $0x0;
	s20 =	sshll.u32 s5, $0x1;
	s5 =	sadd.s32 s21, s3  }
0x9d: {  	[timem:s7], [sflag:s22] =	dma.local [hbm:s5], s20  }
0x9e: {  	_ =	swait.ge [sflag:s22], s20  }
0x9f: {  	s4 =	ssub.s32 $0x0, s20;
	[sflag:s22] =	ssyncset.done $0x0  }
0xa0: {  	[sflag:s22] =	ssyncadd.s32 s4;
	_ =	sdelay $0x1  }
0xa1: {  	s23 =	simm.s32 $0x1B8B  }
0xa2: {  	_ =	swait.ge [sflag:s23], $0x1  }
0xa3: {  	[sflag:s23] =	ssyncset.done $0x0  }
0xa4: {  	s25 =	simm.s32 $0x1B8E;
	s24 =	sld [smem:$0x3FFE];
	[sflag:s23] =	ssyncadd.s32 $0xFFFFFFFF  }
0xa5: {  	s26 =	simm.s32 $execute0_lowered;
	[smem:$0x3FD2] =	sst s25  }
0xa6: {  	s5 =	sshll.u32 s26, $0x1;
	_ =	strace $0x80000049;
	[dreg:$0x1] =	wrdreg $0xFFFFFFFF  }
0xa7: {  	s28 =	simm.s32 $_size_execute0_lowered;
	s3 =	sadd.s32 s3, s5;
	[dreg:$0x0] =	wrdreg $0x0  }
0xa8: {  	s5 =	sshll.u32 s28, $0x1;
	[dreg:$0x2] =	wrdreg s3  }
0xa9: {  	[dreg:$0x3] =	wrdreg s5  }
0xaa: {  	[dreg:$0x4] =	wrdreg $0xC0  }
0xab: {  	_ =	task [dreg:s7], $0x5FFFF  }
0xac: {  	[dreg:$0x1] =	wrdreg $0xFFFFFFFF  }
0xad: {  	[dreg:$0x0] =	wrdreg $0x60  }
0xae: {  	[dreg:$0x2] =	wrdreg s24  }
0xaf: {  	[dreg:$0x3] =	wrdreg s2  }
0xb0: {  	[dreg:$0x4] =	wrdreg $0x9  }
0xb1: {  	_ =	task.clear_ibuf [dreg:s7], $0x5FFFF;
	_ =	strace $0x90000049  }
0xb2: {  	s29 =	simm.s32 $0x9;
	_ =	strace $0x8000004B  }
0xb3: {  	_ =	swait.ge [sflag:s29], $0x1  }
0xb4: {  	[sflag:s29] =	ssyncadd.s32 $0xFFFFFFFF  }
0xb5: {  	_ =	strace $0x9000004B  }
0xb6: {  	_ =	sfence  }
0xb7: {  	s30 =	sld [smem:$0x0];
	_ =	sdelay $0x2  }
0xb8: {  	s31 =	sshll.u32 s1, $0xD;
	s1 =	sshrl.u32 s1, $0x2  }
0xb9: {  	s3 =	sand.u32 $0x4000, s31;
	s1 =	sadd.s32 s1, s30  }
0xba: {  	s0 =	sor.u32 s3, s0;
	s1 =	sshll.u32 s1, $0x11  }
0xbb: {  	s0 =	sor.u32 s1, s0  }
0xbc: {  	s0 =	sadd.s32 $0x8F2B, s0  }
0xbd: {  	[sflag:s0] =	ssyncadd.remote.s32 $0x1  }
0xbe: {  	_ =	sfence.sel $0xFFFF  }
0xbf: {  	[dreg:$0x0] =	wrdreg $0xFFFFFFFF;
	(pc) =	sbr.abs _section_cstart, $3  }
0xc0: {  	[dreg:$0x1] =	wrdreg $0xFFFFFFFF  }
0xc1: {  	_ =	task.clear_ibuf [dreg:s7], $0x2FFFF;
	_ =	strace $0x9FFFFFFF  }
0xc2: {  	(tm) =	ssettm $0x7FFFFFFF  }
0xc3: {  	_ =	shalt  }
tec
execute0_lowered:
.L_overlay_start_1:
0x0: {  	(tag) =	ssettag $0x1  }
0x1: {  	s4 =	rddreg [dreg:$0x0]  }
0x2: {  	s5 =	rddreg [dreg:$0x1]  }
0x3: {  	s1 =	stileid.u32;
	s2 =	srdreg.scid  }
0x4: {  	s0 =	rddreg [dreg:$0x2];
	s11 =	simm.s32 $0x0;
	s3 =	sand.u32 $0x1, s2  }
0x5: {  	s6 =	sshll.u32 s1, $0x1;
	s2 =	simm.s32 $0x0;
	s7 =	smul.u32 $0x28000, s1  }
0x6: {  	s6 =	sor.u32 s3, s6;
	[smem:$0x7FF] =	sst s2;
	s10 =	smul.u32 $0x14000, s3  }
0x7: {  	s8 =	ssub.s32 $0x2, s3;
	s3 =	sadd.s32 $0x10200, s4;
	s6 =	smul.u32 $0x280, s6  }
0x8: {  	_ =	strace $0x8000004A;
	s9 =	sshrl.u32 s8, $0x1;
	s7 =	sadd.s32 s7, s4  }
0x9: {  	s8 =	ssub.s32 s8, s9;
	s31 =	sadd.s32 s10, s7;
	s7 =	simm.s32 $0x2  }
0xa: {  	s9 =	simm.s32 $0x1400;
	s10 =	simm.s32 $0x1;
	s4 =	sadd.s32 s5, s6  }
0xb: {  	s5 =	smax.u32 s8, $0x1;
	s6 =	sadd.s32 $0x196C00, s31;
	s8 =	simm.s32 $0x80  }
.LBB2_1:
0xc: {  	[tilespmem:s2], [sflag:$0x2] =	stream.linear.gather [hbm4b:s4+s2], $0x1400, $0x38;
	[tilespmem:$0x5400] =	vst v63  }
0xd: {  	_ =	swait.ge [sflag:s7], $0x1400  }
0xe: {  	[sflag:s7] =	ssyncset.done $0x0  }
0xf: {  	s12 =	simm.s32 $0x0;
	[sflag:s7] =	ssyncadd.s32 $0xFFFFEC00  }
0x10: {  	[tilespmem:s9], [sflag:$0x1] =	stream.indirect.gather [hbm4b:s3+s8], $0x80, s12, s8, $0xb8;
	[tilespmem:$0x5400] =	vst v63  }
0x11: {  	_ =	swait.ge [sflag:s10], $0x4000  }
0x12: {  	[sflag:s10] =	ssyncset.done $0x0  }
0x13: {  	[sflag:s10] =	ssyncadd.s32 $0xFFFFC000  }
0x14: {  	[hbm4b:s6+s2] =	stream.linear.scatter [tilespmem:s9], [sflag:$0x2], $0x4000, $0x38;
	[tilespmem:$0x5400] =	vst v63  }
0x15: {  	s13 =	simm.s32 $0x200;
	_ =	swait.ge [sflag:s7], $0x4000  }
0x16: {  	s14 =	simm.s32 $0x400;
	s12 =	sadd.s32 $0x800, s6;
	[sflag:s7] =	ssyncset.done $0x0  }
.LBB2_2:
0x17: {  	s15 =	sshra.s32 s13, $0x2  }
0x18: {  	[sflag:s7] =	ssyncadd.s32 $0xFFFFC000;
	s13 =	smov.u32 s14;
	s16 =	sadd.s32 $0x200, s14  }
0x19: {  	[tilespmem:s9], [sflag:$0x1] =	stream.indirect.gather [hbm4b:s3+s8], $0x80, s15, s8, $0xb8;
	[tilespmem:$0x5400] =	vst v63  }
0x1a: {  	p0 =	sne.s32 s14, $0x4E00;
	_ =	swait.ge [sflag:s10], $0x4000  }
.Ltmp0:
0x1b: {  	[sflag:s10] =	ssyncset.done $0x0;
	(pc) =	sbr.rel @p0 .LBB2_2-.Ltmp0, $4  }
0x1c: {  	[sflag:s10] =	ssyncadd.s32 $0xFFFFC000  }
0x1d: {  	[hbm4b:s12+s2] =	stream.linear.scatter [tilespmem:s9], [sflag:$0x2], $0x4000, $0x38;
	[tilespmem:$0x5400] =	vst v63  }
0x1e: {  	_ =	swait.ge [sflag:s7], $0x4000  }
0x1f: {  	s14 =	smov.u32 s16;
	s12 =	sadd.s32 $0x800, s12;
	[sflag:s7] =	ssyncset.done $0x0  }
0x20: {  	s13 =	sshra.s32 s13, $0x2;
	[sflag:s7] =	ssyncadd.s32 $0xFFFFC000  }
0x21: {  	[tilespmem:s9], [sflag:$0x1] =	stream.indirect.gather [hbm4b:s3+s8], $0x80, s13, s8, $0xb8;
	[tilespmem:$0x5400] =	vst v63  }
0x22: {  	s11 =	sadd.s32 $0x1, s11;
	_ =	swait.ge [sflag:s10], $0x4000  }
0x23: {  	p0 =	sne.s32 s11, s5;
	[sflag:s10] =	ssyncset.done $0x0  }
.Ltmp1:
0x24: {  	[sflag:s10] =	ssyncadd.s32 $0xFFFFC000;
	(pc) =	sbr.rel @p0 .LBB2_1-.Ltmp1, $4  }
0x25: {  	[hbm4b:s12+s2] =	stream.linear.scatter [tilespmem:s9], [sflag:$0x2], $0x4000, $0x38;
	[tilespmem:$0x5400] =	vst v63  }
0x26: {  	_ =	swait.ge [sflag:s7], $0x4000  }
0x27: {  	[sflag:s7] =	ssyncset.done $0x0  }
0x28: {  	[sflag:s7] =	ssyncadd.s32 $0xFFFFC000  }
0x29: {  	_ =	sfence.sel $0x180000  }
0x2a: {  	[bflag:$0x0] =	sbarrier.arrive $0xFFFF  }
0x2b: {  	p0 =	sne.s32 s1, $0x0;
	_ =	strace $0x9000004A  }
0x2c: {  	s0 =	sadd.s32 @!p0 $0x100000, s0;
	[bflag:$0x2] =	sbarrier.arrive $0xFFFF  }
0x2d: {  	[sflag:s0] =	ssyncadd.tile.s32 @!p0 $0x1;
	_ =	shalt  }
.Lfunc_end2:
_tile_overlayer_lowered:
.L_overlay_start_2:
0x2e: {  	(tag) =	ssettag $0x2  }
0x2f: {  	s0 =	rddreg [dreg:$0x0];
	s2 =	stileid.u32  }
0x30: {  	s1 =	rddreg [dreg:$0x1];
	p0 =	sne.s32 s2, $0x0  }
0x31: {  	s3 =	rddreg [dreg:$0x2];
	[bflag:$0x3] =	sbarrier.arrive $0xFFFF;
	s2 =	simm.s32 @!p0 $0x1C02  }
0x32: {  	[timem:s3], [sflag:s2] =	dma.local @!p0 [hbm:s0], s1  }
0x33: {  	s0 =	simm.s32 @!p0 $0x2  }
0x34: {  	_ =	swait.ge @!p0 [sflag:s0], s1  }
0x35: {  	s1 =	ssub.s32 @!p0 $0x0, s1;
	[sflag:s0] =	ssyncset.done @!p0 $0x0  }
0x36: {  	[sflag:s0] =	ssyncadd.s32 @!p0 s1  }
0x37: {  	[bflag:$0x3] =	sbarrier.arrive $0xFFFF  }
0x38: {  	_ =	shalt  }

// kernel: kernel.7.cloned.1.call-start
scs
__scs_entry_jumppad:
0x0: {  	(pc) =	sbr.rel $0x88, $3  }
0x1: {  	(tag) =	ssettag $0x0;
	lr =	simm.s32 $0x1  }
0x2: {  	[smem:$0x3F8D] =	sst lr;
	_ =	strace $0xD0000000  }
0x3: {  	_ = 	snop  }
0x4: {  	_ = 	snop  }
0x5: {  	_ = 	snop  }
0x6: {  	_ = 	snop  }
0x7: {  	_ = 	snop  }
__scs_overlays_trampoline_lowered:
0x8: {  	[smem:$0x3F9C] =	sst s0  }
0x9: {  	[smem:$0x3F9D] =	sst s1  }
0xa: {  	[smem:$0x3F9E] =	sst s2  }
0xb: {  	[smem:$0x3F9F] =	sst s3  }
0xc: {  	[smem:$0x3FA0] =	sst s4  }
0xd: {  	[smem:$0x3FA1] =	sst s5  }
0xe: {  	[smem:$0x3FA2] =	sst s6  }
0xf: {  	[smem:$0x3FA3] =	sst s7  }
0x10: {  	[smem:$0x3FA4] =	sst s8  }
0x11: {  	[smem:$0x3FA5] =	sst s9;
	s0 =	simm.s32 @!p0 $0x0  }
0x12: {  	s1 =	sld [smem:$0x3F8B];
	s0 =	simm.s32 @p0 $0x1  }
0x13: {  	[smem:$0x3FA6] =	sst s0;
	s0 =	simm.s32 @!p1 $0x0  }
0x14: {  	s2 =	sld [smem:$0x3F8A];
	s0 =	simm.s32 @p1 $0x1  }
0x15: {  	[smem:$0x3FA7] =	sst s0;
	s0 =	simm.s32 @!p2 $0x0  }
0x16: {  	s3 =	sld [smem:$0x3FDB];
	s0 =	simm.s32 @p2 $0x1  }
0x17: {  	s4 =	simm.s32 $0x1BF5;
	[smem:$0x3FA9] =	sst s0  }
0x18: {  	s0 =	sld [smem:$0x3F8C];
	_ =	swait.ge [sflag:s4], $0x0  }
0x19: {  	s7 =	sld [smem:$0x3F8D]  }
0x1a: {  	s8 =	sadd.s32 $0xFFFFE003, lr  }
0x1b: {  	s9 =	sadd.s32 $0xFFFFFEF7, lr;
	s5 =	simm.s32 $0xFFFFFFFF;
	p2 =	slt.u32 s8, $0xFFFFF086  }
0x1c: {  	p1 =	slt.u32 s9, $0xF7A;
	s5 =	simm.s32 @!p2 $0x0  }
0x1d: {  	s5 =	simm.s32 @p1 $0x1;
	p0 =	seq.s32 s7, s2  }
0x1e: {  	s7 =	smul.u32 @!p0 $0xF7A, s2;
	p2 =	seq.s32 @!p0 s5, $0x0  }
0x1f: {  	s9 =	smul.u32 $0xF7A, s1;
	s8 =	simm.s32 @!p0 $0x1BF5;
	p2 =	por !p2, p0  }
0x20: {  	[sflag:s8] =	ssyncset.s32 @!p0 $0xFFFFF086;
	s6 =	sadd.s32 @!p0 s3, s7;
	s7 =	simm.s32 @!p0 $0x108  }
0x21: {  	s3 =	sadd.s32 s3, s9;
	s6 =	sadd.s32 @!p0 $0x88, s6;
	s7 =	simm.s32 @p2 $0x1082  }
0x22: {  	[simem:s7], [sflag:s8] =	dma.local @!p0 [hbm:s6], $0xF7A  }
0x23: {  	s9 =	sor.u32 $0xD0000000, s2;
	s6 =	simm.s32 $0x108;
	_ =	swait.ge @!p0 [sflag:s8], $0x0  }
0x24: {  	s3 =	sadd.s32 $0x88, s3;
	s6 =	simm.s32 @!p1 $0x1082;
	[sflag:s4] =	ssyncset.s32 $0xFFFFF086  }
0x25: {  	[simem:s6], [sflag:s4] =	dma.local [hbm:s3], $0xF7A  }
0x26: {  	[smem:$0x3F8D] =	sst s1;
	(tag) =	ssettag s2;
	_ =	strace s9  }
0x27: {  	s1 =	sld [smem:$0x3F9D]  }
0x28: {  	s2 =	sld [smem:$0x3F9E]  }
0x29: {  	s4 =	sld [smem:$0x3FA0]  }
0x2a: {  	p0 =	seq.s32 s5, $0x0;
	s5 =	sld [smem:$0x3FA1]  }
0x2b: {  	s6 =	sld [smem:$0x3FA2]  }
0x2c: {  	s7 =	sld [smem:$0x3FA3]  }
0x2d: {  	s3 =	simm.s32 $0x108;
	s8 =	sld [smem:$0x3FA4]  }
0x2e: {  	s3 =	simm.s32 @!p0 $0x1082;
	s9 =	sld [smem:$0x3FA5]  }
0x2f: {  	lr =	sadd.s32 s0, s3;
	s0 =	sld [smem:$0x3F9C]  }
0x30: {  	s3 =	sld [smem:$0x3F9F]  }
0x31: {  	[smem:$0x3FA8] =	sst s10  }
0x32: {  	s10 =	sld [smem:$0x3FA6];
	_ =	sdelay $0x3  }
0x33: {  	p0 =	seq.s32 s10, $0x1;
	s10 =	sld [smem:$0x3FA8];
	_ =	sdelay $0x3  }
0x34: {  	[smem:$0x3FA8] =	sst s10  }
0x35: {  	s10 =	sld [smem:$0x3FA7];
	_ =	sdelay $0x3  }
0x36: {  	p1 =	seq.s32 s10, $0x1;
	s10 =	sld [smem:$0x3FA8];
	_ =	sdelay $0x3  }
0x37: {  	[smem:$0x3FA8] =	sst s10  }
0x38: {  	s10 =	sld [smem:$0x3FA9]  }
0x39: {  	_ = 	snop;
	(pc) =	sbr.ind lr, $3  }
0x3a: {  	_ = 	snop  }
0x3b: {  	_ = 	snop  }
0x3c: {  	p2 =	seq.s32 s10, $0x1;
	s10 =	sld [smem:$0x3FA8]  }
0x3d: {  	_ =	shalt  }
0x3e: {  	_ =	shalt  }
0x3f: {  	_ =	shalt  }
0x40: {  	_ =	shalt  }
0x41: {  	_ =	shalt  }
0x42: {  	_ =	shalt  }
0x43: {  	_ =	shalt  }
0x44: {  	_ =	shalt  }
0x45: {  	_ =	shalt  }
0x46: {  	_ =	shalt  }
0x47: {  	_ =	shalt  }
0x48: {  	_ =	shalt  }
0x49: {  	_ =	shalt  }
0x4a: {  	_ =	shalt  }
0x4b: {  	_ =	shalt  }
0x4c: {  	_ =	shalt  }
0x4d: {  	_ =	shalt  }
0x4e: {  	_ =	shalt  }
0x4f: {  	_ =	shalt  }
0x50: {  	_ =	shalt  }
0x51: {  	_ =	shalt  }
0x52: {  	_ =	shalt  }
0x53: {  	_ =	shalt  }
0x54: {  	_ =	shalt  }
0x55: {  	_ =	shalt  }
0x56: {  	_ =	shalt  }
0x57: {  	_ =	shalt  }
0x58: {  	_ =	shalt  }
0x59: {  	_ =	shalt  }
0x5a: {  	_ =	shalt  }
0x5b: {  	_ =	shalt  }
0x5c: {  	_ =	shalt  }
0x5d: {  	_ =	shalt  }
0x5e: {  	_ =	shalt  }
0x5f: {  	_ =	shalt  }
0x60: {  	_ =	shalt  }
0x61: {  	_ =	shalt  }
0x62: {  	_ =	shalt  }
0x63: {  	_ =	shalt  }
0x64: {  	_ =	shalt  }
0x65: {  	_ =	shalt  }
0x66: {  	_ =	shalt  }
0x67: {  	_ =	shalt  }
0x68: {  	_ =	shalt  }
0x69: {  	_ =	shalt  }
0x6a: {  	_ =	shalt  }
0x6b: {  	_ =	shalt  }
0x6c: {  	_ =	shalt  }
0x6d: {  	_ =	shalt  }
0x6e: {  	_ =	shalt  }
0x6f: {  	_ =	shalt  }
0x70: {  	_ =	shalt  }
0x71: {  	_ =	shalt  }
0x72: {  	_ =	shalt  }
0x73: {  	_ =	shalt  }
0x74: {  	_ =	shalt  }
0x75: {  	_ =	shalt  }
0x76: {  	_ =	shalt  }
0x77: {  	_ =	shalt  }
0x78: {  	_ =	shalt  }
0x79: {  	_ =	shalt  }
0x7a: {  	_ =	shalt  }
0x7b: {  	_ =	shalt  }
0x7c: {  	_ =	shalt  }
0x7d: {  	_ =	shalt  }
0x7e: {  	_ =	shalt  }
0x7f: {  	_ =	shalt  }
0x80: {  	_ =	shalt  }
0x81: {  	_ =	shalt  }
0x82: {  	_ =	shalt  }
0x83: {  	_ =	shalt  }
0x84: {  	_ =	shalt  }
0x85: {  	_ =	shalt  }
0x86: {  	_ =	shalt  }
0x87: {  	_ =	shalt  }
.Lfunc_end0:
.L_simem_size_0:
called_computation.2_lowered:
.L_overlay_start_0:
0x88: {  	s2 =	sld [smem:$0x3FD9]  }
0x89: {  	s3 =	sld [smem:$0x3FFE];
	_ =	sdelay $0x1  }
0x8a: {  	s1 =	srdreg.scid  }
0x8b: {  	s0 =	sand.u32 $0x1, s1  }
0x8c: {  	s17 =	sshll.u32 s0, $0xA;
	s2 =	sadd.s32 s3, s2  }
0x8d: {  	s2 =	sadd.s32 s2, s17  }
0x8e: {  	[smem:$0x3FB4] =	sst s2  }
0x8f: {  	_ = 	snop  }
0x90: {  	s2 =	sld [smem:$0x3FC9];
	(tm) =	ssettm $0x1  }
0x91: {  	s18 =	sld [smem:$0x3FFB];
	_ =	sdelay $0x3  }
0x92: {  	_ =	strace s18  }
0x93: {  	s3 =	sld [smem:$0x3FFC];
	_ =	sdelay $0x3  }
0x94: {  	_ =	strace s3  }
0x95: {  	s3 =	sld [smem:$0x3FFD];
	_ =	sdelay $0x3  }
0x96: {  	_ =	strace s3  }
0x97: {  	_ =	strace $0x8FFFFFFF  }
0x98: {  	s19 =	sld [smem:$0x3FDB];
	_ =	sdelay $0x1  }
0x99: {  	s4 =	simm.s32 $_scs_section_size  }
0x9a: {  	s5 =	simm.s32 $_size__tile_overlayer_lowered;
	s6 =	simm.s32 $_tile_overlayer_lowered  }
0x9b: {  	s22 =	simm.s32 $0x1BFF;
	s21 =	sshll.u32 s6, $0x1;
	s3 =	sadd.s32 s4, s19  }
0x9c: {  	s7 =	simm.s32 $0x0;
	s20 =	sshll.u32 s5, $0x1;
	s5 =	sadd.s32 s21, s3  }
0x9d: {  	[timem:s7], [sflag:s22] =	dma.local [hbm:s5], s20  }
0x9e: {  	_ =	swait.ge [sflag:s22], s20  }
0x9f: {  	s4 =	ssub.s32 $0x0, s20;
	[sflag:s22] =	ssyncset.done $0x0  }
0xa0: {  	[sflag:s22] =	ssyncadd.s32 s4;
	_ =	sdelay $0x1  }
0xa1: {  	s23 =	simm.s32 $0x1B8B  }
0xa2: {  	_ =	swait.ge [sflag:s23], $0x1  }
0xa3: {  	[sflag:s23] =	ssyncset.done $0x0  }
0xa4: {  	s25 =	simm.s32 $0x1B8E;
	s24 =	sld [smem:$0x3FFE];
	[sflag:s23] =	ssyncadd.s32 $0xFFFFFFFF  }
0xa5: {  	s26 =	simm.s32 $execute0_lowered;
	[smem:$0x3FD2] =	sst s25  }
0xa6: {  	s5 =	sshll.u32 s26, $0x1;
	_ =	strace $0x80000046;
	[dreg:$0x1] =	wrdreg $0xFFFFFFFF  }
0xa7: {  	s28 =	simm.s32 $_size_execute0_lowered;
	s3 =	sadd.s32 s3, s5;
	[dreg:$0x0] =	wrdreg $0x0  }
0xa8: {  	s5 =	sshll.u32 s28, $0x1;
	[dreg:$0x2] =	wrdreg s3  }
0xa9: {  	[dreg:$0x3] =	wrdreg s5  }
0xaa: {  	[dreg:$0x4] =	wrdreg $0xC0  }
0xab: {  	_ =	task [dreg:s7], $0x5FFFF  }
0xac: {  	[dreg:$0x1] =	wrdreg $0xFFFFFFFF  }
0xad: {  	[dreg:$0x0] =	wrdreg $0x60  }
0xae: {  	[dreg:$0x2] =	wrdreg s2  }
0xaf: {  	[dreg:$0x3] =	wrdreg s24  }
0xb0: {  	[dreg:$0x4] =	wrdreg $0x9  }
0xb1: {  	_ =	task.clear_ibuf [dreg:s7], $0x5FFFF;
	_ =	strace $0x90000046  }
0xb2: {  	s29 =	simm.s32 $0x9;
	_ =	strace $0x80000048  }
0xb3: {  	_ =	swait.ge [sflag:s29], $0x1  }
0xb4: {  	[sflag:s29] =	ssyncadd.s32 $0xFFFFFFFF  }
0xb5: {  	_ =	strace $0x90000048  }
0xb6: {  	_ =	sfence  }
0xb7: {  	s30 =	sld [smem:$0x0];
	_ =	sdelay $0x2  }
0xb8: {  	s31 =	sshll.u32 s1, $0xD;
	s1 =	sshrl.u32 s1, $0x2  }
0xb9: {  	s3 =	sand.u32 $0x4000, s31;
	s1 =	sadd.s32 s1, s30  }
0xba: {  	s0 =	sor.u32 s3, s0;
	s1 =	sshll.u32 s1, $0x11  }
0xbb: {  	s0 =	sor.u32 s1, s0  }
0xbc: {  	s0 =	sadd.s32 $0x8F2B, s0  }
0xbd: {  	[sflag:s0] =	ssyncadd.remote.s32 $0x1  }
0xbe: {  	_ =	sfence.sel $0xFFFF  }
0xbf: {  	[dreg:$0x0] =	wrdreg $0xFFFFFFFF;
	(pc) =	sbr.abs _section_cstart, $3  }
0xc0: {  	[dreg:$0x1] =	wrdreg $0xFFFFFFFF  }
0xc1: {  	_ =	task.clear_ibuf [dreg:s7], $0x2FFFF;
	_ =	strace $0x9FFFFFFF  }
0xc2: {  	(tm) =	ssettm $0x7FFFFFFF  }
0xc3: {  	_ =	shalt  }
tec
execute0_lowered:
.L_overlay_start_1:
0x0: {  	(tag) =	ssettag $0x1  }
0x1: {  	s2 =	rddreg [dreg:$0x0];
	s1 =	srdreg.scid  }
0x2: {  	s0 =	stileid.u32;
	s8 =	rddreg [dreg:$0x1]  }
0x3: {  	s3 =	simm.s32 $0x0;
	s6 =	sand.u32 $0x1, s1;
	s4 =	sshll.u32 s0, $0x1  }
0x4: {  	s7 =	simm.s32 $0x1;
	[smem:$0x7FF] =	sst s3;
	s9 =	sor.u32 s6, s4  }
0x5: {  	s1 =	rddreg [dreg:$0x2];
	_ =	strace $0x80000047;
	s4 =	sshll.u32 s9, $0x4  }
0x6: {  	s10 =	ssub.s32 $0x2, s6;
	s5 =	sadd.s32 s8, s4;
	s4 =	simm.s32 $0x2  }
0x7: {  	[tilespmem:s3], [sflag:$0x2] =	stream.linear.gather [hbm4b:s5+s3], $0x80, $0x38;
	[tilespmem:$0x4080] =	vst v63  }
0x8: {  	s6 =	simm.s32 $0x80;
	s11 =	sshrl.u32 s10, $0x1;
	_ =	swait.ge [sflag:s4], $0x80  }
0x9: {  	s9 =	sshll.u32 s9, $0xB;
	s31 =	ssub.s32 s10, s11;
	[sflag:s4] =	ssyncset.done $0x0  }
0xa: {  	s8 =	sadd.s32 s9, s8;
	s9 =	smax.u32 s31, $0x1;
	[sflag:s4] =	ssyncadd.s32 $0xFFFFFF80  }
0xb: {  	[tilespmem:s6], [sflag:$0x1] =	stream.indirect.gather [hbm4b:s2+s6], $0x80, s3, s6, $0xb8;
	[tilespmem:$0x4080] =	vst v63  }
0xc: {  	p0 =	sne.s32 s9, $0x1;
	_ =	swait.ge [sflag:s7], $0x4000  }
.Ltmp0:
0xd: {  	[sflag:s7] =	ssyncset.done $0x0;
	(pc) =	sbr.rel @!p0 .LBB2_2-.Ltmp0, $4  }
0xe: {  	s8 =	sadd.s32 $0x200, s8;
	[sflag:s7] =	ssyncadd.s32 $0xFFFFC000  }
0xf: {  	[hbm4b:s8+s3] =	stream.linear.scatter [tilespmem:s6], [sflag:$0x2], $0x4000, $0x38;
	[tilespmem:$0x4080] =	vst v63  }
0x10: {  	_ =	swait.ge [sflag:s4], $0x4000  }
0x11: {  	s9 =	sadd.s32 $0xFFFFFFFF, s9;
	[sflag:s4] =	ssyncset.done $0x0  }
.LBB2_1:
0x12: {  	p0 =	sne.s32 s9, $0x1;
	s9 =	sadd.s32 $0xFFFFFFFF, s9;
	[sflag:s4] =	ssyncadd.s32 $0xFFFFC000  }
0x13: {  	[tilespmem:s3], [sflag:$0x2] =	stream.linear.gather [hbm4b:s5+s3], $0x80, $0x38;
	[tilespmem:$0x4080] =	vst v63  }
0x14: {  	_ =	swait.ge [sflag:s4], $0x80  }
0x15: {  	[sflag:s4] =	ssyncset.done $0x0  }
0x16: {  	[sflag:s4] =	ssyncadd.s32 $0xFFFFFF80  }
0x17: {  	[tilespmem:s6], [sflag:$0x1] =	stream.indirect.gather [hbm4b:s2+s6], $0x80, s3, s6, $0xb8;
	[tilespmem:$0x4080] =	vst v63  }
0x18: {  	_ =	swait.ge [sflag:s7], $0x4000  }
.Ltmp1:
0x19: {  	[sflag:s7] =	ssyncset.done $0x0;
	(pc) =	sbr.rel @p0 .LBB2_1-.Ltmp1, $4  }
0x1a: {  	[sflag:s7] =	ssyncadd.s32 $0xFFFFC000  }
0x1b: {  	[hbm4b:s8+s3] =	stream.linear.scatter [tilespmem:s6], [sflag:$0x2], $0x4000, $0x38;
	[tilespmem:$0x4080] =	vst v63  }
0x1c: {  	_ =	swait.ge [sflag:s4], $0x4000  }
0x1d: {  	[sflag:s4] =	ssyncset.done $0x0  }
.LBB2_2:
0x1e: {  	[sflag:s4] =	ssyncadd.s32 $0xFFFFC000  }
0x1f: {  	_ =	sfence.sel $0x180000  }
0x20: {  	[bflag:$0x0] =	sbarrier.arrive $0xFFFF  }
0x21: {  	p0 =	sne.s32 s0, $0x0;
	_ =	strace $0x90000047  }
0x22: {  	s0 =	sadd.s32 @!p0 $0x100000, s1;
	[bflag:$0x2] =	sbarrier.arrive $0xFFFF  }
0x23: {  	[sflag:s0] =	ssyncadd.tile.s32 @!p0 $0x1;
	_ =	shalt  }
.Lfunc_end2:
_tile_overlayer_lowered:
.L_overlay_start_2:
0x24: {  	(tag) =	ssettag $0x2  }
0x25: {  	s0 =	rddreg [dreg:$0x0];
	s2 =	stileid.u32  }
0x26: {  	s1 =	rddreg [dreg:$0x1];
	p0 =	sne.s32 s2, $0x0  }
0x27: {  	s3 =	rddreg [dreg:$0x2];
	[bflag:$0x3] =	sbarrier.arrive $0xFFFF;
	s2 =	simm.s32 @!p0 $0x1C02  }
0x28: {  	[timem:s3], [sflag:s2] =	dma.local @!p0 [hbm:s0], s1  }
0x29: {  	s0 =	simm.s32 @!p0 $0x2  }
0x2a: {  	_ =	swait.ge @!p0 [sflag:s0], s1  }
0x2b: {  	s1 =	ssub.s32 @!p0 $0x0, s1;
	[sflag:s0] =	ssyncset.done @!p0 $0x0  }
0x2c: {  	[sflag:s0] =	ssyncadd.s32 @!p0 s1  }
0x2d: {  	[bflag:$0x3] =	sbarrier.arrive $0xFFFF  }
0x2e: {  	_ =	shalt  }

// kernel: scatter_offload_async_start.1
scs
__scs_entry_jumppad:
0x0: {  	(pc) =	sbr.rel $0x88, $3  }
0x1: {  	(tag) =	ssettag $0x0;
	lr =	simm.s32 $0x1  }
0x2: {  	[smem:$0x3F8D] =	sst lr;
	_ =	strace $0xD0000000  }
0x3: {  	_ = 	snop  }
0x4: {  	_ = 	snop  }
0x5: {  	_ = 	snop  }
0x6: {  	_ = 	snop  }
0x7: {  	_ = 	snop  }
__scs_overlays_trampoline_lowered:
0x8: {  	[smem:$0x3F9C] =	sst s0  }
0x9: {  	[smem:$0x3F9D] =	sst s1  }
0xa: {  	[smem:$0x3F9E] =	sst s2  }
0xb: {  	[smem:$0x3F9F] =	sst s3  }
0xc: {  	[smem:$0x3FA0] =	sst s4  }
0xd: {  	[smem:$0x3FA1] =	sst s5  }
0xe: {  	[smem:$0x3FA2] =	sst s6  }
0xf: {  	[smem:$0x3FA3] =	sst s7  }
0x10: {  	[smem:$0x3FA4] =	sst s8  }
0x11: {  	[smem:$0x3FA5] =	sst s9;
	s0 =	simm.s32 @!p0 $0x0  }
0x12: {  	s1 =	sld [smem:$0x3F8B];
	s0 =	simm.s32 @p0 $0x1  }
0x13: {  	[smem:$0x3FA6] =	sst s0;
	s0 =	simm.s32 @!p1 $0x0  }
0x14: {  	s2 =	sld [smem:$0x3F8A];
	s0 =	simm.s32 @p1 $0x1  }
0x15: {  	[smem:$0x3FA7] =	sst s0;
	s0 =	simm.s32 @!p2 $0x0  }
0x16: {  	s3 =	sld [smem:$0x3FDB];
	s0 =	simm.s32 @p2 $0x1  }
0x17: {  	s4 =	simm.s32 $0x1BF5;
	[smem:$0x3FA9] =	sst s0  }
0x18: {  	s0 =	sld [smem:$0x3F8C];
	_ =	swait.ge [sflag:s4], $0x0  }
0x19: {  	s7 =	sld [smem:$0x3F8D]  }
0x1a: {  	s8 =	sadd.s32 $0xFFFFE003, lr  }
0x1b: {  	s9 =	sadd.s32 $0xFFFFFEF7, lr;
	s5 =	simm.s32 $0xFFFFFFFF;
	p2 =	slt.u32 s8, $0xFFFFF086  }
0x1c: {  	p1 =	slt.u32 s9, $0xF7A;
	s5 =	simm.s32 @!p2 $0x0  }
0x1d: {  	s5 =	simm.s32 @p1 $0x1;
	p0 =	seq.s32 s7, s2  }
0x1e: {  	s7 =	smul.u32 @!p0 $0xF7A, s2;
	p2 =	seq.s32 @!p0 s5, $0x0  }
0x1f: {  	s9 =	smul.u32 $0xF7A, s1;
	s8 =	simm.s32 @!p0 $0x1BF5;
	p2 =	por !p2, p0  }
0x20: {  	[sflag:s8] =	ssyncset.s32 @!p0 $0xFFFFF086;
	s6 =	sadd.s32 @!p0 s3, s7;
	s7 =	simm.s32 @!p0 $0x108  }
0x21: {  	s3 =	sadd.s32 s3, s9;
	s6 =	sadd.s32 @!p0 $0x88, s6;
	s7 =	simm.s32 @p2 $0x1082  }
0x22: {  	[simem:s7], [sflag:s8] =	dma.local @!p0 [hbm:s6], $0xF7A  }
0x23: {  	s9 =	sor.u32 $0xD0000000, s2;
	s6 =	simm.s32 $0x108;
	_ =	swait.ge @!p0 [sflag:s8], $0x0  }
0x24: {  	s3 =	sadd.s32 $0x88, s3;
	s6 =	simm.s32 @!p1 $0x1082;
	[sflag:s4] =	ssyncset.s32 $0xFFFFF086  }
0x25: {  	[simem:s6], [sflag:s4] =	dma.local [hbm:s3], $0xF7A  }
0x26: {  	[smem:$0x3F8D] =	sst s1;
	(tag) =	ssettag s2;
	_ =	strace s9  }
0x27: {  	s1 =	sld [smem:$0x3F9D]  }
0x28: {  	s2 =	sld [smem:$0x3F9E]  }
0x29: {  	s4 =	sld [smem:$0x3FA0]  }
0x2a: {  	p0 =	seq.s32 s5, $0x0;
	s5 =	sld [smem:$0x3FA1]  }
0x2b: {  	s6 =	sld [smem:$0x3FA2]  }
0x2c: {  	s7 =	sld [smem:$0x3FA3]  }
0x2d: {  	s3 =	simm.s32 $0x108;
	s8 =	sld [smem:$0x3FA4]  }
0x2e: {  	s3 =	simm.s32 @!p0 $0x1082;
	s9 =	sld [smem:$0x3FA5]  }
0x2f: {  	lr =	sadd.s32 s0, s3;
	s0 =	sld [smem:$0x3F9C]  }
0x30: {  	s3 =	sld [smem:$0x3F9F]  }
0x31: {  	[smem:$0x3FA8] =	sst s10  }
0x32: {  	s10 =	sld [smem:$0x3FA6];
	_ =	sdelay $0x3  }
0x33: {  	p0 =	seq.s32 s10, $0x1;
	s10 =	sld [smem:$0x3FA8];
	_ =	sdelay $0x3  }
0x34: {  	[smem:$0x3FA8] =	sst s10  }
0x35: {  	s10 =	sld [smem:$0x3FA7];
	_ =	sdelay $0x3  }
0x36: {  	p1 =	seq.s32 s10, $0x1;
	s10 =	sld [smem:$0x3FA8];
	_ =	sdelay $0x3  }
0x37: {  	[smem:$0x3FA8] =	sst s10  }
0x38: {  	s10 =	sld [smem:$0x3FA9]  }
0x39: {  	_ = 	snop;
	(pc) =	sbr.ind lr, $3  }
0x3a: {  	_ = 	snop  }
0x3b: {  	_ = 	snop  }
0x3c: {  	p2 =	seq.s32 s10, $0x1;
	s10 =	sld [smem:$0x3FA8]  }
0x3d: {  	_ =	shalt  }
0x3e: {  	_ =	shalt  }
0x3f: {  	_ =	shalt  }
0x40: {  	_ =	shalt  }
0x41: {  	_ =	shalt  }
0x42: {  	_ =	shalt  }
0x43: {  	_ =	shalt  }
0x44: {  	_ =	shalt  }
0x45: {  	_ =	shalt  }
0x46: {  	_ =	shalt  }
0x47: {  	_ =	shalt  }
0x48: {  	_ =	shalt  }
0x49: {  	_ =	shalt  }
0x4a: {  	_ =	shalt  }
0x4b: {  	_ =	shalt  }
0x4c: {  	_ =	shalt  }
0x4d: {  	_ =	shalt  }
0x4e: {  	_ =	shalt  }
0x4f: {  	_ =	shalt  }
0x50: {  	_ =	shalt  }
0x51: {  	_ =	shalt  }
0x52: {  	_ =	shalt  }
0x53: {  	_ =	shalt  }
0x54: {  	_ =	shalt  }
0x55: {  	_ =	shalt  }
0x56: {  	_ =	shalt  }
0x57: {  	_ =	shalt  }
0x58: {  	_ =	shalt  }
0x59: {  	_ =	shalt  }
0x5a: {  	_ =	shalt  }
0x5b: {  	_ =	shalt  }
0x5c: {  	_ =	shalt  }
0x5d: {  	_ =	shalt  }
0x5e: {  	_ =	shalt  }
0x5f: {  	_ =	shalt  }
0x60: {  	_ =	shalt  }
0x61: {  	_ =	shalt  }
0x62: {  	_ =	shalt  }
0x63: {  	_ =	shalt  }
0x64: {  	_ =	shalt  }
0x65: {  	_ =	shalt  }
0x66: {  	_ =	shalt  }
0x67: {  	_ =	shalt  }
0x68: {  	_ =	shalt  }
0x69: {  	_ =	shalt  }
0x6a: {  	_ =	shalt  }
0x6b: {  	_ =	shalt  }
0x6c: {  	_ =	shalt  }
0x6d: {  	_ =	shalt  }
0x6e: {  	_ =	shalt  }
0x6f: {  	_ =	shalt  }
0x70: {  	_ =	shalt  }
0x71: {  	_ =	shalt  }
0x72: {  	_ =	shalt  }
0x73: {  	_ =	shalt  }
0x74: {  	_ =	shalt  }
0x75: {  	_ =	shalt  }
0x76: {  	_ =	shalt  }
0x77: {  	_ =	shalt  }
0x78: {  	_ =	shalt  }
0x79: {  	_ =	shalt  }
0x7a: {  	_ =	shalt  }
0x7b: {  	_ =	shalt  }
0x7c: {  	_ =	shalt  }
0x7d: {  	_ =	shalt  }
0x7e: {  	_ =	shalt  }
0x7f: {  	_ =	shalt  }
0x80: {  	_ =	shalt  }
0x81: {  	_ =	shalt  }
0x82: {  	_ =	shalt  }
0x83: {  	_ =	shalt  }
0x84: {  	_ =	shalt  }
0x85: {  	_ =	shalt  }
0x86: {  	_ =	shalt  }
0x87: {  	_ =	shalt  }
.Lfunc_end0:
.L_simem_size_0:
called_computation.1_lowered:
.L_overlay_start_0:
0x88: {  	s2 =	sld [smem:$0x3FD9]  }
0x89: {  	s3 =	sld [smem:$0x3FFE];
	_ =	sdelay $0x1  }
0x8a: {  	s1 =	srdreg.scid  }
0x8b: {  	s0 =	sand.u32 $0x1, s1  }
0x8c: {  	s15 =	sshll.u32 s0, $0xA;
	s2 =	sadd.s32 s3, s2  }
0x8d: {  	s2 =	sadd.s32 s2, s15  }
0x8e: {  	[smem:$0x3FB4] =	sst s2  }
0x8f: {  	_ = 	snop  }
0x90: {  	(tm) =	ssettm $0x1  }
0x91: {  	s16 =	sld [smem:$0x3FFB];
	_ =	sdelay $0x3  }
0x92: {  	_ =	strace s16  }
0x93: {  	s2 =	sld [smem:$0x3FFC];
	_ =	sdelay $0x3  }
0x94: {  	_ =	strace s2  }
0x95: {  	s2 =	sld [smem:$0x3FFD];
	_ =	sdelay $0x3  }
0x96: {  	_ =	strace s2  }
0x97: {  	_ =	strace $0x8FFFFFFF  }
0x98: {  	s17 =	sld [smem:$0x3FDB];
	_ =	sdelay $0x1  }
0x99: {  	s18 =	simm.s32 $_scs_section_size  }
0x9a: {  	s4 =	simm.s32 $_size__tile_overlayer_lowered;
	s5 =	simm.s32 $_tile_overlayer_lowered  }
0x9b: {  	s21 =	simm.s32 $0x1BFF;
	s20 =	sshll.u32 s5, $0x1;
	s2 =	sadd.s32 s18, s17  }
0x9c: {  	s6 =	simm.s32 $0x0;
	s19 =	sshll.u32 s4, $0x1;
	s4 =	sadd.s32 s20, s2  }
0x9d: {  	[timem:s6], [sflag:s21] =	dma.local [hbm:s4], s19  }
0x9e: {  	_ =	swait.ge [sflag:s21], s19  }
0x9f: {  	s3 =	ssub.s32 $0x0, s19;
	[sflag:s21] =	ssyncset.done $0x0  }
0xa0: {  	[sflag:s21] =	ssyncadd.s32 s3;
	_ =	sdelay $0x1  }
0xa1: {  	s22 =	simm.s32 $0x1B8B  }
0xa2: {  	_ =	swait.ge [sflag:s22], $0x1  }
0xa3: {  	[sflag:s22] =	ssyncset.done $0x0  }
0xa4: {  	s23 =	sld [smem:$0x3FFE];
	[sflag:s22] =	ssyncadd.s32 $0xFFFFFFFF  }
0xa5: {  	s25 =	simm.s32 $0x1B8E;
	s24 =	sld [smem:$0x0]  }
0xa6: {  	s26 =	simm.s32 $execute0_lowered;
	[smem:$0x3FD2] =	sst s25  }
0xa7: {  	s5 =	sshll.u32 s26, $0x1;
	_ =	strace $0x8000004F;
	[dreg:$0x1] =	wrdreg $0xFFFFFFFF  }
0xa8: {  	s28 =	simm.s32 $_size_execute0_lowered;
	s2 =	sadd.s32 s2, s5;
	[dreg:$0x0] =	wrdreg $0x0  }
0xa9: {  	s5 =	sshll.u32 s28, $0x1;
	[dreg:$0x2] =	wrdreg s2  }
0xaa: {  	[dreg:$0x3] =	wrdreg s5  }
0xab: {  	[dreg:$0x4] =	wrdreg $0xC0  }
0xac: {  	_ =	task [dreg:s6], $0x5FFFF  }
0xad: {  	[dreg:$0x1] =	wrdreg $0xFFFFFFFF  }
0xae: {  	[dreg:$0x0] =	wrdreg $0x60  }
0xaf: {  	[dreg:$0x2] =	wrdreg s23  }
0xb0: {  	[dreg:$0x3] =	wrdreg s1  }
0xb1: {  	[dreg:$0x4] =	wrdreg s24  }
0xb2: {  	[dreg:$0x5] =	wrdreg $0x9  }
0xb3: {  	_ =	task.clear_ibuf [dreg:s6], $0x6FFFF;
	_ =	strace $0x9000004F  }
0xb4: {  	s29 =	simm.s32 $0x9;
	_ =	strace $0x80000051  }
0xb5: {  	_ =	swait.ge [sflag:s29], $0x1  }
0xb6: {  	[sflag:s29] =	ssyncadd.s32 $0xFFFFFFFF  }
0xb7: {  	_ =	strace $0x90000051  }
0xb8: {  	_ =	sfence  }
0xb9: {  	s30 =	sld [smem:$0x0];
	_ =	sdelay $0x2  }
0xba: {  	s31 =	sshll.u32 s1, $0xD;
	s1 =	sshrl.u32 s1, $0x2  }
0xbb: {  	s3 =	sand.u32 $0x4000, s31;
	s1 =	sadd.s32 s1, s30  }
0xbc: {  	s0 =	sor.u32 s3, s0;
	s1 =	sshll.u32 s1, $0x11  }
0xbd: {  	s0 =	sor.u32 s1, s0  }
0xbe: {  	s0 =	sadd.s32 $0x8F2B, s0  }
0xbf: {  	[sflag:s0] =	ssyncadd.remote.s32 $0x1  }
0xc0: {  	_ =	sfence.sel $0xFFFF  }
0xc1: {  	[dreg:$0x0] =	wrdreg $0xFFFFFFFF;
	(pc) =	sbr.abs _section_cstart, $3  }
0xc2: {  	[dreg:$0x1] =	wrdreg $0xFFFFFFFF  }
0xc3: {  	_ =	task.clear_ibuf [dreg:s6], $0x2FFFF;
	_ =	strace $0x9FFFFFFF  }
0xc4: {  	(tm) =	ssettm $0x7FFFFFFF  }
0xc5: {  	_ =	shalt  }
tec
execute0_lowered:
.L_overlay_start_1:
0x0: {  	(tag) =	ssettag $0x1  }
0x1: {  	s2 =	rddreg [dreg:$0x0]  }
0x2: {  	s3 =	rddreg [dreg:$0x1];
	_ =	strace $0x80000050;
	s0 =	simm.s32 $0x1  }
0x3: {  	v0 =	vimm.s32 $0x0;
	[sflag:s0] =	ssyncpa.u1 $0x0;
	s0 =	simm.s32 $0x108  }
0x4: {  	[tilespmem:s0+$0x70] =	vst v0  }
0x5: {  	[tilespmem:s0+$0x60] =	vst v0  }
0x6: {  	[tilespmem:s0+$0x50] =	vst v0  }
0x7: {  	[tilespmem:s0+$0x40] =	vst v0  }
0x8: {  	[tilespmem:s0+$0x30] =	vst v0  }
0x9: {  	s1 =	sadd.s32 $0x1A200, s2;
	s15 =	sadd.s32 $0x10200, s2;
	s6 =	sadd.s32 $0x196C00, s2;
	[tilespmem:s0+$0x20] =	vst v0  }
0xa: {  	s14 =	sadd.s32 $0x15200, s2;
	s5 =	sand.u32 $0x1, s3;
	s3 =	simm.s32 $0x40;
	[tilespmem:s0+$0x10] =	vst v0  }
.LBB2_1:
0xb: {  	s3 =	sadd.s32 $0x40, s3;
	[tilespmem:s0+$0x0] =	vst v0;
	s0 =	sadd.s32 $0x80, s0  }
0xc: {  	p0 =	slt.u32 s3, $0x3C40;
	[tilespmem:s0+$0x70] =	vst v0  }
0xd: {  	[tilespmem:s0+$0x60] =	vst v0  }
.Ltmp0:
0xe: {  	[tilespmem:s0+$0x50] =	vst v0;
	(pc) =	sbr.rel @p0 .LBB2_1-.Ltmp0, $4  }
0xf: {  	[tilespmem:s0+$0x40] =	vst v0  }
0x10: {  	[tilespmem:s0+$0x30] =	vst v0  }
0x11: {  	[tilespmem:s0+$0x20] =	vst v0  }
0x12: {  	[tilespmem:s0+$0x10] =	vst v0  }
0x13: {  	s9 =	stileid.u32  }
0x14: {  	s2 =	smul.u32 $0x15, s9  }
0x15: {  	s3 =	smin.u32 s9, $0x6  }
0x16: {  	s2 =	sadd.s32 s3, s2  }
0x17: {  	p0 =	slt.u32 s9, $0x6;
	s7 =	smul.u32 $0xF0, s2;
	s2 =	simm.s32 $0x14A0  }
0x18: {  	s2 =	simm.s32 @!p0 $0x13B0  }
0x19: {  	s2 =	sadd.s32 s2, s7  }
0x1a: {  	s8 =	smin.u32 s2, $0x14000  }
0x1b: {  	s2 =	ssub.s32 s8, s7  }
0x1c: {  	p0 =	sgt.s32 s2, $0x0  }
0x1d: {  	s29 =	simm.s32 $0x2;
	s10 =	simm.s32 $0x9;
	s2 =	simm.s32 @!p0 $0x0  }
0x1e: {  	s4 =	simm.s32 $0xA;
	s11 =	simm.s32 $0xB;
	s28 =	smulhi.u32 $0x88888889, s2  }
0x1f: {  	[dreg:$0x4] =	wrdreg s5;
	s31 =	smul.u32 $0x2800, s5;
	s12 =	simm.s32 $0x1  }
0x20: {  	s22 =	simm.s32 $0x0;
	s18 =	simm.s32 $0xC;
	s30 =	sshrl.u32 s28, $0x7  }
0x21: {  	s20 =	simm.s32 $0x0;
	s21 =	simm.s32 $0x0;
	s3 =	smul.u32 $0xF0, s30  }
.Ltmp1:
0x22: {  	[tilespmem:s0+$0x0] =	vst v0;
	v0 =	vimm.s32 $0xFFFFFFFF;
	[sflag:s29] =	ssyncpa.u1 $0x0;
	s16 =	sshll.u32 s9, $0x8;
	(pc) =	sbr.rel .LBB2_3-.Ltmp1, $4  }
0x23: {  	[tilespmem:$0xF208] =	vst v0;
	[sflag:s10] =	ssyncpa.u1 $0x0;
	p0 =	sne.s32 s2, s3;
	s2 =	simm.s32 $0x1  }
0x24: {  	s14 =	sadd.s32 s31, s14;
	[sflag:s4] =	ssyncpa.u1 $0x0;
	s2 =	simm.s32 @!p0 $0x0  }
0x25: {  	s15 =	sadd.s32 s31, s15;
	[sflag:s11] =	ssyncpa.u1 $0x0;
	s13 =	sadd.s32 s2, s30  }
0x26: {  	v0 =	vlaneseq.u32;
	s19 =	smov.u32 s7;
	p0 =	por $0x0, $0x0;
	s17 =	sadd.s32 $0x1, s13  }
.LBB2_18:
0x27: {  	s0 =	sshrl.u32 s31, $0x2  }
.LBB2_20:
0x28: {  	_ =	swait.ge [sflag:s18], s0  }
0x29: {  	s31 =	ssub.s32 $0x0, s0;
	v1 =	vmov s24;
	vm0 =	veq.s32 v0, $0x0;
	[sflag:s18] =	ssyncset.done $0x0  }
0x2a: {  	vm15 =	veq.s32 v0, $0x2;
	v1 =	vsel vm0, s30, v1;
	[sflag:s18] =	ssyncadd.s32 s31  }
0x2b: {  	v1 =	vsel vm15, s22, v1;
	[sflag:s18] =	ssyncpa.u1 $0x1  }
0x2c: {  	[tilespmem:$0xF208] =	vst v1  }
.LBB2_21:
0x2d: {  	s0 =	sadd.s32 $0xF0, s19  }
0x2e: {  	s2 =	smov.u32 s7;
	p1 =	slt.s32 s0, s8  }
0x2f: {  	s2 =	smov.u32 @p1 s0;
	p1 =	sne.s32 s21, s17  }
.Ltmp2:
0x30: {  	_ = 	snop;
	(pc) =	sbr.rel @!p1 .LBB2_22-.Ltmp2, $3  }
0x31: {  	_ =	sdelay $0x1  }
0x32: {  	s22 =	smov.u32 s20;
	s31 =	sadd.s32 $0x1, s21;
	s20 =	smov.u32 s19  }
0x33: {  	p0 =	por !p0, !p0;
	s21 =	smov.u32 s31;
	s19 =	smov.u32 s2  }
.LBB2_3:
0x34: {  	p1 =	sge.u32 s21, s13  }
0x35: {  	s0 =	smulhi.u32 @!p1 $0xAAAAAAAB, s21  }
0x36: {  	s2 =	smov.u32 s19;
	p2 =	sgt.s32 @!p1 s19, $0x13F10  }
0x37: {  	s3 =	sshra.s32 @!p1 s19, $0x1F;
	p2 =	por !p2, p1;
	s0 =	sshrl.u32 @!p1 s0, $0x1  }
0x38: {  	s3 =	sand.u32 @!p1 s3, s19;
	s2 =	simm.s32 @p2 $0x13F10;
	s0 =	smul.u32 @!p1 $0x3, s0  }
0x39: {  	s2 =	ssub.s32 @!p1 s2, s3  }
0x3a: {  	s2 =	sadd.s32 @!p1 $0xFFFEC0F0, s2;
	s0 =	ssub.s32 @!p1 s21, s0  }
0x3b: {  	s3 =	sshll.u32 @!p1 s2, $0x2;
	p2 =	sgt.s32 @!p1 s2, $0xEF;
	s0 =	smul.u32 @!p1 $0x3C0, s0  }
0x3c: {  	s4 =	sand.u32 @!p1 $0x7, s19;
	s2 =	ssub.s32 @!p1 $0x3C0, s3;
	p2 =	por !p2, p1  }
0x3d: {  	s3 =	sshrl.u32 @!p1 s19, $0x3;
	s2 =	sshrl.u32 @!p1 s2, $0x2;
	s0 =	sshrl.u32 @!p1 s0, $0x2  }
0x3e: {  	s3 =	sadd.s32 @!p1 s3, s14;
	s2 =	simm.s32 @!p2 $0x0;
	s0 =	sadd.s32 @!p1 $0x10248, s0  }
0x3f: {  	[tilespmem:s0], [sflag:$0xA] =	stream.linear.gather @!p1 [hbm4b:s3+s4], s2, $0x38;
	[tilespmem:$0x1F6F8] =	vst v63  }
0x40: {  	s0 =	sadd.s32 $0xFFFFFFFF, s21  }
0x41: {  	p1 =	sge.u32 s0, s13  }
0x42: {  	p2 =	sgt.s32 @!p1 s20, $0x13F10  }
0x43: {  	s2 =	smov.u32 s20;
	s3 =	sshra.s32 @!p1 s20, $0x1F;
	p2 =	por !p2, p1  }
0x44: {  	s3 =	sand.u32 @!p1 s3, s20;
	s2 =	simm.s32 @p2 $0x13F10  }
0x45: {  	s2 =	ssub.s32 @!p1 s2, s3  }
0x46: {  	s2 =	sadd.s32 @!p1 $0xFFFEC0F0, s2  }
0x47: {  	s4 =	sand.u32 @!p1 $0x1, s0;
	s3 =	sshll.u32 @!p1 s2, $0x2  }
0x48: {  	p2 =	sgt.s32 @!p1 s2, $0xEF;
	s2 =	ssub.s32 @!p1 $0x3C0, s3;
	s3 =	smulhi.u32 @!p1 $0xAAAAAAAB, s0  }
0x49: {  	s23 =	smul.u32 @!p1 $0x3C0, s4;
	p2 =	por !p2, p1;
	s2 =	sshrl.u32 @!p1 s2, $0x2  }
0x4a: {  	s5 =	simm.s32 @!p1 $0xA;
	s2 =	simm.s32 @!p2 $0x0;
	s3 =	sshrl.u32 @!p1 s3, $0x1  }
0x4b: {  	s23 =	sshrl.u32 @!p1 s23, $0x2;
	_ =	swait.ge @!p1 [sflag:s5], s2;
	s3 =	smul.u32 @!p1 $0x3, s3  }
0x4c: {  	s23 =	sadd.s32 @!p1 $0x10518, s23;
	s24 =	ssub.s32 @!p1 $0x0, s2;
	[sflag:s5] =	ssyncset.done @!p1 $0x0  }
0x4d: {  	[sflag:s5] =	ssyncadd.s32 @!p1 s24;
	s5 =	sshrl.u32 @!p1 s20, $0x3;
	s0 =	ssub.s32 @!p1 s0, s3  }
0x4e: {  	s24 =	sand.u32 @!p1 $0x7, s20;
	s5 =	sadd.s32 @!p1 s5, s15;
	s0 =	smul.u32 @!p1 $0x3C0, s0  }
0x4f: {  	[tilespmem:s23], [sflag:$0xB] =	stream.linear.gather @!p1 [hbm4b:s5+s24], s2, $0x38;
	[tilespmem:$0x1F6F8] =	vst v63  }
0x50: {  	s3 =	ssub.s32 @!p1 $0x14000, s20;
	s2 =	smul.u32 @!p1 $0x1E000, s4  }
0x51: {  	p2 =	slt.s32 @!p1 s3, $0xF0  }
0x52: {  	p2 =	por !p2, p1;
	s0 =	sshrl.u32 @!p1 s0, $0x2;
	s2 =	sshrl.u32 @!p1 s2, $0x2  }
0x53: {  	s3 =	simm.s32 @p2 $0xF0;
	s0 =	sadd.s32 @!p1 $0x10248, s0;
	s2 =	sor.u32 @!p1 $0x106F8, s2  }
0x54: {  	[tilespmem:s2], [sflag:$0x9] =	stream.indirect.gather @!p1 [hbm4b:s6+s3], $0x80, s0, s3, $0xb8;
	[tilespmem:$0x1F6F8] =	vst v63  }
0x55: {  	p1 =	slt.u32 s21, $0x2  }
.Ltmp3:
0x56: {  	_ = 	snop;
	(pc) =	sbr.rel @p1 .LBB2_21-.Ltmp3, $1  }
0x57: {  	_ =	sdelay $0x3  }
0x58: {  	p1 =	sgt.s32 s22, $0x13F10  }
0x59: {  	s0 =	smov.u32 s22;
	s2 =	sshra.s32 s22, $0x1F;
	s3 =	ssub.s32 $0x14000, s22  }
0x5a: {  	s0 =	simm.s32 @!p1 $0x13F10;
	s2 =	sand.u32 s2, s22;
	p1 =	slt.s32 s3, $0xF0  }
0x5b: {  	s0 =	ssub.s32 s0, s2;
	s3 =	simm.s32 @!p1 $0xF0  }
0x5c: {  	s0 =	sadd.s32 $0xFFFEC0F0, s0;
	s25 =	sshll.u32 s3, $0x7  }
0x5d: {  	s26 =	sshll.u32 s0, $0x2;
	s2 =	sand.u32 $0x3FFFFF80, s25  }
0x5e: {  	p1 =	sgt.s32 s0, $0xEF;
	s29 =	ssub.s32 $0x3C0, s26;
	_ =	swait.ge [sflag:s10], s2  }
0x5f: {  	s2 =	ssub.s32 $0x0, s2;
	[sflag:s10] =	ssyncset.done $0x0;
	s0 =	sshrl.u32 s29, $0x2  }
0x60: {  	[sflag:s10] =	ssyncadd.s32 s2;
	s0 =	simm.s32 @p1 $0x0  }
0x61: {  	_ =	swait.ge [sflag:s11], s0  }
0x62: {  	s0 =	ssub.s32 $0x0, s0;
	[sflag:s11] =	ssyncset.done $0x0  }
0x63: {  	[sflag:s11] =	ssyncadd.s32 s0  }
0x64: {  	v1 =	vld [tilespmem:$0xF208];
	_ =	sdelay $0x4  }
0x65: {  	(v2sf) =	vpush v1, $0x0  }
0x66: {  	(v2sf) =	vpush v1, $0x1  }
0x67: {  	(v2sf) =	vpush v1, $0x2;
	_ =	sdelay $0x3  }
0x68: {  	s0 =	sadd.s32 $0xF0, s22  }
0x69: {  	s2 =	ssub.s32 $0x28000, s22;
	p1 =	slt.s32 s8, s0  }
0x6a: {  	s0 =	smov.u32 @p1 s8;
	p1 =	sgt.s32 s2, $0x0  }
0x6b: {  	s26 =	ssub.s32 s0, s22;
	s2 =	simm.s32 @!p1 $0x0  }
0x6c: {  	p1 =	slt.s32 s2, s26  }
0x6d: {  	s26 =	smov.u32 @p1 s2  }
0x6e: {  	s25 =	simm.s32 $0x1;
	p1 =	slt.s32 s26, $0x1  }
.Ltmp4:
0x6f: {  	s25 =	simm.s32 @!p0 $0x0;
	(pc) =	sbr.rel @p1 .LBB2_8-.Ltmp4, $4  }
0x70: {  	s31 =	smul.u32 $0x3C0, s25  }
0x71: {  	s28 =	spop (v2sf)  }
0x72: {  	s0 =	sshrl.u32 s31, $0x2;
	s30 =	spop (v2sf)  }
0x73: {  	s23 =	sadd.s32 $0x10518, s0;
	s22 =	spop (v2sf)  }
0x74: {  	s0 =	smin.u32 s26, $0x10  }
0x75: {  	v1 =	vmov s0  }
0x76: {  	p2 =	sgt.s32 s26, $0x10;
	vm1 =	vgt.u32 v1, v0  }
.Ltmp5:
0x77: {  	_ = 	snop;
	(pc) =	sbr.rel @!p2 .LBB2_7-.Ltmp5, $2  }
0x78: {  	_ =	sdelay $0x2  }
0x79: {  	s4 =	simm.s32 $0x10;
	s24 =	sadd.s32 $0xFFFFFFF0, s26;
	s0 =	smov.u32 s23;
	vm0 =	vmmov vm1  }
.LBB2_6:
0x7a: {  	s2 =	smin.u32 s24, $0x10;
	s4 =	sadd.s32 $0x10, s4;
	v1 =	vld.msk [tilespmem:s0+$0x0 ss:$0x1], vm1  }
0x7b: {  	v2 =	vmov s2;
	p2 =	slt.s32 s4, s26  }
0x7c: {  	vm1 =	vgt.u32 v2, v0  }
.Ltmp6:
0x7d: {  	(pc) =	sbr.rel @p2 .LBB2_6-.Ltmp6, $3  }
0x7e: {  	_ =	sdelay $0x1  }
0x7f: {  	v1 =	vshll.u32 v1, $0x4  }
0x80: {  	s24 =	sadd.s32 $0xFFFFFFF0, s24;
	[tilespmem:s0+$0x0] =	vst.msk vm0, v1;
	s0 =	sadd.s32 $0x10, s0;
	vm0 =	vmmov vm1  }
.LBB2_7:
0x81: {  	_ =	sdelay $0x4  }
0x82: {  	v1 =	vld.msk [tilespmem:s0+$0x0 ss:$0x1], vm1;
	_ =	sdelay $0x4  }
0x83: {  	v1 =	vshll.u32 v1, $0x4  }
0x84: {  	[tilespmem:s0+$0x0] =	vst.msk vm0, v1  }
.LBB2_8:
0x85: {  	s0 =	sand.u32 $0x1, s21  }
0x86: {  	s2 =	smul.u32 $0x7800, s0  }
0x87: {  	p2 =	sne.s32 s30, $0xFFFFFFFF  }
0x88: {  	v1 =	vld @!p2 [tilespmem:s2+$0x106F8];
	_ =	sdelay $0x2  }
0x89: {  	s0 =	smul.u32 $0xF0, s0;
	_ =	sdelay $0x1  }
0x8a: {  	v2 =	vld.msk @!p2 [tilespmem:s0+$0x10518], $0x1;
	[tilespmem:$0x108] =	vst @!p2 v1  }
0x8b: {  	v1 =	vld @!p2 [tilespmem:s2+$0x10708];
	_ =	sdelay $0x4  }
0x8c: {  	[tilespmem:$0x118] =	vst @!p2 v1  }
0x8d: {  	v1 =	vld @!p2 [tilespmem:s2+$0x10718];
	_ =	sdelay $0x4  }
0x8e: {  	[tilespmem:$0x128] =	vst @!p2 v1  }
0x8f: {  	v1 =	vld @!p2 [tilespmem:s2+$0x10728];
	_ =	sdelay $0x4  }
0x90: {  	[tilespmem:$0x138] =	vst @!p2 v1  }
0x91: {  	v1 =	vld @!p2 [tilespmem:s2+$0x10738];
	_ =	sdelay $0x4  }
0x92: {  	[tilespmem:$0x148] =	vst @!p2 v1  }
0x93: {  	(v2sf) =	vpush @!p2 v2, $0x0;
	v1 =	vld @!p2 [tilespmem:s2+$0x10748];
	_ =	sdelay $0x4  }
0x94: {  	[tilespmem:$0x158] =	vst @!p2 v1  }
0x95: {  	v1 =	vld @!p2 [tilespmem:s2+$0x10758];
	_ =	sdelay $0x4  }
0x96: {  	[tilespmem:$0x168] =	vst @!p2 v1  }
0x97: {  	v1 =	vld @!p2 [tilespmem:s2+$0x10768]  }
.Ltmp7:
0x98: {  	_ = 	snop;
	(pc) =	sbr.rel @p1 .LBB2_19-.Ltmp7, $4  }
0x99: {  	_ = 	snop  }
0x9a: {  	s29 =	spop @!p2 (v2sf)  }
0x9b: {  	s22 =	simm.s32 @!p2 $0x0;
	s24 =	smov.u32 s29  }
0x9c: {  	s29 =	smov.u32 @p2 s28;
	s24 =	smov.u32 @p2 s30;
	[tilespmem:$0x178] =	vst @!p2 v1;
	[sflag:s18] =	ssyncpa.u1 $0x0  }
0x9d: {  	v1 =	vld.msk [tilespmem:s23+$0x0], $0x1;
	_ =	sdelay $0x4  }
0x9e: {  	(v2sf) =	vpush v1, $0x0;
	_ =	sdelay $0xe  }
0x9f: {  	s2 =	smul.u32 $0x1E000, s25;
	s0 =	spop (v2sf)  }
0xa0: {  	s26 =	ssub.s32 $0x0, s26;
	p1 =	seq.s32 s29, s0  }
0xa1: {  	s30 =	sadd.s32 $0x1, s26;
	s2 =	sshrl.u32 s2, $0x2;
	p2 =	sgt.s32 @!p1 s29, $0x0  }
0xa2: {  	s25 =	sor.u32 $0x10738, s2;
	s2 =	smov.u32 s29;
	p2 =	por !p2, p1  }
0xa3: {  	s2 =	simm.s32 @p2 $0x0;
	p2 =	seq.s32 s30, $0x0  }
.Ltmp8:
0xa4: {  	_ = 	snop;
	(pc) =	sbr.rel @p2 .LBB2_11-.Ltmp8, $4  }
0xa5: {  	_ = 	snop  }
0xa6: {  	s28 =	simm.s32 $0x0;
	s31 =	sadd.s32 $0x1, s23;
	s2 =	smin.u32 @!p1 s2, $0x1FFF0  }
0xa7: {  	s4 =	simm.s32 @!p1 $0x1;
	s5 =	simm.s32 @!p1 $0x7988;
	s3 =	sand.u32 @!p1 $0x1FFF8, s2  }
0xa8: {  	s4 =	smov.u32 @p1 s28;
	s2 =	sand.u32 @!p1 $0x7, s2;
	s3 =	sadd.s32 @!p1 s1, s3  }
.LBB2_10:
0xa9: {  	s9 =	smov.u32 s4  }
0xaa: {  	[tilespmem:s5], [sflag:$0x2] =	stream.linear.gather @!p1 [hbm4b:s3+s2], $0x80, $0x38;
	[tilespmem:$0x1F6F8] =	vst v63  }
0xab: {  	s30 =	sadd.s32 $0x1, s30;
	s2 =	smov.u32 s0;
	v1 =	vld.msk [tilespmem:s31+$0x0], $0x1  }
0xac: {  	p2 =	seq.s32 s30, $0x0;
	_ =	sdelay $0x3  }
0xad: {  	(v2sf) =	vpush v1, $0x0;
	_ =	sdelay $0xe  }
0xae: {  	s0 =	spop (v2sf)  }
0xaf: {  	p1 =	seq.s32 s2, s0  }
0xb0: {  	p3 =	sgt.s32 @!p1 s2, $0x0;
	s3 =	sshll.u32 @!p1 s4, $0x9;
	s4 =	sadd.s32 @!p1 $0x1, s4  }
.Ltmp9:
0xb1: {  	p3 =	por !p3, p1;
	s3 =	sshra.s32 @!p1 s3, $0x2;
	(pc) =	sbr.rel @!p2 .LBB2_10-.Ltmp9, $4  }
0xb2: {  	s4 =	smov.u32 @p1 s9;
	s2 =	simm.s32 @p3 $0x0;
	s5 =	sadd.s32 @!p1 $0x7988, s3  }
0xb3: {  	s2 =	smin.u32 @!p1 s2, $0x1FFF0  }
0xb4: {  	s3 =	sand.u32 @!p1 $0x1FFF8, s2;
	s2 =	sand.u32 @!p1 $0x7, s2  }
0xb5: {  	s31 =	sadd.s32 $0x1, s31;
	s3 =	sadd.s32 @!p1 s1, s3  }
.LBB2_11:
0xb6: {  	[tilespmem:s5], [sflag:$0x2] =	stream.linear.gather @!p1 [hbm4b:s3+s2], $0x80, $0x38;
	[tilespmem:$0x1F6F8] =	vst v63  }
.Ltmp10:
0xb7: {  	s0 =	sshll.u32 s4, $0x7;
	(pc) =	sbr.rel .LBB2_12-.Ltmp10, $4  }
0xb8: {  	s30 =	simm.s32 $0x2;
	s0 =	sand.u32 $0x3FFFFF80, s0  }
0xb9: {  	_ =	swait.ge [sflag:s30], s0  }
0xba: {  	s0 =	ssub.s32 $0x0, s0;
	[sflag:s30] =	ssyncset.done $0x0  }
0xbb: {  	s31 =	simm.s32 $0x0;
	[sflag:s30] =	ssyncadd.s32 s0  }
.LBB2_13:
0xbc: {  	s0 =	sshra.s32 s0, $0x2;
	v1 =	vld [tilespmem:s25+$0xFFFFFFC0]  }
0xbd: {  	v2 =	vld [tilespmem:s0+$0x108];
	_ =	sdelay $0x4  }
0xbe: {  	v1 =	vmax.f32 v1, v2  }
0xbf: {  	v2 =	vld [tilespmem:s0+$0x118];
	[tilespmem:s0+$0x108] =	vst v1  }
0xc0: {  	v1 =	vld [tilespmem:s25+$0xFFFFFFD0];
	_ =	sdelay $0x4  }
0xc1: {  	v1 =	vmax.f32 v1, v2  }
0xc2: {  	v2 =	vld [tilespmem:s0+$0x128];
	[tilespmem:s0+$0x118] =	vst v1  }
0xc3: {  	v1 =	vld [tilespmem:s25+$0xFFFFFFE0];
	_ =	sdelay $0x4  }
0xc4: {  	v1 =	vmax.f32 v1, v2  }
0xc5: {  	v2 =	vld [tilespmem:s0+$0x138];
	[tilespmem:s0+$0x128] =	vst v1  }
0xc6: {  	v1 =	vld [tilespmem:s25+$0xFFFFFFF0];
	_ =	sdelay $0x4  }
0xc7: {  	v1 =	vmax.f32 v1, v2  }
0xc8: {  	v2 =	vld [tilespmem:s0+$0x148];
	[tilespmem:s0+$0x138] =	vst v1  }
0xc9: {  	v1 =	vld [tilespmem:s25+$0x0];
	_ =	sdelay $0x4  }
0xca: {  	v1 =	vmax.f32 v1, v2  }
0xcb: {  	v2 =	vld [tilespmem:s0+$0x158];
	[tilespmem:s0+$0x148] =	vst v1  }
0xcc: {  	v1 =	vld [tilespmem:s25+$0x10];
	_ =	sdelay $0x4  }
0xcd: {  	v1 =	vmax.f32 v1, v2  }
0xce: {  	v2 =	vld [tilespmem:s0+$0x168];
	[tilespmem:s0+$0x158] =	vst v1  }
0xcf: {  	v1 =	vld [tilespmem:s25+$0x20];
	_ =	sdelay $0x4  }
0xd0: {  	v1 =	vmax.f32 v1, v2  }
0xd1: {  	v2 =	vld [tilespmem:s0+$0x178];
	[tilespmem:s0+$0x168] =	vst v1  }
0xd2: {  	v1 =	vld [tilespmem:s25+$0x30];
	_ =	sdelay $0x4  }
0xd3: {  	v1 =	vmax.f32 v1, v2  }
0xd4: {  	[tilespmem:s0+$0x178] =	vst v1  }
.LBB2_17:
0xd5: {  	s26 =	sadd.s32 $0x1, s26  }
0xd6: {  	p1 =	seq.s32 s26, $0x0  }
.Ltmp11:
0xd7: {  	_ = 	snop;
	(pc) =	sbr.rel @p1 .LBB2_18-.Ltmp11, $2  }
0xd8: {  	_ =	sdelay $0x2  }
0xd9: {  	s23 =	sadd.s32 $0x1, s23;
	s25 =	sadd.s32 $0x80, s25;
	s29 =	smov.u32 s30  }
.LBB2_12:
0xda: {  	v1 =	vld.msk [tilespmem:s23+$0x0], $0x1;
	_ =	sdelay $0x4  }
0xdb: {  	(v2sf) =	vpush v1, $0x0;
	_ =	sdelay $0xe  }
0xdc: {  	s30 =	spop (v2sf)  }
0xdd: {  	p1 =	sne.s32 s29, s30  }
.Ltmp12:
0xde: {  	_ = 	snop;
	(pc) =	sbr.rel @!p1 .LBB2_13-.Ltmp12, $2  }
0xdf: {  	_ =	sdelay $0x2  }
0xe0: {  	s0 =	sshll.u32 s22, $0x9  }
0xe1: {  	p1 =	seq.s32 s29, s24  }
.Ltmp13:
0xe2: {  	_ = 	snop;
	(pc) =	sbr.rel @!p1 .LBB2_15-.Ltmp13, $1  }
0xe3: {  	_ =	sdelay $0x3  }
0xe4: {  	s0 =	sshra.s32 s0, $0x2  }
.Ltmp14:
0xe5: {  	s0 =	sadd.s32 $0x108, s0;
	(pc) =	sbr.rel .LBB2_16-.Ltmp14, $4  }
0xe6: {  	[spmem:s16] =	stream.linear.scatter [tilespmem:s0], [sflag:$0x1], $0x80, $0x38;
	[tilespmem:$0x1F6F8] =	vst v63  }
0xe7: {  	_ =	swait.ge [sflag:s12], $0x80  }
0xe8: {  	[sflag:s12] =	ssyncset.done $0x0  }
0xe9: {  	[sflag:s12] =	ssyncadd.s32 $0xFFFFFF80  }
.LBB2_15:
0xea: {  	s2 =	sshll.u32 s28, $0x9;
	s0 =	sshra.s32 s0, $0x2  }
0xeb: {  	s2 =	sshra.s32 s2, $0x2;
	v2 =	vld [tilespmem:s0+$0x108]  }
0xec: {  	v1 =	vld [tilespmem:s2+$0x7988];
	_ =	sdelay $0x4  }
0xed: {  	v1 =	vmax.f32 v1, v2  }
0xee: {  	v2 =	vld [tilespmem:s0+$0x118];
	[tilespmem:s0+$0x108] =	vst v1  }
0xef: {  	v1 =	vld [tilespmem:s2+$0x7998];
	_ =	sdelay $0x4  }
0xf0: {  	v1 =	vmax.f32 v1, v2  }
0xf1: {  	v2 =	vld [tilespmem:s0+$0x128];
	[tilespmem:s0+$0x118] =	vst v1  }
0xf2: {  	v1 =	vld [tilespmem:s2+$0x79A8];
	_ =	sdelay $0x4  }
0xf3: {  	v1 =	vmax.f32 v1, v2  }
0xf4: {  	v2 =	vld [tilespmem:s0+$0x138];
	[tilespmem:s0+$0x128] =	vst v1  }
0xf5: {  	v1 =	vld [tilespmem:s2+$0x79B8];
	_ =	sdelay $0x4  }
0xf6: {  	v1 =	vmax.f32 v1, v2  }
0xf7: {  	v2 =	vld [tilespmem:s0+$0x148];
	[tilespmem:s0+$0x138] =	vst v1  }
0xf8: {  	v1 =	vld [tilespmem:s2+$0x79C8];
	_ =	sdelay $0x4  }
0xf9: {  	v1 =	vmax.f32 v1, v2  }
0xfa: {  	v2 =	vld [tilespmem:s0+$0x158];
	[tilespmem:s0+$0x148] =	vst v1  }
0xfb: {  	v1 =	vld [tilespmem:s2+$0x79D8];
	_ =	sdelay $0x4  }
0xfc: {  	v1 =	vmax.f32 v1, v2  }
0xfd: {  	v2 =	vld [tilespmem:s0+$0x168];
	[tilespmem:s0+$0x158] =	vst v1  }
0xfe: {  	v1 =	vld [tilespmem:s2+$0x79E8];
	_ =	sdelay $0x4  }
0xff: {  	v1 =	vmax.f32 v1, v2  }
0x100: {  	v2 =	vld [tilespmem:s0+$0x178];
	[tilespmem:s0+$0x168] =	vst v1  }
0x101: {  	v1 =	vld [tilespmem:s2+$0x79F8];
	_ =	sdelay $0x3  }
0x102: {  	p1 =	sgt.u32 s29, $0x1FFF0  }
0x103: {  	s2 =	sand.u32 @!p1 $0x1FFF8, s29;
	v1 =	vmax.f32 v1, v2  }
0x104: {  	s3 =	sadd.s32 $0x108, s0;
	[tilespmem:s0+$0x178] =	vst v1;
	s0 =	sadd.s32 @!p1 s1, s2;
	s2 =	sand.u32 @!p1 $0x7, s29  }
0x105: {  	[hbm4b:s0+s2] =	stream.linear.scatter @!p1 [tilespmem:s3], [sflag:$0xC], $0x80, $0x38;
	[tilespmem:$0x1F6F8] =	vst v63  }
0x106: {  	s0 =	simm.s32 $0x0  }
0x107: {  	s0 =	simm.s32 @!p1 $0x200  }
0x108: {  	s31 =	sadd.s32 s0, s31  }
.LBB2_16:
0x109: {  	s0 =	sadd.s32 $0x1, s22  }
0x10a: {  	s2 =	smulhi.u32 $0x88888889, s0;
	_ =	sdelay $0x1  }
0x10b: {  	v1 =	vld [tilespmem:s25+$0xFFFFFFC0];
	s2 =	sshrl.u32 s2, $0x7  }
0x10c: {  	s2 =	smul.u32 $0xF0, s2;
	_ =	sdelay $0x1  }
0x10d: {  	s22 =	ssub.s32 s0, s2  }
0x10e: {  	s0 =	sshll.u32 s22, $0x7  }
0x10f: {  	[tilespmem:s0+$0x108] =	vst v1  }
0x110: {  	v1 =	vld [tilespmem:s25+$0xFFFFFFD0];
	_ =	sdelay $0x4  }
0x111: {  	[tilespmem:s0+$0x118] =	vst v1  }
0x112: {  	v1 =	vld [tilespmem:s25+$0xFFFFFFE0];
	_ =	sdelay $0x4  }
0x113: {  	[tilespmem:s0+$0x128] =	vst v1  }
0x114: {  	v1 =	vld [tilespmem:s25+$0xFFFFFFF0];
	_ =	sdelay $0x4  }
0x115: {  	[tilespmem:s0+$0x138] =	vst v1  }
0x116: {  	v1 =	vld [tilespmem:s25+$0x0];
	_ =	sdelay $0x4  }
0x117: {  	[tilespmem:s0+$0x148] =	vst v1  }
0x118: {  	v1 =	vld [tilespmem:s25+$0x10];
	_ =	sdelay $0x4  }
0x119: {  	[tilespmem:s0+$0x158] =	vst v1  }
0x11a: {  	v1 =	vld [tilespmem:s25+$0x20];
	_ =	sdelay $0x4  }
0x11b: {  	[tilespmem:s0+$0x168] =	vst v1  }
0x11c: {  	v1 =	vld [tilespmem:s25+$0x30]  }
.Ltmp15:
0x11d: {  	_ = 	snop;
	(pc) =	sbr.rel .LBB2_17-.Ltmp15, $2  }
0x11e: {  	_ =	sdelay $0x2  }
0x11f: {  	s28 =	sadd.s32 $0x1, s28;
	[tilespmem:s0+$0x178] =	vst v1  }
.LBB2_19:
.Ltmp16:
0x120: {  	(pc) =	sbr.rel .LBB2_20-.Ltmp16, $4  }
0x121: {  	_ = 	snop  }
0x122: {  	s0 =	simm.s32 $0x2  }
0x123: {  	_ =	swait.ge [sflag:s0], $0x0  }
0x124: {  	s30 =	smov.u32 s29;
	[sflag:s0] =	ssyncset.done $0x0;
	s0 =	simm.s32 $0x0  }
.LBB2_22:
0x125: {  	_ =	sfence.sel $0x180000  }
0x126: {  	s0 =	simm.s32 $0x9;
	[bflag:$0x0] =	sbarrier.arrive $0xFFFF  }
0x127: {  	s24 =	simm.s32 $0xA;
	[sflag:s0] =	ssyncpa.u1 $0x1  }
0x128: {  	s25 =	simm.s32 $0xB;
	[sflag:s24] =	ssyncpa.u1 $0x1  }
0x129: {  	s26 =	simm.s32 $0x2;
	[sflag:s25] =	ssyncpa.u1 $0x1  }
0x12a: {  	[sflag:s26] =	ssyncpa.u1 $0x1  }
0x12b: {  	v0 =	vld [tilespmem:$0xF208];
	_ =	sdelay $0x4  }
0x12c: {  	(v2sf) =	vpush v0, $0x0  }
0x12d: {  	(v2sf) =	vpush v0, $0x1;
	_ =	sdelay $0x1  }
0x12e: {  	(v2sf) =	vpush v0, $0x2;
	_ =	sdelay $0xb  }
0x12f: {  	s0 =	spop (v2sf)  }
0x130: {  	s2 =	spop (v2sf)  }
0x131: {  	s3 =	smov.u32 s0;
	p0 =	sne.s32 s0, s2  }
0x132: {  	s4 =	spop (v2sf);
	s3 =	simm.s32 @!p0 $0xFFFFFFFF  }
0x133: {  	v2 =	vimm.s32 $0x1;
	v3 =	vlaneseq.u32;
	p0 =	seq.s32 s4, $0xFFFFFFFF;
	v1 =	vmov s3  }
0x134: {  	s16 =	stileid.u32;
	v0 =	vperm.xlane v0, v2;
	p1 =	sne.s32 @!p0 s0, s2;
	v1 =	vperm.xlane v1, v3  }
0x135: {  	vm0 =	vcmask $0x3F04;
	s6 =	simm.s32 $0xF208;
	s0 =	simm.s32 @!p0 $0x1;
	p1 =	por !p1, p0  }
0x136: {  	s3 =	sshll.u32 s16, $0x1;
	s2 =	sshll.u32 @!p0 s4, $0x9;
	s0 =	simm.s32 @p1 $0x0;
	v0 =	vsel vm0, v1, v0  }
0x137: {  	s5 =	sor.u32 $0x1000, s3;
	s2 =	sshra.s32 @!p0 s2, $0x2;
	s0 =	sor.u32 @!p0 s0, s3;
	[tilespmem:$0xF208] =	vst v0  }
0x138: {  	[spmem:s5] =	stream.linear.scatter [tilespmem:s6], [sflag:$0x1], $0x2, $0x38;
	[tilespmem:$0x1F6F8] =	vst v63  }
0x139: {  	s2 =	sadd.s32 @!p0 $0x108, s2;
	s0 =	sshll.u32 @!p0 s0, $0x7  }
0x13a: {  	[spmem:s0] =	stream.linear.scatter @!p0 [tilespmem:s2], [sflag:$0x1], $0x80, $0x38;
	[tilespmem:$0x1F6F8] =	vst v63  }
0x13b: {  	s0 =	simm.s32 @!p0 $0x82  }
0x13c: {  	s28 =	simm.s32 $0x1;
	s0 =	simm.s32 @p0 $0x2  }
0x13d: {  	_ =	swait.ge [sflag:s28], s0  }
0x13e: {  	s0 =	ssub.s32 $0x0, s0;
	[sflag:s28] =	ssyncset.done $0x0  }
0x13f: {  	p0 =	sne.s32 s16, $0x0;
	[sflag:s28] =	ssyncadd.s32 s0  }
.Ltmp17:
0x140: {  	_ =	sfence.stream.spmem;
	(pc) =	sbr.rel @p0 .LBB2_39-.Ltmp17, $4  }
0x141: {  	s29 =	simm.s32 $0x3;
	[bflag:$0x0] =	sbarrier.arrive $0xFFFF  }
0x142: {  	s30 =	simm.s32 $0x4;
	[sflag:s29] =	ssyncpa.u1 $0x1  }
0x143: {  	s31 =	simm.s32 $0x3C;
	[sflag:s30] =	ssyncpa.u1 $0x1  }
0x144: {  	s15 =	rddreg [dreg:$0x4];
	[sflag:s31] =	ssyncpa.u1 $0x1  }
0x145: {  	_ =	sfence.stream.spmem;
	s0 =	simm.s32 $0x5  }
0x146: {  	s2 =	simm.s32 $0x1000;
	s3 =	simm.s32 $0xF218;
	[sflag:s0] =	ssyncpa.u1 $0x0  }
0x147: {  	[tilespmem:s3], [sflag:$0x5] =	stream.linear.gather [spmem:s2], $0x20, $0x38;
	[tilespmem:$0x1F6F8] =	vst v63  }
0x148: {  	s26 =	simm.s32 $0x0;
	s28 =	simm.s32 $0xF238  }
0x149: {  	[tilespmem:s28], [sflag:$0x5] =	stream.linear.gather [spmem:s26], $0x1000, $0x38;
	[tilespmem:$0x1F6F8] =	vst v63  }
0x14a: {  	_ =	swait.ge [sflag:s0], $0x1020  }
0x14b: {  	[sflag:s0] =	ssyncset.done $0x0  }
0x14c: {  	s29 =	simm.s32 $0x0;
	[sflag:s0] =	ssyncadd.s32 $0xFFFFEFE0  }
0x14d: {  	v0 =	vld.msk [tilespmem:s29+$0xF218], $0x1;
	_ =	sdelay $0x1  }
0x14e: {  	s30 =	simm.s32 $0x1  }
0x14f: {  	v1 =	vld.msk [tilespmem:s30+$0xF218], $0x1;
	_ =	sdelay $0x1  }
0x150: {  	(v2sf) =	vpush v0, $0x0;
	_ =	sdelay $0x2  }
0x151: {  	(v2sf) =	vpush v1, $0x0;
	_ =	sdelay $0x2  }
0x152: {  	s31 =	simm.s32 $0x2  }
0x153: {  	v0 =	vld.msk [tilespmem:s31+$0xF218], $0x1;
	_ =	sdelay $0x2  }
0x154: {  	s4 =	simm.s32 $0xFFFFFFFF;
	s5 =	simm.s32 $0xFFFFFFFF;
	s0 =	simm.s32 $0xC  }
.LBB2_24:
0x155: {  	s2 =	smov.u32 s5;
	s3 =	smov.u32 s4  }
0x156: {  	s4 =	sshra.s32 s0, $0x2;
	p1 =	sne.s32 s0, $0x7C;
	s0 =	sadd.s32 $0x4, s0;
	(v2sf) =	vpush v0, $0x0  }
0x157: {  	v0 =	vld.msk [tilespmem:s4+$0xF218], $0x1  }
.Ltmp18:
0x158: {  	(pc) =	sbr.rel @p1 .LBB2_24-.Ltmp18, $4  }
0x159: {  	s5 =	spop (v2sf)  }
0x15a: {  	p2 =	sne.s32 s3, $0xFFFFFFFF;
	s4 =	smov.u32 s5  }
0x15b: {  	p3 =	seq.s32 s5, $0xFFFFFFFF;
	s4 =	smov.u32 @p2 s3  }
0x15c: {  	s5 =	smov.u32 @p3 s2;
	s4 =	smov.u32 @p3 s3  }
0x15d: {  	(v2sf) =	vpush v0, $0x0;
	_ =	sdelay $0x8  }
0x15e: {  	s0 =	spop (v2sf)  }
0x15f: {  	p1 =	sne.s32 s4, $0xFFFFFFFF;
	s2 =	smov.u32 s0  }
0x160: {  	s9 =	simm.s32 $0x6;
	p2 =	seq.s32 s0, $0xFFFFFFFF;
	s2 =	smov.u32 @p1 s4  }
0x161: {  	s6 =	simm.s32 $0x0;
	s2 =	smov.u32 @p2 s4;
	s3 =	spop (v2sf)  }
0x162: {  	s0 =	smov.u32 @p2 s5;
	p1 =	sne.s32 s2, $0xFFFFFFFF;
	s4 =	smov.u32 s3  }
.Ltmp19:
0x163: {  	p2 =	seq.s32 s3, $0xFFFFFFFF;
	s4 =	smov.u32 @p1 s2;
	(pc) =	sbr.rel .LBB2_26-.Ltmp19, $4  }
0x164: {  	s10 =	simm.s32 $0xF188;
	s4 =	smov.u32 @p2 s2;
	s7 =	spop (v2sf)  }
0x165: {  	s11 =	simm.s32 $0x0;
	p1 =	sne.s32 s4, $0xFFFFFFFF;
	s8 =	smov.u32 s7  }
0x166: {  	s3 =	smov.u32 @p2 s0;
	p2 =	seq.s32 s7, $0xFFFFFFFF;
	s8 =	smov.u32 @p1 s4  }
0x167: {  	[sflag:s9] =	ssyncpa.u1 $0x0;
	s7 =	smov.u32 @p2 s3;
	s8 =	smov.u32 @p2 s4  }
.LBB2_32:
0x168: {  	p1 =	sgt.u32 s12, $0x1FFF0  }
0x169: {  	p2 =	seq.s32 @!p1 s12, s8  }
0x16a: {  	p1 =	por p1, p2  }
0x16b: {  	p2 =	sne.s32 @!p1 s12, s7  }
0x16c: {  	p1 =	por p1, !p2  }
0x16d: {  	s0 =	sshll.u32 @p1 s11, $0x9  }
0x16e: {  	s0 =	sand.u32 @!p1 $0x1FFF8, s12  }
0x16f: {  	s2 =	sand.u32 @!p1 $0x7, s12;
	s0 =	sadd.s32 @!p1 s1, s0  }
0x170: {  	[tilespmem:s10], [sflag:$0x6] =	stream.linear.gather @!p1 [hbm4b:s0+s2], $0x80, $0x38;
	[tilespmem:$0x1F6F8] =	vst v63  }
0x171: {  	_ =	swait.ge @!p1 [sflag:s9], $0x80  }
0x172: {  	[sflag:s9] =	ssyncset.done @!p1 $0x0  }
0x173: {  	s0 =	sshll.u32 @!p1 s11, $0x9;
	[sflag:s9] =	ssyncadd.s32 @!p1 $0xFFFFFF80  }
0x174: {  	s2 =	sshrl.u32 @!p1 s0, $0x2;
	v1 =	vld @!p1 [tilespmem:$0xF188]  }
0x175: {  	v2 =	vld @!p1 [tilespmem:s2+$0xF238];
	_ =	sdelay $0x4  }
0x176: {  	v1 =	vmax.f32 @!p1 v1, v2  }
0x177: {  	v2 =	vld @!p1 [tilespmem:s2+$0xF248];
	[tilespmem:s2+$0xF238] =	vst @!p1 v1  }
0x178: {  	v1 =	vld @!p1 [tilespmem:$0xF198];
	_ =	sdelay $0x4  }
0x179: {  	v1 =	vmax.f32 @!p1 v1, v2  }
0x17a: {  	v2 =	vld @!p1 [tilespmem:s2+$0xF258];
	[tilespmem:s2+$0xF248] =	vst @!p1 v1  }
0x17b: {  	v1 =	vld @!p1 [tilespmem:$0xF1A8];
	_ =	sdelay $0x4  }
0x17c: {  	v1 =	vmax.f32 @!p1 v1, v2  }
0x17d: {  	v2 =	vld @!p1 [tilespmem:s2+$0xF268];
	[tilespmem:s2+$0xF258] =	vst @!p1 v1  }
0x17e: {  	v1 =	vld @!p1 [tilespmem:$0xF1B8];
	_ =	sdelay $0x4  }
0x17f: {  	v1 =	vmax.f32 @!p1 v1, v2  }
0x180: {  	v2 =	vld @!p1 [tilespmem:s2+$0xF278];
	[tilespmem:s2+$0xF268] =	vst @!p1 v1  }
0x181: {  	v1 =	vld @!p1 [tilespmem:$0xF1C8];
	_ =	sdelay $0x4  }
0x182: {  	v1 =	vmax.f32 @!p1 v1, v2  }
0x183: {  	v2 =	vld @!p1 [tilespmem:s2+$0xF288];
	[tilespmem:s2+$0xF278] =	vst @!p1 v1  }
0x184: {  	v1 =	vld @!p1 [tilespmem:$0xF1D8];
	_ =	sdelay $0x4  }
0x185: {  	v1 =	vmax.f32 @!p1 v1, v2  }
0x186: {  	v2 =	vld @!p1 [tilespmem:s2+$0xF298];
	[tilespmem:s2+$0xF288] =	vst @!p1 v1  }
0x187: {  	v1 =	vld @!p1 [tilespmem:$0xF1E8];
	_ =	sdelay $0x4  }
0x188: {  	v1 =	vmax.f32 @!p1 v1, v2  }
0x189: {  	v2 =	vld @!p1 [tilespmem:s2+$0xF2A8];
	[tilespmem:s2+$0xF298] =	vst @!p1 v1  }
0x18a: {  	v1 =	vld @!p1 [tilespmem:$0xF1F8];
	_ =	sdelay $0x4  }
0x18b: {  	v1 =	vmax.f32 @!p1 v1, v2  }
0x18c: {  	[tilespmem:s2+$0xF2A8] =	vst @!p1 v1  }
0x18d: {  	s0 =	sshrl.u32 s0, $0x2;
	[tilespmem:s6+$0xF218] =	vst.msk $0x1, v0  }
0x18e: {  	v0 =	vld [tilespmem:s0+$0xF238];
	_ =	sdelay $0x2  }
0x18f: {  	s31 =	sshll.u32 s6, $0x9  }
0x190: {  	s2 =	sshra.s32 s31, $0x2  }
0x191: {  	[tilespmem:s2+$0xF238] =	vst v0  }
0x192: {  	v0 =	vld [tilespmem:s0+$0xF248];
	_ =	sdelay $0x4  }
0x193: {  	[tilespmem:s2+$0xF248] =	vst v0  }
0x194: {  	v0 =	vld [tilespmem:s0+$0xF258];
	_ =	sdelay $0x4  }
0x195: {  	[tilespmem:s2+$0xF258] =	vst v0  }
0x196: {  	v0 =	vld [tilespmem:s0+$0xF268];
	_ =	sdelay $0x4  }
0x197: {  	[tilespmem:s2+$0xF268] =	vst v0  }
0x198: {  	v0 =	vld [tilespmem:s0+$0xF278];
	_ =	sdelay $0x4  }
0x199: {  	[tilespmem:s2+$0xF278] =	vst v0  }
0x19a: {  	v0 =	vld [tilespmem:s0+$0xF288];
	_ =	sdelay $0x4  }
0x19b: {  	[tilespmem:s2+$0xF288] =	vst v0  }
0x19c: {  	v0 =	vld [tilespmem:s0+$0xF298];
	_ =	sdelay $0x4  }
0x19d: {  	[tilespmem:s2+$0xF298] =	vst v0  }
0x19e: {  	v0 =	vld [tilespmem:s0+$0xF2A8];
	_ =	sdelay $0x4  }
0x19f: {  	s6 =	sadd.s32 $0x1, s6;
	[tilespmem:s2+$0xF2A8] =	vst v0  }
.LBB2_33:
0x1a0: {  	s11 =	sadd.s32 $0x1, s11  }
0x1a1: {  	p1 =	sne.s32 s11, $0x20  }
.Ltmp20:
0x1a2: {  	_ = 	snop;
	(pc) =	sbr.rel @!p1 .LBB2_34-.Ltmp20, $1  }
0x1a3: {  	_ =	sdelay $0x3  }
.LBB2_26:
0x1a4: {  	v0 =	vld.msk [tilespmem:s11+$0xF218], $0x1;
	_ =	sdelay $0x4  }
0x1a5: {  	(v2sf) =	vpush v0, $0x0;
	_ =	sdelay $0xe  }
0x1a6: {  	s12 =	spop (v2sf)  }
0x1a7: {  	p1 =	seq.s32 s12, $0xFFFFFFFF  }
.Ltmp21:
0x1a8: {  	_ = 	snop;
	(pc) =	sbr.rel @p1 .LBB2_33-.Ltmp21, $1  }
0x1a9: {  	_ =	sdelay $0x3  }
0x1aa: {  	p1 =	slt.s32 s6, $0x1  }
.Ltmp22:
0x1ab: {  	_ = 	snop;
	(pc) =	sbr.rel @p1 .LBB2_32-.Ltmp22, $1  }
0x1ac: {  	_ =	sdelay $0x3  }
0x1ad: {  	s13 =	simm.s32 $0xF218;
	p1 =	por $0x0, $0x0  }
0x1ae: {  	v1 =	vld.msk @!p1 [tilespmem:s13+$0x0], $0x1;
	_ =	sdelay $0x4  }
0x1af: {  	(v2sf) =	vpush @!p1 v1, $0x0;
	_ =	sdelay $0xd  }
0x1b0: {  	p3 =	sne.s32 s6, $0x1  }
.Ltmp23:
0x1b1: {  	s0 =	spop @!p1 (v2sf);
	(pc) =	sbr.rel @!p3 .LBB2_30-.Ltmp23, $4  }
0x1b2: {  	p2 =	seq.s32 @!p1 s12, s0  }
0x1b3: {  	s14 =	simm.s32 $0x0;
	p2 =	por !p2, p1  }
0x1b4: {  	s2 =	simm.s32 $0xFFFFFFFF;
	s14 =	simm.s32 @p2 $0xFFFFFFFF  }
0x1b5: {  	s0 =	simm.s32 $0x1;
	s14 =	smov.u32 @p1 s2  }
.LBB2_29:
0x1b6: {  	s2 =	smov.u32 s14;
	p1 =	sne.s32 s14, $0xFFFFFFFF  }
0x1b7: {  	s13 =	sadd.s32 $0x1, s13;
	s14 =	smov.u32 s0;
	s0 =	sadd.s32 $0x1, s0  }
0x1b8: {  	p2 =	sne.s32 s6, s0;
	v1 =	vld.msk @!p1 [tilespmem:s13+$0x0], $0x1;
	_ =	sdelay $0x4  }
0x1b9: {  	(v2sf) =	vpush @!p1 v1, $0x0;
	_ =	sdelay $0xe  }
.Ltmp24:
0x1ba: {  	s3 =	spop @!p1 (v2sf);
	(pc) =	sbr.rel @p2 .LBB2_29-.Ltmp24, $4  }
0x1bb: {  	p3 =	seq.s32 @!p1 s12, s3  }
0x1bc: {  	p3 =	por !p3, p1  }
0x1bd: {  	s14 =	simm.s32 @p3 $0xFFFFFFFF  }
0x1be: {  	s14 =	smov.u32 @p1 s2  }
.LBB2_30:
0x1bf: {  	p1 =	seq.s32 s14, $0xFFFFFFFF  }
.Ltmp25:
0x1c0: {  	_ = 	snop;
	(pc) =	sbr.rel @p1 .LBB2_32-.Ltmp25, $1  }
0x1c1: {  	_ =	sdelay $0x3  }
0x1c2: {  	s0 =	sshll.u32 s11, $0x7  }
0x1c3: {  	s2 =	sshll.u32 s14, $0x9;
	s0 =	sand.u32 $0x3FFFFF80, s0  }
0x1c4: {  	s2 =	sshra.s32 s2, $0x2;
	v0 =	vld [tilespmem:s0+$0xF238]  }
0x1c5: {  	v1 =	vld [tilespmem:s2+$0xF238];
	_ =	sdelay $0x4  }
0x1c6: {  	v0 =	vmax.f32 v0, v1  }
0x1c7: {  	v57 =	vld [tilespmem:s2+$0xF248];
	[tilespmem:s2+$0xF238] =	vst v0  }
0x1c8: {  	v0 =	vld [tilespmem:s0+$0xF248];
	_ =	sdelay $0x4  }
0x1c9: {  	v0 =	vmax.f32 v0, v57  }
0x1ca: {  	v58 =	vld [tilespmem:s2+$0xF258];
	[tilespmem:s2+$0xF248] =	vst v0  }
0x1cb: {  	v0 =	vld [tilespmem:s0+$0xF258];
	_ =	sdelay $0x4  }
0x1cc: {  	v0 =	vmax.f32 v0, v58  }
0x1cd: {  	v59 =	vld [tilespmem:s2+$0xF268];
	[tilespmem:s2+$0xF258] =	vst v0  }
0x1ce: {  	v0 =	vld [tilespmem:s0+$0xF268];
	_ =	sdelay $0x4  }
0x1cf: {  	v0 =	vmax.f32 v0, v59  }
0x1d0: {  	v60 =	vld [tilespmem:s2+$0xF278];
	[tilespmem:s2+$0xF268] =	vst v0  }
0x1d1: {  	v0 =	vld [tilespmem:s0+$0xF278];
	_ =	sdelay $0x4  }
0x1d2: {  	v0 =	vmax.f32 v0, v60  }
0x1d3: {  	v61 =	vld [tilespmem:s2+$0xF288];
	[tilespmem:s2+$0xF278] =	vst v0  }
0x1d4: {  	v0 =	vld [tilespmem:s0+$0xF288];
	_ =	sdelay $0x4  }
0x1d5: {  	v0 =	vmax.f32 v0, v61  }
0x1d6: {  	v62 =	vld [tilespmem:s2+$0xF298];
	[tilespmem:s2+$0xF288] =	vst v0  }
0x1d7: {  	v0 =	vld [tilespmem:s0+$0xF298];
	_ =	sdelay $0x4  }
0x1d8: {  	v0 =	vmax.f32 v0, v62  }
0x1d9: {  	v63 =	vld [tilespmem:s2+$0xF2A8];
	[tilespmem:s2+$0xF298] =	vst v0  }
0x1da: {  	v0 =	vld [tilespmem:s0+$0xF2A8];
	_ =	sdelay $0x1  }
.Ltmp26:
0x1db: {  	_ = 	snop;
	(pc) =	sbr.rel .LBB2_33-.Ltmp26, $3  }
0x1dc: {  	_ =	sdelay $0x1  }
0x1dd: {  	v0 =	vmax.f32 v0, v63  }
0x1de: {  	[tilespmem:s2+$0xF2A8] =	vst v0  }
.LBB2_34:
0x1df: {  	s0 =	simm.s32 $0x6;
	p1 =	seq.s32 s6, $0x0  }
0x1e0: {  	[sflag:s0] =	ssyncpa.u1 $0x1;
	v0 =	vimm.s32 @p1 $0xFFFFFFFF  }
0x1e1: {  	s9 =	sadd.s32 $0xFFFFFFFF, s6;
	[tilespmem:$0x10238] =	vst @p1 v0  }
0x1e2: {  	v0 =	vld.msk @!p1 [tilespmem:s9+$0xF218], $0x1;
	_ =	sdelay $0x1  }
0x1e3: {  	v1 =	vld.msk @!p1 [tilespmem:$0xF218], $0x1;
	_ =	sdelay $0x2  }
0x1e4: {  	p2 =	seq.s32 @!p1 s9, $0x0;
	v0 =	vbroadcast @!p1 v0, $0x0  }
0x1e5: {  	vm0 =	vmmov @!p1 $0x1;
	p2 =	por !p2, p1  }
0x1e6: {  	v1 =	vnsel @!p1 vm0, $0xFFFFFFFF, v1;
	vm0 =	vcmask @!p1 $0x308;
	v0 =	vpsel !p2, $0xFFFFFFFF, v0  }
0x1e7: {  	p2 =	sne.s32 @!p1 s8, s7;
	v0 =	vsel @!p1 vm0, v1, v0  }
0x1e8: {  	s0 =	simm.s32 @!p1 $0xF238;
	s2 =	simm.s32 @!p1 $0x0;
	p3 =	por !p2, p1;
	[tilespmem:$0x10238] =	vst @!p1 v0  }
0x1e9: {  	[spmem:s2] =	stream.linear.scatter @!p1 [tilespmem:s0], [sflag:$0x1], $0x80, $0x38;
	[tilespmem:$0x1F6F8] =	vst v63  }
0x1ea: {  	s0 =	sshll.u32 @!p3 s9, $0x9  }
0x1eb: {  	s0 =	sshra.s32 @!p3 s0, $0x2  }
0x1ec: {  	s2 =	simm.s32 @!p3 $0x80;
	s0 =	sadd.s32 @!p3 $0xF238, s0  }
0x1ed: {  	[spmem:s2] =	stream.linear.scatter @!p3 [tilespmem:s0], [sflag:$0x1], $0x80, $0x38;
	[tilespmem:$0x1F6F8] =	vst v63  }
0x1ee: {  	s0 =	simm.s32 @!p3 $0x1  }
0x1ef: {  	_ =	swait.ge @!p3 [sflag:s0], $0x100  }
0x1f0: {  	p1 =	por p2, p1;
	[sflag:s0] =	ssyncset.done @!p3 $0x0  }
0x1f1: {  	[sflag:s0] =	ssyncadd.s32 @!p3 $0xFFFFFF00;
	s0 =	simm.s32 @!p1 $0x1  }
0x1f2: {  	_ =	swait.ge @!p1 [sflag:s0], $0x80  }
0x1f3: {  	s29 =	simm.s32 $0x10238;
	[sflag:s0] =	ssyncset.done @!p1 $0x0  }
0x1f4: {  	s30 =	simm.s32 $0x1000;
	s31 =	simm.s32 $0x1;
	[sflag:s0] =	ssyncadd.s32 @!p1 $0xFFFFFF80  }
0x1f5: {  	[spmem:s30] =	stream.linear.scatter [tilespmem:s29], [sflag:$0x1], $0x10, $0x38;
	[tilespmem:$0x1F6F8] =	vst v63  }
0x1f6: {  	_ =	swait.ge [sflag:s31], $0x10  }
0x1f7: {  	[sflag:s31] =	ssyncset.done $0x0  }
0x1f8: {  	p1 =	seq.s32 s15, $0x0;
	s8 =	rddreg [dreg:$0x1];
	[sflag:s31] =	ssyncadd.s32 $0xFFFFFFF0  }
0x1f9: {  	s2 =	sshll.u32 @p1 s8, $0xE;
	s7 =	rddreg [dreg:$0x2]  }
0x1fa: {  	s0 =	sadd.s32 @p1 $0x15C3C, s2;
	s2 =	sshll.u32 @p1 s7, $0x11  }
0x1fb: {  	_ =	sfence.stream.spmem;
	s0 =	sor.u32 @p1 s2, s0  }
0x1fc: {  	[sflag:s0] =	ssyncadd.remote.s32 @p1 $0x1;
	s0 =	simm.s32 @p1 $0x4  }
0x1fd: {  	s3 =	simm.s32 @!p1 $0x3C;
	s2 =	sand.u32 $0xFFFFFFFE, s8;
	_ =	swait.ge @p1 [sflag:s0], $0x22  }
0x1fe: {  	s4 =	simm.s32 @!p1 $0x0;
	s2 =	sadd.s32 @!p1 $0x4, s2;
	[sflag:s0] =	ssyncset.done @p1 $0x0  }
0x1ff: {  	s5 =	simm.s32 @!p1 $0x100;
	[sflag:s0] =	ssyncadd.s32 @p1 $0xFFFFFFDE;
	s0 =	sshll.u32 @!p1 s2, $0x1A  }
0x200: {  	s2 =	sshll.u32 @!p1 s2, $0xD;
	s0 =	sor.u32 @!p1 s0, s7;
	_ =	swait.eq @!p1 [sflag:s3], $0x1  }
0x201: {  	s2 =	sor.u32 @!p1 $0x1C04, s2;
	s3 =	simm.s32 @!p1 $0x1C03;
	s0 =	sor.u32 @!p1 $0x80004000, s0  }
0x202: {  	[spmem:s5], [sflag:s2] =	dma.general @!p1 [spmem:s4], [sflag:s3], length:$0x20, [dreg:$0x0], stride_count:$0x0, ici_dest:s0, dma_misc:DstOpCode:WRITE  }
0x203: {  	p2 =	slt.s32 s9, $0x2;
	s4 =	simm.s32 @!p1 $0x200;
	s5 =	simm.s32 @!p1 $0x202  }
0x204: {  	[spmem:s5], [sflag:s2] =	dma.general @!p1 [spmem:s4], [sflag:s3], length:$0x2, [dreg:$0x0], stride_count:$0x0, ici_dest:s0, dma_misc:DstOpCode:WRITE  }
.Ltmp27:
0x205: {  	s0 =	simm.s32 @!p1 $0x3;
	(pc) =	sbr.rel @p2 .LBB2_38-.Ltmp27, $4  }
0x206: {  	s2 =	sshll.u32 @!p1 s8, $0xE;
	_ =	swait.ge @!p1 [sflag:s0], $0x22  }
0x207: {  	s3 =	sshll.u32 @!p1 s7, $0x11;
	s2 =	sadd.s32 @!p1 $0x11C3C, s2;
	[sflag:s0] =	ssyncset.done @!p1 $0x0  }
0x208: {  	[sflag:s0] =	ssyncadd.s32 @!p1 $0xFFFFFFDE;
	s0 =	sor.u32 @!p1 s3, s2  }
0x209: {  	[sflag:s0] =	ssyncadd.remote.s32 @!p1 $0xFFFFFFFF;
	s0 =	simm.s32 $0x0  }
0x20a: {  	s0 =	simm.s32 $0xF219  }
0x20b: {  	v0 =	vld.msk [tilespmem:s0+$0x0], $0x1;
	_ =	sdelay $0x4  }
0x20c: {  	(v2sf) =	vpush v0, $0x0;
	_ =	sdelay $0xb  }
0x20d: {  	s31 =	sadd.s32 $0xFFFFFFFE, s6  }
0x20e: {  	s0 =	sadd.s32 $0xFFFFFFFF, s31  }
0x20f: {  	p2 =	sne.s32 s0, $0x0  }
.Ltmp28:
0x210: {  	s2 =	spop (v2sf);
	(pc) =	sbr.rel @!p2 .LBB2_37-.Ltmp28, $4  }
0x211: {  	s4 =	simm.s32 $0xF2B8;
	s7 =	simm.s32 $0x0;
	p1 =	sgt.u32 s2, $0x1FFF0  }
0x212: {  	s5 =	simm.s32 $0x0;
	s6 =	simm.s32 $0xF21A;
	s3 =	sand.u32 @!p1 $0x1FFF8, s2  }
0x213: {  	s2 =	sand.u32 @!p1 $0x7, s2;
	s7 =	simm.s32 @!p1 $0x200;
	s3 =	sadd.s32 @!p1 s1, s3  }
0x214: {  	[hbm4b:s3+s2] =	stream.linear.scatter @!p1 [tilespmem:s4], [sflag:$0x5], $0x80, $0x38;
	[tilespmem:$0x1F6F8] =	vst v63  }
.LBB2_36:
0x215: {  	v0 =	vld.msk [tilespmem:s6+$0x0], $0x1;
	s0 =	sadd.s32 $0xFFFFFFFF, s0;
	s5 =	sadd.s32 s5, s7  }
0x216: {  	p1 =	sne.s32 s0, $0x0;
	_ =	sdelay $0x3  }
0x217: {  	(v2sf) =	vpush v0, $0x0;
	_ =	sdelay $0xe  }
.Ltmp29:
0x218: {  	s2 =	spop (v2sf);
	(pc) =	sbr.rel @p1 .LBB2_36-.Ltmp29, $4  }
0x219: {  	s7 =	simm.s32 $0x0;
	p2 =	sgt.u32 s2, $0x1FFF0  }
0x21a: {  	s4 =	sadd.s32 $0x80, s4;
	s7 =	simm.s32 @!p2 $0x200;
	s3 =	sand.u32 @!p2 $0x1FFF8, s2  }
0x21b: {  	s6 =	sadd.s32 $0x1, s6;
	s2 =	sand.u32 @!p2 $0x7, s2;
	s3 =	sadd.s32 @!p2 s1, s3  }
0x21c: {  	[hbm4b:s3+s2] =	stream.linear.scatter @!p2 [tilespmem:s4], [sflag:$0x5], $0x80, $0x38;
	[tilespmem:$0x1F6F8] =	vst v63  }
.LBB2_37:
0x21d: {  	s0 =	sadd.s32 s5, s7  }
0x21e: {  	s0 =	sshrl.u32 s0, $0x2  }
.LBB2_38:
0x21f: {  	s2 =	simm.s32 $0x5  }
0x220: {  	_ =	swait.ge [sflag:s2], s0  }
0x221: {  	s31 =	ssub.s32 $0x0, s0;
	[sflag:s2] =	ssyncset.done $0x0  }
0x222: {  	[sflag:s2] =	ssyncadd.s32 s31  }
0x223: {  	[sflag:s2] =	ssyncpa.u1 $0x1  }
.LBB2_39:
0x224: {  	s0 =	sor.u32 s15, s16  }
0x225: {  	p1 =	sne.s32 s0, $0x0  }
.Ltmp30:
0x226: {  	_ = 	snop;
	(pc) =	sbr.rel @p1 .LBB2_54-.Ltmp30, $3  }
0x227: {  	_ =	sdelay $0x1  }
0x228: {  	[bflag:$0x0] =	sbarrier.arrive $0xFFFF  }
0x229: {  	_ =	sfence  }
0x22a: {  	s0 =	simm.s32 $0x7  }
0x22b: {  	s2 =	simm.s32 $0x1000;
	s3 =	simm.s32 $0xF218;
	[sflag:s0] =	ssyncpa.u1 $0x0  }
0x22c: {  	[tilespmem:s3], [sflag:$0x7] =	stream.linear.gather [spmem:s2], $0x20, $0x38;
	[tilespmem:$0x1F6F8] =	vst v63  }
0x22d: {  	s30 =	simm.s32 $0xF238;
	s2 =	simm.s32 $0x0  }
0x22e: {  	[tilespmem:s30], [sflag:$0x7] =	stream.linear.gather [spmem:s2], $0x1000, $0x38;
	[tilespmem:$0x1F6F8] =	vst v63  }
.Ltmp31:
0x22f: {  	_ = 	snop;
	(pc) =	sbr.rel .LBB2_41-.Ltmp31, $4  }
0x230: {  	_ =	swait.ge [sflag:s0], $0x1020  }
0x231: {  	[sflag:s0] =	ssyncset.done $0x0  }
0x232: {  	s31 =	simm.s32 $0x8;
	[sflag:s0] =	ssyncadd.s32 $0xFFFFEFE0  }
0x233: {  	s3 =	simm.s32 $0x0;
	[sflag:s31] =	ssyncpa.u1 $0x0  }
.LBB2_47:
0x234: {  	p1 =	slt.u32 s4, $0x1FFF1  }
0x235: {  	s0 =	sand.u32 @p1 $0x1FFF8, s4  }
0x236: {  	s4 =	sand.u32 @p1 $0x7, s4;
	s5 =	simm.s32 @p1 $0xF188;
	s0 =	sadd.s32 @p1 s1, s0  }
0x237: {  	[tilespmem:s5], [sflag:$0x8] =	stream.linear.gather @p1 [hbm4b:s0+s4], $0x80, $0x38;
	[tilespmem:$0x1F6F8] =	vst v63  }
0x238: {  	s0 =	simm.s32 @p1 $0x8  }
0x239: {  	_ =	swait.ge @p1 [sflag:s0], $0x80  }
0x23a: {  	[sflag:s0] =	ssyncset.done @p1 $0x0  }
0x23b: {  	[sflag:s0] =	ssyncadd.s32 @p1 $0xFFFFFF80;
	s0 =	sshll.u32 @p1 s3, $0x9  }
0x23c: {  	s4 =	sshrl.u32 @p1 s0, $0x2;
	v1 =	vld @p1 [tilespmem:$0xF188]  }
0x23d: {  	v2 =	vld @p1 [tilespmem:s4+$0xF238];
	_ =	sdelay $0x4  }
0x23e: {  	v1 =	vmax.f32 @p1 v1, v2  }
0x23f: {  	v2 =	vld @p1 [tilespmem:s4+$0xF248];
	[tilespmem:s4+$0xF238] =	vst @p1 v1  }
0x240: {  	v1 =	vld @p1 [tilespmem:$0xF198];
	_ =	sdelay $0x4  }
0x241: {  	v1 =	vmax.f32 @p1 v1, v2  }
0x242: {  	v2 =	vld @p1 [tilespmem:s4+$0xF258];
	[tilespmem:s4+$0xF248] =	vst @p1 v1  }
0x243: {  	v1 =	vld @p1 [tilespmem:$0xF1A8];
	_ =	sdelay $0x4  }
0x244: {  	v1 =	vmax.f32 @p1 v1, v2  }
0x245: {  	v2 =	vld @p1 [tilespmem:s4+$0xF268];
	[tilespmem:s4+$0xF258] =	vst @p1 v1  }
0x246: {  	v1 =	vld @p1 [tilespmem:$0xF1B8];
	_ =	sdelay $0x4  }
0x247: {  	v1 =	vmax.f32 @p1 v1, v2  }
0x248: {  	v2 =	vld @p1 [tilespmem:s4+$0xF278];
	[tilespmem:s4+$0xF268] =	vst @p1 v1  }
0x249: {  	v1 =	vld @p1 [tilespmem:$0xF1C8];
	_ =	sdelay $0x4  }
0x24a: {  	v1 =	vmax.f32 @p1 v1, v2  }
0x24b: {  	v2 =	vld @p1 [tilespmem:s4+$0xF288];
	[tilespmem:s4+$0xF278] =	vst @p1 v1  }
0x24c: {  	v1 =	vld @p1 [tilespmem:$0xF1D8];
	_ =	sdelay $0x4  }
0x24d: {  	v1 =	vmax.f32 @p1 v1, v2  }
0x24e: {  	v2 =	vld @p1 [tilespmem:s4+$0xF298];
	[tilespmem:s4+$0xF288] =	vst @p1 v1  }
0x24f: {  	v1 =	vld @p1 [tilespmem:$0xF1E8];
	_ =	sdelay $0x4  }
0x250: {  	v1 =	vmax.f32 @p1 v1, v2  }
0x251: {  	v2 =	vld @p1 [tilespmem:s4+$0xF2A8];
	[tilespmem:s4+$0xF298] =	vst @p1 v1  }
0x252: {  	v1 =	vld @p1 [tilespmem:$0xF1F8];
	_ =	sdelay $0x4  }
0x253: {  	s5 =	sshll.u32 @!p1 s3, $0x9;
	v1 =	vmax.f32 @p1 v1, v2  }
0x254: {  	s5 =	smov.u32 @p1 s0;
	[tilespmem:s4+$0xF2A8] =	vst @p1 v1  }
0x255: {  	s0 =	sshrl.u32 s5, $0x2;
	[tilespmem:s2+$0xF218] =	vst.msk $0x1, v0  }
0x256: {  	v0 =	vld [tilespmem:s0+$0xF238];
	_ =	sdelay $0x2  }
0x257: {  	s31 =	sshll.u32 s2, $0x9  }
0x258: {  	s4 =	sshra.s32 s31, $0x2  }
0x259: {  	[tilespmem:s4+$0xF238] =	vst v0  }
0x25a: {  	v0 =	vld [tilespmem:s0+$0xF248];
	_ =	sdelay $0x4  }
0x25b: {  	[tilespmem:s4+$0xF248] =	vst v0  }
0x25c: {  	v0 =	vld [tilespmem:s0+$0xF258];
	_ =	sdelay $0x4  }
0x25d: {  	[tilespmem:s4+$0xF258] =	vst v0  }
0x25e: {  	v0 =	vld [tilespmem:s0+$0xF268];
	_ =	sdelay $0x4  }
0x25f: {  	[tilespmem:s4+$0xF268] =	vst v0  }
0x260: {  	v0 =	vld [tilespmem:s0+$0xF278];
	_ =	sdelay $0x4  }
0x261: {  	[tilespmem:s4+$0xF278] =	vst v0  }
0x262: {  	v0 =	vld [tilespmem:s0+$0xF288];
	_ =	sdelay $0x4  }
0x263: {  	[tilespmem:s4+$0xF288] =	vst v0  }
0x264: {  	v0 =	vld [tilespmem:s0+$0xF298];
	_ =	sdelay $0x4  }
0x265: {  	[tilespmem:s4+$0xF298] =	vst v0  }
0x266: {  	v0 =	vld [tilespmem:s0+$0xF2A8];
	_ =	sdelay $0x4  }
0x267: {  	s2 =	sadd.s32 $0x1, s2;
	[tilespmem:s4+$0xF2A8] =	vst v0  }
.LBB2_48:
0x268: {  	s3 =	sadd.s32 $0x1, s3  }
0x269: {  	p1 =	sne.s32 s3, $0x20  }
.Ltmp32:
0x26a: {  	_ = 	snop;
	(pc) =	sbr.rel @!p1 .LBB2_49-.Ltmp32, $1  }
0x26b: {  	_ =	sdelay $0x3  }
.LBB2_41:
0x26c: {  	v0 =	vld.msk [tilespmem:s3+$0xF218], $0x1;
	_ =	sdelay $0x4  }
0x26d: {  	(v2sf) =	vpush v0, $0x0;
	_ =	sdelay $0xe  }
0x26e: {  	s4 =	spop (v2sf)  }
0x26f: {  	p1 =	seq.s32 s4, $0xFFFFFFFF  }
.Ltmp33:
0x270: {  	_ = 	snop;
	(pc) =	sbr.rel @p1 .LBB2_48-.Ltmp33, $1  }
0x271: {  	_ =	sdelay $0x3  }
0x272: {  	p1 =	slt.s32 s2, $0x1  }
.Ltmp34:
0x273: {  	_ = 	snop;
	(pc) =	sbr.rel @p1 .LBB2_47-.Ltmp34, $1  }
0x274: {  	_ =	sdelay $0x3  }
0x275: {  	s5 =	simm.s32 $0xF218;
	p1 =	por $0x0, $0x0  }
0x276: {  	v1 =	vld.msk @!p1 [tilespmem:s5+$0x0], $0x1;
	_ =	sdelay $0x4  }
0x277: {  	(v2sf) =	vpush @!p1 v1, $0x0;
	_ =	sdelay $0xd  }
0x278: {  	p3 =	sne.s32 s2, $0x1  }
.Ltmp35:
0x279: {  	s0 =	spop @!p1 (v2sf);
	(pc) =	sbr.rel @!p3 .LBB2_45-.Ltmp35, $4  }
0x27a: {  	p2 =	seq.s32 @!p1 s4, s0  }
0x27b: {  	s6 =	simm.s32 $0x0;
	p2 =	por !p2, p1  }
0x27c: {  	s7 =	simm.s32 $0xFFFFFFFF;
	s6 =	simm.s32 @p2 $0xFFFFFFFF  }
0x27d: {  	s0 =	simm.s32 $0x1;
	s6 =	smov.u32 @p1 s7  }
.LBB2_44:
0x27e: {  	s7 =	smov.u32 s6;
	p1 =	sne.s32 s6, $0xFFFFFFFF  }
0x27f: {  	s5 =	sadd.s32 $0x1, s5;
	s6 =	smov.u32 s0;
	s0 =	sadd.s32 $0x1, s0  }
0x280: {  	p2 =	sne.s32 s2, s0;
	v1 =	vld.msk @!p1 [tilespmem:s5+$0x0], $0x1;
	_ =	sdelay $0x4  }
0x281: {  	(v2sf) =	vpush @!p1 v1, $0x0;
	_ =	sdelay $0xe  }
.Ltmp36:
0x282: {  	s8 =	spop @!p1 (v2sf);
	(pc) =	sbr.rel @p2 .LBB2_44-.Ltmp36, $4  }
0x283: {  	p3 =	seq.s32 @!p1 s4, s8  }
0x284: {  	p3 =	por !p3, p1  }
0x285: {  	s6 =	simm.s32 @p3 $0xFFFFFFFF  }
0x286: {  	s6 =	smov.u32 @p1 s7  }
.LBB2_45:
0x287: {  	p1 =	seq.s32 s6, $0xFFFFFFFF  }
.Ltmp37:
0x288: {  	_ = 	snop;
	(pc) =	sbr.rel @p1 .LBB2_47-.Ltmp37, $1  }
0x289: {  	_ =	sdelay $0x3  }
0x28a: {  	s0 =	sshll.u32 s3, $0x7  }
0x28b: {  	s4 =	sshll.u32 s6, $0x9;
	s0 =	sand.u32 $0x3FFFFF80, s0  }
0x28c: {  	s4 =	sshra.s32 s4, $0x2;
	v0 =	vld [tilespmem:s0+$0xF238]  }
0x28d: {  	v1 =	vld [tilespmem:s4+$0xF238];
	_ =	sdelay $0x4  }
0x28e: {  	v0 =	vmax.f32 v0, v1  }
0x28f: {  	v57 =	vld [tilespmem:s4+$0xF248];
	[tilespmem:s4+$0xF238] =	vst v0  }
0x290: {  	v0 =	vld [tilespmem:s0+$0xF248];
	_ =	sdelay $0x4  }
0x291: {  	v0 =	vmax.f32 v0, v57  }
0x292: {  	v58 =	vld [tilespmem:s4+$0xF258];
	[tilespmem:s4+$0xF248] =	vst v0  }
0x293: {  	v0 =	vld [tilespmem:s0+$0xF258];
	_ =	sdelay $0x4  }
0x294: {  	v0 =	vmax.f32 v0, v58  }
0x295: {  	v59 =	vld [tilespmem:s4+$0xF268];
	[tilespmem:s4+$0xF258] =	vst v0  }
0x296: {  	v0 =	vld [tilespmem:s0+$0xF268];
	_ =	sdelay $0x4  }
0x297: {  	v0 =	vmax.f32 v0, v59  }
0x298: {  	v60 =	vld [tilespmem:s4+$0xF278];
	[tilespmem:s4+$0xF268] =	vst v0  }
0x299: {  	v0 =	vld [tilespmem:s0+$0xF278];
	_ =	sdelay $0x4  }
0x29a: {  	v0 =	vmax.f32 v0, v60  }
0x29b: {  	v61 =	vld [tilespmem:s4+$0xF288];
	[tilespmem:s4+$0xF278] =	vst v0  }
0x29c: {  	v0 =	vld [tilespmem:s0+$0xF288];
	_ =	sdelay $0x4  }
0x29d: {  	v0 =	vmax.f32 v0, v61  }
0x29e: {  	v62 =	vld [tilespmem:s4+$0xF298];
	[tilespmem:s4+$0xF288] =	vst v0  }
0x29f: {  	v0 =	vld [tilespmem:s0+$0xF298];
	_ =	sdelay $0x4  }
0x2a0: {  	v0 =	vmax.f32 v0, v62  }
0x2a1: {  	v63 =	vld [tilespmem:s4+$0xF2A8];
	[tilespmem:s4+$0xF298] =	vst v0  }
0x2a2: {  	v0 =	vld [tilespmem:s0+$0xF2A8];
	_ =	sdelay $0x1  }
.Ltmp38:
0x2a3: {  	_ = 	snop;
	(pc) =	sbr.rel .LBB2_48-.Ltmp38, $3  }
0x2a4: {  	_ =	sdelay $0x1  }
0x2a5: {  	v0 =	vmax.f32 v0, v63  }
0x2a6: {  	[tilespmem:s4+$0xF2A8] =	vst v0  }
.LBB2_49:
0x2a7: {  	p1 =	slt.s32 s2, $0x1  }
.Ltmp39:
0x2a8: {  	_ = 	snop;
	(pc) =	sbr.rel @p1 .LBB2_53-.Ltmp39, $3  }
0x2a9: {  	_ =	sdelay $0x1  }
0x2aa: {  	s0 =	simm.s32 $0x8  }
0x2ab: {  	s3 =	simm.s32 $0x0;
	[sflag:s0] =	ssyncpa.u1 $0x1  }
0x2ac: {  	s0 =	simm.s32 $0xF218  }
0x2ad: {  	v0 =	vld.msk [tilespmem:s0+$0x0], $0x1;
	_ =	sdelay $0x4  }
0x2ae: {  	(v2sf) =	vpush v0, $0x0;
	_ =	sdelay $0xe  }
0x2af: {  	s0 =	sadd.s32 $0xFFFFFFFF, s2;
	s5 =	spop (v2sf)  }
0x2b0: {  	p2 =	sne.s32 s0, $0x0;
	p1 =	sgt.u32 s5, $0x1FFF0  }
.Ltmp40:
0x2b1: {  	s6 =	sand.u32 @!p1 $0x1FFF8, s5;
	(pc) =	sbr.rel @!p2 .LBB2_52-.Ltmp40, $4  }
0x2b2: {  	s4 =	simm.s32 $0xF238;
	s5 =	sand.u32 @!p1 $0x7, s5;
	s2 =	sadd.s32 @!p1 s1, s6  }
0x2b3: {  	[hbm4b:s2+s5] =	stream.linear.scatter @!p1 [tilespmem:s4], [sflag:$0x7], $0x80, $0x38;
	[tilespmem:$0x1F6F8] =	vst v63  }
0x2b4: {  	s5 =	simm.s32 $0x0  }
0x2b5: {  	s2 =	simm.s32 $0xF219;
	s5 =	simm.s32 @!p1 $0x200  }
.LBB2_51:
0x2b6: {  	v0 =	vld.msk [tilespmem:s2+$0x0], $0x1;
	s0 =	sadd.s32 $0xFFFFFFFF, s0;
	s3 =	sadd.s32 s3, s5  }
0x2b7: {  	p1 =	sne.s32 s0, $0x0;
	_ =	sdelay $0x3  }
0x2b8: {  	(v2sf) =	vpush v0, $0x0;
	_ =	sdelay $0xe  }
.Ltmp41:
0x2b9: {  	s6 =	spop (v2sf);
	(pc) =	sbr.rel @p1 .LBB2_51-.Ltmp41, $4  }
0x2ba: {  	s5 =	simm.s32 $0x0;
	p2 =	sgt.u32 s6, $0x1FFF0  }
0x2bb: {  	s4 =	sadd.s32 $0x80, s4;
	s5 =	simm.s32 @!p2 $0x200;
	s7 =	sand.u32 @!p2 $0x1FFF8, s6  }
0x2bc: {  	s2 =	sadd.s32 $0x1, s2;
	s6 =	sand.u32 @!p2 $0x7, s6;
	s7 =	sadd.s32 @!p2 s1, s7  }
0x2bd: {  	[hbm4b:s7+s6] =	stream.linear.scatter @!p2 [tilespmem:s4], [sflag:$0x7], $0x80, $0x38;
	[tilespmem:$0x1F6F8] =	vst v63  }
.LBB2_52:
0x2be: {  	s0 =	sadd.s32 s3, s5  }
0x2bf: {  	s3 =	sshrl.u32 s0, $0x2  }
.LBB2_53:
0x2c0: {  	s0 =	simm.s32 $0x7  }
0x2c1: {  	_ =	swait.ge [sflag:s0], s3  }
0x2c2: {  	s1 =	ssub.s32 $0x0, s3;
	[sflag:s0] =	ssyncset.done $0x0  }
0x2c3: {  	[sflag:s0] =	ssyncadd.s32 s1  }
0x2c4: {  	[sflag:s0] =	ssyncpa.u1 $0x1  }
.LBB2_54:
0x2c5: {  	_ =	sfence;
	s0 =	simm.s32 $0x1  }
0x2c6: {  	[sflag:s0] =	ssyncpa.u1 $0x1  }
0x2c7: {  	_ =	strace $0x90000050  }
0x2c8: {  	[bflag:$0x2] =	sbarrier.arrive $0xFFFF  }
0x2c9: {  	s0 =	rddreg [dreg:$0x3]  }
0x2ca: {  	s0 =	sadd.s32 @!p0 $0x100000, s0  }
0x2cb: {  	[sflag:s0] =	ssyncadd.tile.s32 @!p0 $0x1;
	_ =	shalt  }
.Lfunc_end2:
_tile_overlayer_lowered:
.L_overlay_start_2:
0x2cc: {  	(tag) =	ssettag $0x2  }
0x2cd: {  	s0 =	rddreg [dreg:$0x0];
	s2 =	stileid.u32  }
0x2ce: {  	s1 =	rddreg [dreg:$0x1];
	p0 =	sne.s32 s2, $0x0  }
0x2cf: {  	s3 =	rddreg [dreg:$0x2];
	[bflag:$0x3] =	sbarrier.arrive $0xFFFF;
	s2 =	simm.s32 @!p0 $0x1C01  }
0x2d0: {  	[timem:s3], [sflag:s2] =	dma.local @!p0 [hbm:s0], s1  }
0x2d1: {  	s0 =	simm.s32 @!p0 $0x1  }
0x2d2: {  	_ =	swait.ge @!p0 [sflag:s0], s1  }
0x2d3: {  	s1 =	ssub.s32 @!p0 $0x0, s1;
	[sflag:s0] =	ssyncset.done @!p0 $0x0  }
0x2d4: {  	[sflag:s0] =	ssyncadd.s32 @!p0 s1  }
0x2d5: {  	[bflag:$0x3] =	sbarrier.arrive $0xFFFF  }
0x2d6: {  	_ =	shalt  }

// kernel: scatter_offload_async_start
scs
__scs_entry_jumppad:
0x0: {  	(pc) =	sbr.rel $0x88, $3  }
0x1: {  	(tag) =	ssettag $0x0;
	lr =	simm.s32 $0x1  }
0x2: {  	[smem:$0x3F8D] =	sst lr;
	_ =	strace $0xD0000000  }
0x3: {  	_ = 	snop  }
0x4: {  	_ = 	snop  }
0x5: {  	_ = 	snop  }
0x6: {  	_ = 	snop  }
0x7: {  	_ = 	snop  }
__scs_overlays_trampoline_lowered:
0x8: {  	[smem:$0x3F9C] =	sst s0  }
0x9: {  	[smem:$0x3F9D] =	sst s1  }
0xa: {  	[smem:$0x3F9E] =	sst s2  }
0xb: {  	[smem:$0x3F9F] =	sst s3  }
0xc: {  	[smem:$0x3FA0] =	sst s4  }
0xd: {  	[smem:$0x3FA1] =	sst s5  }
0xe: {  	[smem:$0x3FA2] =	sst s6  }
0xf: {  	[smem:$0x3FA3] =	sst s7  }
0x10: {  	[smem:$0x3FA4] =	sst s8  }
0x11: {  	[smem:$0x3FA5] =	sst s9;
	s0 =	simm.s32 @!p0 $0x0  }
0x12: {  	s1 =	sld [smem:$0x3F8B];
	s0 =	simm.s32 @p0 $0x1  }
0x13: {  	[smem:$0x3FA6] =	sst s0;
	s0 =	simm.s32 @!p1 $0x0  }
0x14: {  	s2 =	sld [smem:$0x3F8A];
	s0 =	simm.s32 @p1 $0x1  }
0x15: {  	[smem:$0x3FA7] =	sst s0;
	s0 =	simm.s32 @!p2 $0x0  }
0x16: {  	s3 =	sld [smem:$0x3FDB];
	s0 =	simm.s32 @p2 $0x1  }
0x17: {  	s4 =	simm.s32 $0x1BF5;
	[smem:$0x3FA9] =	sst s0  }
0x18: {  	s0 =	sld [smem:$0x3F8C];
	_ =	swait.ge [sflag:s4], $0x0  }
0x19: {  	s7 =	sld [smem:$0x3F8D]  }
0x1a: {  	s8 =	sadd.s32 $0xFFFFE003, lr  }
0x1b: {  	s9 =	sadd.s32 $0xFFFFFEF7, lr;
	s5 =	simm.s32 $0xFFFFFFFF;
	p2 =	slt.u32 s8, $0xFFFFF086  }
0x1c: {  	p1 =	slt.u32 s9, $0xF7A;
	s5 =	simm.s32 @!p2 $0x0  }
0x1d: {  	s5 =	simm.s32 @p1 $0x1;
	p0 =	seq.s32 s7, s2  }
0x1e: {  	s7 =	smul.u32 @!p0 $0xF7A, s2;
	p2 =	seq.s32 @!p0 s5, $0x0  }
0x1f: {  	s9 =	smul.u32 $0xF7A, s1;
	s8 =	simm.s32 @!p0 $0x1BF5;
	p2 =	por !p2, p0  }
0x20: {  	[sflag:s8] =	ssyncset.s32 @!p0 $0xFFFFF086;
	s6 =	sadd.s32 @!p0 s3, s7;
	s7 =	simm.s32 @!p0 $0x108  }
0x21: {  	s3 =	sadd.s32 s3, s9;
	s6 =	sadd.s32 @!p0 $0x88, s6;
	s7 =	simm.s32 @p2 $0x1082  }
0x22: {  	[simem:s7], [sflag:s8] =	dma.local @!p0 [hbm:s6], $0xF7A  }
0x23: {  	s9 =	sor.u32 $0xD0000000, s2;
	s6 =	simm.s32 $0x108;
	_ =	swait.ge @!p0 [sflag:s8], $0x0  }
0x24: {  	s3 =	sadd.s32 $0x88, s3;
	s6 =	simm.s32 @!p1 $0x1082;
	[sflag:s4] =	ssyncset.s32 $0xFFFFF086  }
0x25: {  	[simem:s6], [sflag:s4] =	dma.local [hbm:s3], $0xF7A  }
0x26: {  	[smem:$0x3F8D] =	sst s1;
	(tag) =	ssettag s2;
	_ =	strace s9  }
0x27: {  	s1 =	sld [smem:$0x3F9D]  }
0x28: {  	s2 =	sld [smem:$0x3F9E]  }
0x29: {  	s4 =	sld [smem:$0x3FA0]  }
0x2a: {  	p0 =	seq.s32 s5, $0x0;
	s5 =	sld [smem:$0x3FA1]  }
0x2b: {  	s6 =	sld [smem:$0x3FA2]  }
0x2c: {  	s7 =	sld [smem:$0x3FA3]  }
0x2d: {  	s3 =	simm.s32 $0x108;
	s8 =	sld [smem:$0x3FA4]  }
0x2e: {  	s3 =	simm.s32 @!p0 $0x1082;
	s9 =	sld [smem:$0x3FA5]  }
0x2f: {  	lr =	sadd.s32 s0, s3;
	s0 =	sld [smem:$0x3F9C]  }
0x30: {  	s3 =	sld [smem:$0x3F9F]  }
0x31: {  	[smem:$0x3FA8] =	sst s10  }
0x32: {  	s10 =	sld [smem:$0x3FA6];
	_ =	sdelay $0x3  }
0x33: {  	p0 =	seq.s32 s10, $0x1;
	s10 =	sld [smem:$0x3FA8];
	_ =	sdelay $0x3  }
0x34: {  	[smem:$0x3FA8] =	sst s10  }
0x35: {  	s10 =	sld [smem:$0x3FA7];
	_ =	sdelay $0x3  }
0x36: {  	p1 =	seq.s32 s10, $0x1;
	s10 =	sld [smem:$0x3FA8];
	_ =	sdelay $0x3  }
0x37: {  	[smem:$0x3FA8] =	sst s10  }
0x38: {  	s10 =	sld [smem:$0x3FA9]  }
0x39: {  	_ = 	snop;
	(pc) =	sbr.ind lr, $3  }
0x3a: {  	_ = 	snop  }
0x3b: {  	_ = 	snop  }
0x3c: {  	p2 =	seq.s32 s10, $0x1;
	s10 =	sld [smem:$0x3FA8]  }
0x3d: {  	_ =	shalt  }
0x3e: {  	_ =	shalt  }
0x3f: {  	_ =	shalt  }
0x40: {  	_ =	shalt  }
0x41: {  	_ =	shalt  }
0x42: {  	_ =	shalt  }
0x43: {  	_ =	shalt  }
0x44: {  	_ =	shalt  }
0x45: {  	_ =	shalt  }
0x46: {  	_ =	shalt  }
0x47: {  	_ =	shalt  }
0x48: {  	_ =	shalt  }
0x49: {  	_ =	shalt  }
0x4a: {  	_ =	shalt  }
0x4b: {  	_ =	shalt  }
0x4c: {  	_ =	shalt  }
0x4d: {  	_ =	shalt  }
0x4e: {  	_ =	shalt  }
0x4f: {  	_ =	shalt  }
0x50: {  	_ =	shalt  }
0x51: {  	_ =	shalt  }
0x52: {  	_ =	shalt  }
0x53: {  	_ =	shalt  }
0x54: {  	_ =	shalt  }
0x55: {  	_ =	shalt  }
0x56: {  	_ =	shalt  }
0x57: {  	_ =	shalt  }
0x58: {  	_ =	shalt  }
0x59: {  	_ =	shalt  }
0x5a: {  	_ =	shalt  }
0x5b: {  	_ =	shalt  }
0x5c: {  	_ =	shalt  }
0x5d: {  	_ =	shalt  }
0x5e: {  	_ =	shalt  }
0x5f: {  	_ =	shalt  }
0x60: {  	_ =	shalt  }
0x61: {  	_ =	shalt  }
0x62: {  	_ =	shalt  }
0x63: {  	_ =	shalt  }
0x64: {  	_ =	shalt  }
0x65: {  	_ =	shalt  }
0x66: {  	_ =	shalt  }
0x67: {  	_ =	shalt  }
0x68: {  	_ =	shalt  }
0x69: {  	_ =	shalt  }
0x6a: {  	_ =	shalt  }
0x6b: {  	_ =	shalt  }
0x6c: {  	_ =	shalt  }
0x6d: {  	_ =	shalt  }
0x6e: {  	_ =	shalt  }
0x6f: {  	_ =	shalt  }
0x70: {  	_ =	shalt  }
0x71: {  	_ =	shalt  }
0x72: {  	_ =	shalt  }
0x73: {  	_ =	shalt  }
0x74: {  	_ =	shalt  }
0x75: {  	_ =	shalt  }
0x76: {  	_ =	shalt  }
0x77: {  	_ =	shalt  }
0x78: {  	_ =	shalt  }
0x79: {  	_ =	shalt  }
0x7a: {  	_ =	shalt  }
0x7b: {  	_ =	shalt  }
0x7c: {  	_ =	shalt  }
0x7d: {  	_ =	shalt  }
0x7e: {  	_ =	shalt  }
0x7f: {  	_ =	shalt  }
0x80: {  	_ =	shalt  }
0x81: {  	_ =	shalt  }
0x82: {  	_ =	shalt  }
0x83: {  	_ =	shalt  }
0x84: {  	_ =	shalt  }
0x85: {  	_ =	shalt  }
0x86: {  	_ =	shalt  }
0x87: {  	_ =	shalt  }
.Lfunc_end0:
.L_simem_size_0:
called_computation_lowered:
.L_overlay_start_0:
0x88: {  	s2 =	sld [smem:$0x3FD9]  }
0x89: {  	s3 =	sld [smem:$0x3FFE];
	_ =	sdelay $0x1  }
0x8a: {  	s1 =	srdreg.scid  }
0x8b: {  	s0 =	sand.u32 $0x1, s1  }
0x8c: {  	s15 =	sshll.u32 s0, $0xA;
	s2 =	sadd.s32 s3, s2  }
0x8d: {  	s2 =	sadd.s32 s2, s15  }
0x8e: {  	[smem:$0x3FB4] =	sst s2  }
0x8f: {  	_ = 	snop  }
0x90: {  	(tm) =	ssettm $0x1  }
0x91: {  	s16 =	sld [smem:$0x3FFB];
	_ =	sdelay $0x3  }
0x92: {  	_ =	strace s16  }
0x93: {  	s2 =	sld [smem:$0x3FFC];
	_ =	sdelay $0x3  }
0x94: {  	_ =	strace s2  }
0x95: {  	s2 =	sld [smem:$0x3FFD];
	_ =	sdelay $0x3  }
0x96: {  	_ =	strace s2  }
0x97: {  	_ =	strace $0x8FFFFFFF  }
0x98: {  	s17 =	sld [smem:$0x3FDB];
	_ =	sdelay $0x1  }
0x99: {  	s18 =	simm.s32 $_scs_section_size  }
0x9a: {  	s4 =	simm.s32 $_size__tile_overlayer_lowered;
	s5 =	simm.s32 $_tile_overlayer_lowered  }
0x9b: {  	s21 =	simm.s32 $0x1BFF;
	s20 =	sshll.u32 s5, $0x1;
	s2 =	sadd.s32 s18, s17  }
0x9c: {  	s6 =	simm.s32 $0x0;
	s19 =	sshll.u32 s4, $0x1;
	s4 =	sadd.s32 s20, s2  }
0x9d: {  	[timem:s6], [sflag:s21] =	dma.local [hbm:s4], s19  }
0x9e: {  	_ =	swait.ge [sflag:s21], s19  }
0x9f: {  	s3 =	ssub.s32 $0x0, s19;
	[sflag:s21] =	ssyncset.done $0x0  }
0xa0: {  	[sflag:s21] =	ssyncadd.s32 s3;
	_ =	sdelay $0x1  }
0xa1: {  	s22 =	simm.s32 $0x1B8B  }
0xa2: {  	_ =	swait.ge [sflag:s22], $0x1  }
0xa3: {  	[sflag:s22] =	ssyncset.done $0x0  }
0xa4: {  	s23 =	sld [smem:$0x3FFE];
	[sflag:s22] =	ssyncadd.s32 $0xFFFFFFFF  }
0xa5: {  	s25 =	simm.s32 $0x1B8E;
	s24 =	sld [smem:$0x0]  }
0xa6: {  	s26 =	simm.s32 $execute0_lowered;
	[smem:$0x3FD2] =	sst s25  }
0xa7: {  	s5 =	sshll.u32 s26, $0x1;
	_ =	strace $0x8000004C;
	[dreg:$0x1] =	wrdreg $0xFFFFFFFF  }
0xa8: {  	s28 =	simm.s32 $_size_execute0_lowered;
	s2 =	sadd.s32 s2, s5;
	[dreg:$0x0] =	wrdreg $0x0  }
0xa9: {  	s5 =	sshll.u32 s28, $0x1;
	[dreg:$0x2] =	wrdreg s2  }
0xaa: {  	[dreg:$0x3] =	wrdreg s5  }
0xab: {  	[dreg:$0x4] =	wrdreg $0xC0  }
0xac: {  	_ =	task [dreg:s6], $0x5FFFF  }
0xad: {  	[dreg:$0x1] =	wrdreg $0xFFFFFFFF  }
0xae: {  	[dreg:$0x0] =	wrdreg $0x60  }
0xaf: {  	[dreg:$0x2] =	wrdreg s23  }
0xb0: {  	[dreg:$0x3] =	wrdreg s1  }
0xb1: {  	[dreg:$0x4] =	wrdreg s24  }
0xb2: {  	[dreg:$0x5] =	wrdreg $0x9  }
0xb3: {  	_ =	task.clear_ibuf [dreg:s6], $0x6FFFF;
	_ =	strace $0x9000004C  }
0xb4: {  	s29 =	simm.s32 $0x9;
	_ =	strace $0x8000004E  }
0xb5: {  	_ =	swait.ge [sflag:s29], $0x1  }
0xb6: {  	[sflag:s29] =	ssyncadd.s32 $0xFFFFFFFF  }
0xb7: {  	_ =	strace $0x9000004E  }
0xb8: {  	_ =	sfence  }
0xb9: {  	s30 =	sld [smem:$0x0];
	_ =	sdelay $0x2  }
0xba: {  	s31 =	sshll.u32 s1, $0xD;
	s1 =	sshrl.u32 s1, $0x2  }
0xbb: {  	s3 =	sand.u32 $0x4000, s31;
	s1 =	sadd.s32 s1, s30  }
0xbc: {  	s0 =	sor.u32 s3, s0;
	s1 =	sshll.u32 s1, $0x11  }
0xbd: {  	s0 =	sor.u32 s1, s0  }
0xbe: {  	s0 =	sadd.s32 $0x8F2B, s0  }
0xbf: {  	[sflag:s0] =	ssyncadd.remote.s32 $0x1  }
0xc0: {  	_ =	sfence.sel $0xFFFF  }
0xc1: {  	[dreg:$0x0] =	wrdreg $0xFFFFFFFF;
	(pc) =	sbr.abs _section_cstart, $3  }
0xc2: {  	[dreg:$0x1] =	wrdreg $0xFFFFFFFF  }
0xc3: {  	_ =	task.clear_ibuf [dreg:s6], $0x2FFFF;
	_ =	strace $0x9FFFFFFF  }
0xc4: {  	(tm) =	ssettm $0x7FFFFFFF  }
0xc5: {  	_ =	shalt  }
tec
execute0_lowered:
.L_overlay_start_1:
0x0: {  	(tag) =	ssettag $0x1  }
0x1: {  	s0 =	rddreg [dreg:$0x0]  }
0x2: {  	s2 =	rddreg [dreg:$0x1];
	_ =	strace $0x8000004D;
	s1 =	simm.s32 $0x1  }
0x3: {  	s8 =	simm.s32 $0x108;
	v0 =	vimm.s32 $0x0;
	[sflag:s1] =	ssyncpa.u1 $0x0  }
0x4: {  	[tilespmem:s8+$0x70] =	vst v0  }
0x5: {  	[tilespmem:s8+$0x60] =	vst v0  }
0x6: {  	[tilespmem:s8+$0x50] =	vst v0  }
0x7: {  	[tilespmem:s8+$0x40] =	vst v0  }
0x8: {  	[tilespmem:s8+$0x30] =	vst v0  }
0x9: {  	s1 =	sadd.s32 $0x196C00, s0;
	s14 =	sadd.s32 $0x416C00, s0;
	[tilespmem:s8+$0x20] =	vst v0  }
0xa: {  	s13 =	sadd.s32 $0x41BC00, s0;
	s3 =	sand.u32 $0x1, s2;
	s0 =	simm.s32 $0x40;
	[tilespmem:s8+$0x10] =	vst v0  }
.LBB2_1:
0xb: {  	s0 =	sadd.s32 $0x40, s0;
	[tilespmem:s8+$0x0] =	vst v0;
	s8 =	sadd.s32 $0x80, s8  }
0xc: {  	p0 =	slt.u32 s0, $0x3C40;
	[tilespmem:s8+$0x70] =	vst v0  }
0xd: {  	[tilespmem:s8+$0x60] =	vst v0  }
.Ltmp0:
0xe: {  	[tilespmem:s8+$0x50] =	vst v0;
	(pc) =	sbr.rel @p0 .LBB2_1-.Ltmp0, $4  }
0xf: {  	[tilespmem:s8+$0x40] =	vst v0  }
0x10: {  	[tilespmem:s8+$0x30] =	vst v0  }
0x11: {  	[tilespmem:s8+$0x20] =	vst v0  }
0x12: {  	[tilespmem:s8+$0x10] =	vst v0  }
0x13: {  	s15 =	stileid.u32  }
0x14: {  	s0 =	smul.u32 $0x15, s15  }
0x15: {  	s2 =	smin.u32 s15, $0x6  }
0x16: {  	s0 =	sadd.s32 s2, s0  }
0x17: {  	p0 =	slt.u32 s15, $0x6;
	s6 =	smul.u32 $0xF0, s0;
	s0 =	simm.s32 $0x14A0  }
0x18: {  	s0 =	simm.s32 @!p0 $0x13B0  }
0x19: {  	s0 =	sadd.s32 s0, s6  }
0x1a: {  	s7 =	smin.u32 s0, $0x14000  }
0x1b: {  	s0 =	ssub.s32 s7, s6  }
0x1c: {  	p0 =	sgt.s32 s0, $0x0  }
0x1d: {  	[tilespmem:s8+$0x0] =	vst v0;
	s8 =	simm.s32 $0x2;
	s9 =	simm.s32 $0x9;
	s0 =	simm.s32 @!p0 $0x0  }
0x1e: {  	s5 =	simm.s32 $0xA;
	s10 =	simm.s32 $0xB;
	s30 =	smulhi.u32 $0x88888889, s0  }
0x1f: {  	[dreg:$0x4] =	wrdreg s3;
	s31 =	smul.u32 $0x2800, s3;
	s11 =	simm.s32 $0x1  }
0x20: {  	s21 =	simm.s32 $0x0;
	s17 =	simm.s32 $0xC;
	s2 =	sshrl.u32 s30, $0x7  }
0x21: {  	s19 =	simm.s32 $0x0;
	s20 =	simm.s32 $0x0;
	s4 =	smul.u32 $0xF0, s2  }
.Ltmp1:
0x22: {  	v0 =	vimm.s32 $0xFFFFFFFF;
	[sflag:s8] =	ssyncpa.u1 $0x0;
	s15 =	sshll.u32 s15, $0x8;
	(pc) =	sbr.rel .LBB2_3-.Ltmp1, $4  }
0x23: {  	[tilespmem:$0xF208] =	vst v0;
	[sflag:s9] =	ssyncpa.u1 $0x0;
	p0 =	sne.s32 s0, s4;
	s0 =	simm.s32 $0x1  }
0x24: {  	s13 =	sadd.s32 s31, s13;
	[sflag:s5] =	ssyncpa.u1 $0x0;
	s0 =	simm.s32 @!p0 $0x0  }
0x25: {  	s14 =	sadd.s32 s31, s14;
	[sflag:s10] =	ssyncpa.u1 $0x0;
	s12 =	sadd.s32 s0, s2  }
0x26: {  	v0 =	vlaneseq.u32;
	s18 =	smov.u32 s6;
	p0 =	por $0x0, $0x0;
	s16 =	sadd.s32 $0x1, s12  }
.LBB2_18:
0x27: {  	s0 =	sshrl.u32 s30, $0x2  }
.LBB2_20:
0x28: {  	_ =	swait.ge [sflag:s17], s0  }
0x29: {  	s31 =	ssub.s32 $0x0, s0;
	v1 =	vmov s23;
	vm0 =	veq.s32 v0, $0x0;
	[sflag:s17] =	ssyncset.done $0x0  }
0x2a: {  	vm15 =	veq.s32 v0, $0x2;
	v1 =	vsel vm0, s29, v1;
	[sflag:s17] =	ssyncadd.s32 s31  }
0x2b: {  	v1 =	vsel vm15, s21, v1;
	[sflag:s17] =	ssyncpa.u1 $0x1  }
0x2c: {  	[tilespmem:$0xF208] =	vst v1  }
.LBB2_21:
0x2d: {  	s0 =	sadd.s32 $0xF0, s18  }
0x2e: {  	s2 =	smov.u32 s6;
	p1 =	slt.s32 s0, s7  }
0x2f: {  	s2 =	smov.u32 @p1 s0;
	p1 =	sne.s32 s20, s16  }
.Ltmp2:
0x30: {  	_ = 	snop;
	(pc) =	sbr.rel @!p1 .LBB2_22-.Ltmp2, $3  }
0x31: {  	_ =	sdelay $0x1  }
0x32: {  	s21 =	smov.u32 s19;
	s31 =	sadd.s32 $0x1, s20;
	s19 =	smov.u32 s18  }
0x33: {  	p0 =	por !p0, !p0;
	s20 =	smov.u32 s31;
	s18 =	smov.u32 s2  }
.LBB2_3:
0x34: {  	p1 =	sge.u32 s20, s12  }
0x35: {  	s0 =	smulhi.u32 @!p1 $0xAAAAAAAB, s20  }
0x36: {  	s2 =	smov.u32 s18;
	p2 =	sgt.s32 @!p1 s18, $0x13F10  }
0x37: {  	s4 =	sshra.s32 @!p1 s18, $0x1F;
	p2 =	por !p2, p1;
	s0 =	sshrl.u32 @!p1 s0, $0x1  }
0x38: {  	s4 =	sand.u32 @!p1 s4, s18;
	s2 =	simm.s32 @p2 $0x13F10;
	s0 =	smul.u32 @!p1 $0x3, s0  }
0x39: {  	s2 =	ssub.s32 @!p1 s2, s4  }
0x3a: {  	s2 =	sadd.s32 @!p1 $0xFFFEC0F0, s2;
	s0 =	ssub.s32 @!p1 s20, s0  }
0x3b: {  	s4 =	sshll.u32 @!p1 s2, $0x2;
	p2 =	sgt.s32 @!p1 s2, $0xEF;
	s0 =	smul.u32 @!p1 $0x3C0, s0  }
0x3c: {  	s5 =	sand.u32 @!p1 $0x7, s18;
	s2 =	ssub.s32 @!p1 $0x3C0, s4;
	p2 =	por !p2, p1  }
0x3d: {  	s4 =	sshrl.u32 @!p1 s18, $0x3;
	s2 =	sshrl.u32 @!p1 s2, $0x2;
	s0 =	sshrl.u32 @!p1 s0, $0x2  }
0x3e: {  	s4 =	sadd.s32 @!p1 s4, s13;
	s2 =	simm.s32 @!p2 $0x0;
	s0 =	sadd.s32 @!p1 $0x10248, s0  }
0x3f: {  	[tilespmem:s0], [sflag:$0xA] =	stream.linear.gather @!p1 [hbm4b:s4+s5], s2, $0x38;
	[tilespmem:$0x1F6F8] =	vst v63  }
0x40: {  	s0 =	sadd.s32 $0xFFFFFFFF, s20  }
0x41: {  	p1 =	sge.u32 s0, s12  }
0x42: {  	p2 =	sgt.s32 @!p1 s19, $0x13F10  }
0x43: {  	s2 =	smov.u32 s19;
	s4 =	sshra.s32 @!p1 s19, $0x1F;
	p2 =	por !p2, p1  }
0x44: {  	s4 =	sand.u32 @!p1 s4, s19;
	s2 =	simm.s32 @p2 $0x13F10  }
0x45: {  	s2 =	ssub.s32 @!p1 s2, s4  }
0x46: {  	s2 =	sadd.s32 @!p1 $0xFFFEC0F0, s2  }
0x47: {  	s5 =	sand.u32 @!p1 $0x1, s0;
	s4 =	sshll.u32 @!p1 s2, $0x2  }
0x48: {  	p2 =	sgt.s32 @!p1 s2, $0xEF;
	s2 =	ssub.s32 @!p1 $0x3C0, s4;
	s4 =	smulhi.u32 @!p1 $0xAAAAAAAB, s0  }
0x49: {  	s23 =	smul.u32 @!p1 $0x3C0, s5;
	p2 =	por !p2, p1;
	s2 =	sshrl.u32 @!p1 s2, $0x2  }
0x4a: {  	s22 =	simm.s32 @!p1 $0xA;
	s2 =	simm.s32 @!p2 $0x0;
	s4 =	sshrl.u32 @!p1 s4, $0x1  }
0x4b: {  	s23 =	sshrl.u32 @!p1 s23, $0x2;
	_ =	swait.ge @!p1 [sflag:s22], s2;
	s4 =	smul.u32 @!p1 $0x3, s4  }
0x4c: {  	s23 =	sadd.s32 @!p1 $0x10518, s23;
	s24 =	ssub.s32 @!p1 $0x0, s2;
	[sflag:s22] =	ssyncset.done @!p1 $0x0  }
0x4d: {  	[sflag:s22] =	ssyncadd.s32 @!p1 s24;
	s22 =	sshrl.u32 @!p1 s19, $0x3;
	s0 =	ssub.s32 @!p1 s0, s4  }
0x4e: {  	s24 =	sand.u32 @!p1 $0x7, s19;
	s22 =	sadd.s32 @!p1 s22, s14;
	s0 =	smul.u32 @!p1 $0x3C0, s0  }
0x4f: {  	[tilespmem:s23], [sflag:$0xB] =	stream.linear.gather @!p1 [hbm4b:s22+s24], s2, $0x38;
	[tilespmem:$0x1F6F8] =	vst v63  }
0x50: {  	s4 =	ssub.s32 @!p1 $0x14000, s19;
	s2 =	smul.u32 @!p1 $0x1E000, s5  }
0x51: {  	p2 =	slt.s32 @!p1 s4, $0xF0  }
0x52: {  	p2 =	por !p2, p1;
	s0 =	sshrl.u32 @!p1 s0, $0x2;
	s2 =	sshrl.u32 @!p1 s2, $0x2  }
0x53: {  	s4 =	simm.s32 @p2 $0xF0;
	s0 =	sadd.s32 @!p1 $0x10248, s0;
	s2 =	sor.u32 @!p1 $0x106F8, s2  }
0x54: {  	[tilespmem:s2], [sflag:$0x9] =	stream.indirect.gather @!p1 [hbm4b:s1+s4], $0x80, s0, s4, $0xb8;
	[tilespmem:$0x1F6F8] =	vst v63  }
0x55: {  	p1 =	slt.u32 s20, $0x2  }
.Ltmp3:
0x56: {  	_ = 	snop;
	(pc) =	sbr.rel @p1 .LBB2_21-.Ltmp3, $1  }
0x57: {  	_ =	sdelay $0x3  }
0x58: {  	p1 =	sgt.s32 s21, $0x13F10  }
0x59: {  	s0 =	smov.u32 s21;
	s2 =	sshra.s32 s21, $0x1F;
	s4 =	ssub.s32 $0x14000, s21  }
0x5a: {  	s0 =	simm.s32 @!p1 $0x13F10;
	s2 =	sand.u32 s2, s21;
	p1 =	slt.s32 s4, $0xF0  }
0x5b: {  	s0 =	ssub.s32 s0, s2;
	s4 =	simm.s32 @!p1 $0xF0  }
0x5c: {  	s0 =	sadd.s32 $0xFFFEC0F0, s0;
	s26 =	sshll.u32 s4, $0x7  }
0x5d: {  	s28 =	sshll.u32 s0, $0x2;
	s2 =	sand.u32 $0x3FFFFF80, s26  }
0x5e: {  	p1 =	sgt.s32 s0, $0xEF;
	s30 =	ssub.s32 $0x3C0, s28;
	_ =	swait.ge [sflag:s9], s2  }
0x5f: {  	s2 =	ssub.s32 $0x0, s2;
	[sflag:s9] =	ssyncset.done $0x0;
	s0 =	sshrl.u32 s30, $0x2  }
0x60: {  	[sflag:s9] =	ssyncadd.s32 s2;
	s0 =	simm.s32 @p1 $0x0  }
0x61: {  	_ =	swait.ge [sflag:s10], s0  }
0x62: {  	s0 =	ssub.s32 $0x0, s0;
	[sflag:s10] =	ssyncset.done $0x0  }
0x63: {  	[sflag:s10] =	ssyncadd.s32 s0  }
0x64: {  	v1 =	vld [tilespmem:$0xF208];
	_ =	sdelay $0x4  }
0x65: {  	(v2sf) =	vpush v1, $0x0  }
0x66: {  	(v2sf) =	vpush v1, $0x1  }
0x67: {  	(v2sf) =	vpush v1, $0x2;
	_ =	sdelay $0x3  }
0x68: {  	s0 =	sadd.s32 $0xF0, s21  }
0x69: {  	s2 =	ssub.s32 $0x28000, s21;
	p1 =	slt.s32 s7, s0  }
0x6a: {  	s0 =	smov.u32 @p1 s7;
	p1 =	sgt.s32 s2, $0x0  }
0x6b: {  	s25 =	ssub.s32 s0, s21;
	s2 =	simm.s32 @!p1 $0x0  }
0x6c: {  	p1 =	slt.s32 s2, s25  }
0x6d: {  	s25 =	smov.u32 @p1 s2  }
0x6e: {  	s24 =	simm.s32 $0x1;
	p1 =	slt.s32 s25, $0x1  }
.Ltmp4:
0x6f: {  	s24 =	simm.s32 @!p0 $0x0;
	(pc) =	sbr.rel @p1 .LBB2_8-.Ltmp4, $4  }
0x70: {  	s31 =	smul.u32 $0x3C0, s24  }
0x71: {  	s26 =	spop (v2sf)  }
0x72: {  	s0 =	sshrl.u32 s31, $0x2;
	s29 =	spop (v2sf)  }
0x73: {  	s22 =	sadd.s32 $0x10518, s0;
	s21 =	spop (v2sf)  }
0x74: {  	s0 =	smin.u32 s25, $0x10  }
0x75: {  	v1 =	vmov s0  }
0x76: {  	p2 =	sgt.s32 s25, $0x10;
	vm1 =	vgt.u32 v1, v0  }
.Ltmp5:
0x77: {  	_ = 	snop;
	(pc) =	sbr.rel @!p2 .LBB2_7-.Ltmp5, $2  }
0x78: {  	_ =	sdelay $0x2  }
0x79: {  	s23 =	simm.s32 $0x10;
	s28 =	sadd.s32 $0xFFFFFFF0, s25;
	s0 =	smov.u32 s22;
	vm0 =	vmmov vm1  }
.LBB2_6:
0x7a: {  	s2 =	smin.u32 s28, $0x10;
	s23 =	sadd.s32 $0x10, s23;
	v1 =	vld.msk [tilespmem:s0+$0x0 ss:$0x1], vm1  }
0x7b: {  	v2 =	vmov s2;
	p2 =	slt.s32 s23, s25  }
0x7c: {  	vm1 =	vgt.u32 v2, v0  }
.Ltmp6:
0x7d: {  	(pc) =	sbr.rel @p2 .LBB2_6-.Ltmp6, $3  }
0x7e: {  	_ =	sdelay $0x1  }
0x7f: {  	v1 =	vshll.u32 v1, $0x4  }
0x80: {  	s28 =	sadd.s32 $0xFFFFFFF0, s28;
	[tilespmem:s0+$0x0] =	vst.msk vm0, v1;
	s0 =	sadd.s32 $0x10, s0;
	vm0 =	vmmov vm1  }
.LBB2_7:
0x81: {  	_ =	sdelay $0x4  }
0x82: {  	v1 =	vld.msk [tilespmem:s0+$0x0 ss:$0x1], vm1;
	_ =	sdelay $0x4  }
0x83: {  	v1 =	vshll.u32 v1, $0x4  }
0x84: {  	[tilespmem:s0+$0x0] =	vst.msk vm0, v1  }
.LBB2_8:
0x85: {  	s0 =	sand.u32 $0x1, s20  }
0x86: {  	s0 =	smul.u32 $0xF0, s0  }
0x87: {  	p2 =	sne.s32 s29, $0xFFFFFFFF  }
0x88: {  	v1 =	vld.msk @!p2 [tilespmem:s0+$0x10518], $0x1;
	_ =	sdelay $0x4  }
0x89: {  	(v2sf) =	vpush @!p2 v1, $0x0;
	_ =	sdelay $0xc  }
.Ltmp7:
0x8a: {  	_ = 	snop;
	(pc) =	sbr.rel @p1 .LBB2_19-.Ltmp7, $4  }
0x8b: {  	_ = 	snop  }
0x8c: {  	s28 =	spop @!p2 (v2sf)  }
0x8d: {  	s21 =	simm.s32 @!p2 $0x0;
	s23 =	smov.u32 s28  }
0x8e: {  	[sflag:s17] =	ssyncpa.u1 $0x0;
	s28 =	smov.u32 @p2 s26;
	s23 =	smov.u32 @p2 s29  }
0x8f: {  	v1 =	vld.msk [tilespmem:s22+$0x0], $0x1;
	_ =	sdelay $0x4  }
0x90: {  	(v2sf) =	vpush v1, $0x0;
	_ =	sdelay $0xe  }
0x91: {  	s31 =	spop (v2sf)  }
0x92: {  	p1 =	seq.s32 s28, s31  }
0x93: {  	s25 =	ssub.s32 $0x0, s25;
	p2 =	sgt.s32 @!p1 s28, $0x0  }
0x94: {  	s2 =	smov.u32 s28;
	s29 =	sadd.s32 $0x1, s25;
	p2 =	por !p2, p1  }
0x95: {  	s0 =	smul.u32 $0x1E000, s24;
	s2 =	simm.s32 @p2 $0x0;
	p2 =	seq.s32 s29, $0x0  }
.Ltmp8:
0x96: {  	_ = 	snop;
	(pc) =	sbr.rel @p2 .LBB2_11-.Ltmp8, $4  }
0x97: {  	s26 =	simm.s32 $0x0;
	s0 =	sshrl.u32 s0, $0x2  }
0x98: {  	s24 =	sor.u32 $0x10738, s0;
	s0 =	simm.s32 @!p1 $0x1;
	s2 =	smin.u32 @!p1 s2, $0x27FFF0  }
0x99: {  	s4 =	simm.s32 @!p1 $0x7988;
	s0 =	smov.u32 @p1 s26;
	s30 =	sand.u32 @!p1 $0x3FFFF8, s2  }
0x9a: {  	s5 =	sand.u32 @!p1 $0x7, s2;
	s2 =	sadd.s32 @!p1 s1, s30;
	s30 =	sadd.s32 $0x1, s22  }
.LBB2_10:
0x9b: {  	s3 =	smov.u32 s0  }
0x9c: {  	[tilespmem:s4], [sflag:$0x2] =	stream.linear.gather @!p1 [hbm4b:s2+s5], $0x80, $0x38;
	[tilespmem:$0x1F6F8] =	vst v63  }
0x9d: {  	s29 =	sadd.s32 $0x1, s29;
	s2 =	smov.u32 s31;
	v1 =	vld.msk [tilespmem:s30+$0x0], $0x1  }
0x9e: {  	p2 =	seq.s32 s29, $0x0;
	_ =	sdelay $0x3  }
0x9f: {  	(v2sf) =	vpush v1, $0x0;
	_ =	sdelay $0xe  }
0xa0: {  	s31 =	spop (v2sf)  }
0xa1: {  	p1 =	seq.s32 s2, s31  }
0xa2: {  	p3 =	sgt.s32 @!p1 s2, $0x0;
	s4 =	sshll.u32 @!p1 s0, $0x9;
	s0 =	sadd.s32 @!p1 $0x1, s0  }
.Ltmp9:
0xa3: {  	p3 =	por !p3, p1;
	s4 =	sshra.s32 @!p1 s4, $0x2;
	(pc) =	sbr.rel @!p2 .LBB2_10-.Ltmp9, $4  }
0xa4: {  	s0 =	smov.u32 @p1 s3;
	s2 =	simm.s32 @p3 $0x0;
	s4 =	sadd.s32 @!p1 $0x7988, s4  }
0xa5: {  	s2 =	smin.u32 @!p1 s2, $0x27FFF0  }
0xa6: {  	s3 =	sand.u32 @!p1 $0x3FFFF8, s2;
	s5 =	sand.u32 @!p1 $0x7, s2  }
0xa7: {  	s30 =	sadd.s32 $0x1, s30;
	s2 =	sadd.s32 @!p1 s1, s3  }
.LBB2_11:
0xa8: {  	[tilespmem:s4], [sflag:$0x2] =	stream.linear.gather @!p1 [hbm4b:s2+s5], $0x80, $0x38;
	[tilespmem:$0x1F6F8] =	vst v63  }
.Ltmp10:
0xa9: {  	s0 =	sshll.u32 s0, $0x7;
	(pc) =	sbr.rel .LBB2_12-.Ltmp10, $4  }
0xaa: {  	s0 =	sand.u32 $0x3FFFFF80, s0  }
0xab: {  	_ =	swait.ge [sflag:s8], s0  }
0xac: {  	s0 =	ssub.s32 $0x0, s0;
	[sflag:s8] =	ssyncset.done $0x0  }
0xad: {  	s30 =	simm.s32 $0x0;
	[sflag:s8] =	ssyncadd.s32 s0  }
.LBB2_13:
0xae: {  	v1 =	vld [tilespmem:s24+$0xFFFFFFC0];
	_ =	sdelay $0x3  }
0xaf: {  	s0 =	sshra.s32 s0, $0x2  }
0xb0: {  	[tilespmem:s0+$0x108] =	vst.add.f32.msk $0xffff, v1  }
0xb1: {  	v1 =	vld [tilespmem:s24+$0xFFFFFFD0];
	_ =	sdelay $0x4  }
0xb2: {  	[tilespmem:s0+$0x118] =	vst.add.f32.msk $0xffff, v1  }
0xb3: {  	v1 =	vld [tilespmem:s24+$0xFFFFFFE0];
	_ =	sdelay $0x4  }
0xb4: {  	[tilespmem:s0+$0x128] =	vst.add.f32.msk $0xffff, v1  }
0xb5: {  	v1 =	vld [tilespmem:s24+$0xFFFFFFF0];
	_ =	sdelay $0x4  }
0xb6: {  	[tilespmem:s0+$0x138] =	vst.add.f32.msk $0xffff, v1  }
0xb7: {  	v1 =	vld [tilespmem:s24+$0x0];
	_ =	sdelay $0x4  }
0xb8: {  	[tilespmem:s0+$0x148] =	vst.add.f32.msk $0xffff, v1  }
0xb9: {  	v1 =	vld [tilespmem:s24+$0x10];
	_ =	sdelay $0x4  }
0xba: {  	[tilespmem:s0+$0x158] =	vst.add.f32.msk $0xffff, v1  }
0xbb: {  	v1 =	vld [tilespmem:s24+$0x20];
	_ =	sdelay $0x4  }
0xbc: {  	[tilespmem:s0+$0x168] =	vst.add.f32.msk $0xffff, v1  }
0xbd: {  	v1 =	vld [tilespmem:s24+$0x30];
	_ =	sdelay $0x4  }
0xbe: {  	[tilespmem:s0+$0x178] =	vst.add.f32.msk $0xffff, v1  }
.LBB2_17:
0xbf: {  	s25 =	sadd.s32 $0x1, s25  }
0xc0: {  	p1 =	seq.s32 s25, $0x0  }
.Ltmp11:
0xc1: {  	_ = 	snop;
	(pc) =	sbr.rel @p1 .LBB2_18-.Ltmp11, $2  }
0xc2: {  	_ =	sdelay $0x2  }
0xc3: {  	s22 =	sadd.s32 $0x1, s22;
	s24 =	sadd.s32 $0x80, s24;
	s28 =	smov.u32 s29  }
.LBB2_12:
0xc4: {  	v1 =	vld.msk [tilespmem:s22+$0x0], $0x1;
	_ =	sdelay $0x4  }
0xc5: {  	(v2sf) =	vpush v1, $0x0;
	_ =	sdelay $0xe  }
0xc6: {  	s29 =	spop (v2sf)  }
0xc7: {  	p1 =	sne.s32 s28, s29  }
.Ltmp12:
0xc8: {  	_ = 	snop;
	(pc) =	sbr.rel @!p1 .LBB2_13-.Ltmp12, $2  }
0xc9: {  	_ =	sdelay $0x2  }
0xca: {  	s0 =	sshll.u32 s21, $0x9  }
0xcb: {  	p1 =	seq.s32 s28, s23  }
.Ltmp13:
0xcc: {  	_ = 	snop;
	(pc) =	sbr.rel @!p1 .LBB2_15-.Ltmp13, $1  }
0xcd: {  	_ =	sdelay $0x3  }
0xce: {  	s0 =	sshra.s32 s0, $0x2  }
.Ltmp14:
0xcf: {  	s0 =	sadd.s32 $0x108, s0;
	(pc) =	sbr.rel .LBB2_16-.Ltmp14, $4  }
0xd0: {  	[spmem:s15] =	stream.linear.scatter [tilespmem:s0], [sflag:$0x1], $0x80, $0x38;
	[tilespmem:$0x1F6F8] =	vst v63  }
0xd1: {  	_ =	swait.ge [sflag:s11], $0x80  }
0xd2: {  	[sflag:s11] =	ssyncset.done $0x0  }
0xd3: {  	[sflag:s11] =	ssyncadd.s32 $0xFFFFFF80  }
.LBB2_15:
0xd4: {  	s2 =	sshll.u32 s26, $0x9  }
0xd5: {  	s2 =	sshra.s32 s2, $0x2  }
0xd6: {  	v1 =	vld [tilespmem:s2+$0x7988];
	_ =	sdelay $0x3  }
0xd7: {  	s0 =	sshra.s32 s0, $0x2  }
0xd8: {  	[tilespmem:s0+$0x108] =	vst.add.f32.msk $0xffff, v1  }
0xd9: {  	v1 =	vld [tilespmem:s2+$0x7998];
	_ =	sdelay $0x4  }
0xda: {  	[tilespmem:s0+$0x118] =	vst.add.f32.msk $0xffff, v1  }
0xdb: {  	v1 =	vld [tilespmem:s2+$0x79A8];
	_ =	sdelay $0x4  }
0xdc: {  	[tilespmem:s0+$0x128] =	vst.add.f32.msk $0xffff, v1  }
0xdd: {  	v1 =	vld [tilespmem:s2+$0x79B8];
	_ =	sdelay $0x4  }
0xde: {  	[tilespmem:s0+$0x138] =	vst.add.f32.msk $0xffff, v1  }
0xdf: {  	v1 =	vld [tilespmem:s2+$0x79C8];
	_ =	sdelay $0x4  }
0xe0: {  	[tilespmem:s0+$0x148] =	vst.add.f32.msk $0xffff, v1  }
0xe1: {  	v1 =	vld [tilespmem:s2+$0x79D8];
	_ =	sdelay $0x4  }
0xe2: {  	[tilespmem:s0+$0x158] =	vst.add.f32.msk $0xffff, v1  }
0xe3: {  	v1 =	vld [tilespmem:s2+$0x79E8];
	_ =	sdelay $0x4  }
0xe4: {  	[tilespmem:s0+$0x168] =	vst.add.f32.msk $0xffff, v1  }
0xe5: {  	v1 =	vld [tilespmem:s2+$0x79F8];
	_ =	sdelay $0x2  }
0xe6: {  	p1 =	sgt.u32 s28, $0x27FFF0  }
0xe7: {  	s2 =	sand.u32 @!p1 $0x3FFFF8, s28  }
0xe8: {  	s3 =	sadd.s32 $0x108, s0;
	[tilespmem:s0+$0x178] =	vst.add.f32.msk $0xffff, v1;
	s0 =	sadd.s32 @!p1 s1, s2;
	s2 =	sand.u32 @!p1 $0x7, s28  }
0xe9: {  	[hbm4b:s0+s2] =	stream.linear.scatter @!p1 [tilespmem:s3], [sflag:$0xC], $0x80, $0x38;
	[tilespmem:$0x1F6F8] =	vst v63  }
0xea: {  	s0 =	simm.s32 $0x0  }
0xeb: {  	s0 =	simm.s32 @!p1 $0x200  }
0xec: {  	s30 =	sadd.s32 s0, s30  }
.LBB2_16:
0xed: {  	s0 =	sadd.s32 $0x1, s21  }
0xee: {  	s2 =	smulhi.u32 $0x88888889, s0;
	_ =	sdelay $0x1  }
0xef: {  	v1 =	vld [tilespmem:s24+$0xFFFFFFC0];
	s2 =	sshrl.u32 s2, $0x7  }
0xf0: {  	s2 =	smul.u32 $0xF0, s2;
	_ =	sdelay $0x1  }
0xf1: {  	s21 =	ssub.s32 s0, s2  }
0xf2: {  	s0 =	sshll.u32 s21, $0x7  }
0xf3: {  	[tilespmem:s0+$0x108] =	vst v1  }
0xf4: {  	v1 =	vld [tilespmem:s24+$0xFFFFFFD0];
	_ =	sdelay $0x4  }
0xf5: {  	[tilespmem:s0+$0x118] =	vst v1  }
0xf6: {  	v1 =	vld [tilespmem:s24+$0xFFFFFFE0];
	_ =	sdelay $0x4  }
0xf7: {  	[tilespmem:s0+$0x128] =	vst v1  }
0xf8: {  	v1 =	vld [tilespmem:s24+$0xFFFFFFF0];
	_ =	sdelay $0x4  }
0xf9: {  	[tilespmem:s0+$0x138] =	vst v1  }
0xfa: {  	v1 =	vld [tilespmem:s24+$0x0];
	_ =	sdelay $0x4  }
0xfb: {  	[tilespmem:s0+$0x148] =	vst v1  }
0xfc: {  	v1 =	vld [tilespmem:s24+$0x10];
	_ =	sdelay $0x4  }
0xfd: {  	[tilespmem:s0+$0x158] =	vst v1  }
0xfe: {  	v1 =	vld [tilespmem:s24+$0x20];
	_ =	sdelay $0x4  }
0xff: {  	[tilespmem:s0+$0x168] =	vst v1  }
0x100: {  	v1 =	vld [tilespmem:s24+$0x30]  }
.Ltmp15:
0x101: {  	_ = 	snop;
	(pc) =	sbr.rel .LBB2_17-.Ltmp15, $2  }
0x102: {  	_ =	sdelay $0x2  }
0x103: {  	s26 =	sadd.s32 $0x1, s26;
	[tilespmem:s0+$0x178] =	vst v1  }
.LBB2_19:
.Ltmp16:
0x104: {  	(pc) =	sbr.rel .LBB2_20-.Ltmp16, $3  }
0x105: {  	_ =	sdelay $0x1  }
0x106: {  	_ =	swait.ge [sflag:s8], $0x0  }
0x107: {  	s0 =	simm.s32 $0x0;
	s29 =	smov.u32 s28;
	[sflag:s8] =	ssyncset.done $0x0  }
.LBB2_22:
0x108: {  	_ =	sfence.sel $0x180000  }
0x109: {  	s0 =	simm.s32 $0x9;
	[bflag:$0x0] =	sbarrier.arrive $0xFFFF  }
0x10a: {  	s24 =	simm.s32 $0xA;
	[sflag:s0] =	ssyncpa.u1 $0x1  }
0x10b: {  	s25 =	simm.s32 $0xB;
	[sflag:s24] =	ssyncpa.u1 $0x1  }
0x10c: {  	s26 =	simm.s32 $0x2;
	[sflag:s25] =	ssyncpa.u1 $0x1  }
0x10d: {  	[sflag:s26] =	ssyncpa.u1 $0x1  }
0x10e: {  	v0 =	vld [tilespmem:$0xF208];
	_ =	sdelay $0x4  }
0x10f: {  	(v2sf) =	vpush v0, $0x0  }
0x110: {  	(v2sf) =	vpush v0, $0x1;
	_ =	sdelay $0x1  }
0x111: {  	(v2sf) =	vpush v0, $0x2;
	_ =	sdelay $0xb  }
0x112: {  	s0 =	spop (v2sf)  }
0x113: {  	s2 =	spop (v2sf)  }
0x114: {  	s3 =	smov.u32 s0;
	p0 =	sne.s32 s0, s2  }
0x115: {  	s4 =	spop (v2sf);
	s3 =	simm.s32 @!p0 $0xFFFFFFFF  }
0x116: {  	v2 =	vimm.s32 $0x1;
	v3 =	vlaneseq.u32;
	p0 =	seq.s32 s4, $0xFFFFFFFF;
	v1 =	vmov s3  }
0x117: {  	s17 =	stileid.u32;
	v0 =	vperm.xlane v0, v2;
	p1 =	sne.s32 @!p0 s0, s2;
	v1 =	vperm.xlane v1, v3  }
0x118: {  	vm0 =	vcmask $0x3F04;
	s6 =	simm.s32 $0xF208;
	s0 =	simm.s32 @!p0 $0x1;
	p1 =	por !p1, p0  }
0x119: {  	s3 =	sshll.u32 s17, $0x1;
	s2 =	sshll.u32 @!p0 s4, $0x9;
	s0 =	simm.s32 @p1 $0x0;
	v0 =	vsel vm0, v1, v0  }
0x11a: {  	s5 =	sor.u32 $0x1000, s3;
	s2 =	sshra.s32 @!p0 s2, $0x2;
	s0 =	sor.u32 @!p0 s0, s3;
	[tilespmem:$0xF208] =	vst v0  }
0x11b: {  	[spmem:s5] =	stream.linear.scatter [tilespmem:s6], [sflag:$0x1], $0x2, $0x38;
	[tilespmem:$0x1F6F8] =	vst v63  }
0x11c: {  	s2 =	sadd.s32 @!p0 $0x108, s2;
	s0 =	sshll.u32 @!p0 s0, $0x7  }
0x11d: {  	[spmem:s0] =	stream.linear.scatter @!p0 [tilespmem:s2], [sflag:$0x1], $0x80, $0x38;
	[tilespmem:$0x1F6F8] =	vst v63  }
0x11e: {  	s0 =	simm.s32 @!p0 $0x82  }
0x11f: {  	s28 =	simm.s32 $0x1;
	s0 =	simm.s32 @p0 $0x2  }
0x120: {  	_ =	swait.ge [sflag:s28], s0  }
0x121: {  	s0 =	ssub.s32 $0x0, s0;
	[sflag:s28] =	ssyncset.done $0x0  }
0x122: {  	p0 =	sne.s32 s17, $0x0;
	[sflag:s28] =	ssyncadd.s32 s0  }
.Ltmp17:
0x123: {  	_ =	sfence.stream.spmem;
	(pc) =	sbr.rel @p0 .LBB2_39-.Ltmp17, $4  }
0x124: {  	s29 =	simm.s32 $0x3;
	[bflag:$0x0] =	sbarrier.arrive $0xFFFF  }
0x125: {  	s30 =	simm.s32 $0x4;
	[sflag:s29] =	ssyncpa.u1 $0x1  }
0x126: {  	s31 =	simm.s32 $0x3C;
	[sflag:s30] =	ssyncpa.u1 $0x1  }
0x127: {  	s16 =	rddreg [dreg:$0x4];
	[sflag:s31] =	ssyncpa.u1 $0x1  }
0x128: {  	_ =	sfence.stream.spmem;
	s0 =	simm.s32 $0x5  }
0x129: {  	s2 =	simm.s32 $0x1000;
	s3 =	simm.s32 $0xF218;
	[sflag:s0] =	ssyncpa.u1 $0x0  }
0x12a: {  	[tilespmem:s3], [sflag:$0x5] =	stream.linear.gather [spmem:s2], $0x20, $0x38;
	[tilespmem:$0x1F6F8] =	vst v63  }
0x12b: {  	s26 =	simm.s32 $0x0;
	s28 =	simm.s32 $0xF238  }
0x12c: {  	[tilespmem:s28], [sflag:$0x5] =	stream.linear.gather [spmem:s26], $0x1000, $0x38;
	[tilespmem:$0x1F6F8] =	vst v63  }
0x12d: {  	_ =	swait.ge [sflag:s0], $0x1020  }
0x12e: {  	[sflag:s0] =	ssyncset.done $0x0  }
0x12f: {  	s29 =	simm.s32 $0x0;
	[sflag:s0] =	ssyncadd.s32 $0xFFFFEFE0  }
0x130: {  	v0 =	vld.msk [tilespmem:s29+$0xF218], $0x1;
	_ =	sdelay $0x1  }
0x131: {  	s30 =	simm.s32 $0x1  }
0x132: {  	v1 =	vld.msk [tilespmem:s30+$0xF218], $0x1;
	_ =	sdelay $0x1  }
0x133: {  	(v2sf) =	vpush v0, $0x0;
	_ =	sdelay $0x2  }
0x134: {  	(v2sf) =	vpush v1, $0x0;
	_ =	sdelay $0x2  }
0x135: {  	s31 =	simm.s32 $0x2  }
0x136: {  	v0 =	vld.msk [tilespmem:s31+$0xF218], $0x1;
	_ =	sdelay $0x2  }
0x137: {  	s4 =	simm.s32 $0xFFFFFFFF;
	s6 =	simm.s32 $0xFFFFFFFF;
	s0 =	simm.s32 $0xC  }
.LBB2_24:
0x138: {  	s2 =	smov.u32 s6;
	s3 =	smov.u32 s4  }
0x139: {  	s4 =	sshra.s32 s0, $0x2;
	p1 =	sne.s32 s0, $0x7C;
	s0 =	sadd.s32 $0x4, s0;
	(v2sf) =	vpush v0, $0x0  }
0x13a: {  	v0 =	vld.msk [tilespmem:s4+$0xF218], $0x1  }
.Ltmp18:
0x13b: {  	(pc) =	sbr.rel @p1 .LBB2_24-.Ltmp18, $4  }
0x13c: {  	s6 =	spop (v2sf)  }
0x13d: {  	p2 =	sne.s32 s3, $0xFFFFFFFF;
	s4 =	smov.u32 s6  }
0x13e: {  	p3 =	seq.s32 s6, $0xFFFFFFFF;
	s4 =	smov.u32 @p2 s3  }
0x13f: {  	s6 =	smov.u32 @p3 s2;
	s4 =	smov.u32 @p3 s3  }
0x140: {  	(v2sf) =	vpush v0, $0x0;
	_ =	sdelay $0x8  }
0x141: {  	s0 =	spop (v2sf)  }
0x142: {  	p1 =	sne.s32 s4, $0xFFFFFFFF;
	s2 =	smov.u32 s0  }
0x143: {  	s9 =	simm.s32 $0x6;
	p2 =	seq.s32 s0, $0xFFFFFFFF;
	s2 =	smov.u32 @p1 s4  }
0x144: {  	s10 =	simm.s32 $0xF188;
	s2 =	smov.u32 @p2 s4;
	s3 =	spop (v2sf)  }
0x145: {  	s0 =	smov.u32 @p2 s6;
	p1 =	sne.s32 s2, $0xFFFFFFFF;
	s4 =	smov.u32 s3  }
.Ltmp19:
0x146: {  	p2 =	seq.s32 s3, $0xFFFFFFFF;
	s4 =	smov.u32 @p1 s2;
	(pc) =	sbr.rel .LBB2_26-.Ltmp19, $4  }
0x147: {  	s11 =	simm.s32 $0x0;
	s4 =	smov.u32 @p2 s2;
	s7 =	spop (v2sf)  }
0x148: {  	[sflag:s9] =	ssyncpa.u1 $0x0;
	p1 =	sne.s32 s4, $0xFFFFFFFF;
	s8 =	smov.u32 s7  }
0x149: {  	s3 =	smov.u32 @p2 s0;
	p2 =	seq.s32 s7, $0xFFFFFFFF;
	s8 =	smov.u32 @p1 s4  }
0x14a: {  	s6 =	simm.s32 $0x0;
	s7 =	smov.u32 @p2 s3;
	s8 =	smov.u32 @p2 s4  }
.LBB2_32:
0x14b: {  	p1 =	sgt.u32 s12, $0x27FFF0  }
0x14c: {  	p2 =	seq.s32 @!p1 s12, s8  }
0x14d: {  	p1 =	por p1, p2  }
0x14e: {  	p2 =	sne.s32 @!p1 s12, s7  }
0x14f: {  	p1 =	por p1, !p2  }
0x150: {  	s0 =	sshll.u32 @p1 s11, $0x9  }
0x151: {  	s0 =	sand.u32 @!p1 $0x3FFFF8, s12  }
0x152: {  	s2 =	sand.u32 @!p1 $0x7, s12;
	s0 =	sadd.s32 @!p1 s1, s0  }
0x153: {  	[tilespmem:s10], [sflag:$0x6] =	stream.linear.gather @!p1 [hbm4b:s0+s2], $0x80, $0x38;
	[tilespmem:$0x1F6F8] =	vst v63  }
0x154: {  	_ =	swait.ge @!p1 [sflag:s9], $0x80  }
0x155: {  	[sflag:s9] =	ssyncset.done @!p1 $0x0  }
0x156: {  	[sflag:s9] =	ssyncadd.s32 @!p1 $0xFFFFFF80  }
0x157: {  	v1 =	vld @!p1 [tilespmem:$0xF188];
	_ =	sdelay $0x2  }
0x158: {  	s0 =	sshll.u32 @!p1 s11, $0x9  }
0x159: {  	s2 =	sshrl.u32 @!p1 s0, $0x2  }
0x15a: {  	[tilespmem:s2+$0xF238] =	vst.add.f32.msk @!p1 $0xffff, v1  }
0x15b: {  	v1 =	vld @!p1 [tilespmem:$0xF198];
	_ =	sdelay $0x4  }
0x15c: {  	[tilespmem:s2+$0xF248] =	vst.add.f32.msk @!p1 $0xffff, v1  }
0x15d: {  	v1 =	vld @!p1 [tilespmem:$0xF1A8];
	_ =	sdelay $0x4  }
0x15e: {  	[tilespmem:s2+$0xF258] =	vst.add.f32.msk @!p1 $0xffff, v1  }
0x15f: {  	v1 =	vld @!p1 [tilespmem:$0xF1B8];
	_ =	sdelay $0x4  }
0x160: {  	[tilespmem:s2+$0xF268] =	vst.add.f32.msk @!p1 $0xffff, v1  }
0x161: {  	v1 =	vld @!p1 [tilespmem:$0xF1C8];
	_ =	sdelay $0x4  }
0x162: {  	[tilespmem:s2+$0xF278] =	vst.add.f32.msk @!p1 $0xffff, v1  }
0x163: {  	v1 =	vld @!p1 [tilespmem:$0xF1D8];
	_ =	sdelay $0x4  }
0x164: {  	[tilespmem:s2+$0xF288] =	vst.add.f32.msk @!p1 $0xffff, v1  }
0x165: {  	v1 =	vld @!p1 [tilespmem:$0xF1E8];
	_ =	sdelay $0x4  }
0x166: {  	[tilespmem:s2+$0xF298] =	vst.add.f32.msk @!p1 $0xffff, v1  }
0x167: {  	v1 =	vld @!p1 [tilespmem:$0xF1F8];
	_ =	sdelay $0x4  }
0x168: {  	[tilespmem:s2+$0xF2A8] =	vst.add.f32.msk @!p1 $0xffff, v1  }
0x169: {  	s0 =	sshrl.u32 s0, $0x2;
	[tilespmem:s6+$0xF218] =	vst.msk $0x1, v0  }
0x16a: {  	v0 =	vld [tilespmem:s0+$0xF238];
	_ =	sdelay $0x2  }
0x16b: {  	s31 =	sshll.u32 s6, $0x9  }
0x16c: {  	s2 =	sshra.s32 s31, $0x2  }
0x16d: {  	[tilespmem:s2+$0xF238] =	vst v0  }
0x16e: {  	v0 =	vld [tilespmem:s0+$0xF248];
	_ =	sdelay $0x4  }
0x16f: {  	[tilespmem:s2+$0xF248] =	vst v0  }
0x170: {  	v0 =	vld [tilespmem:s0+$0xF258];
	_ =	sdelay $0x4  }
0x171: {  	[tilespmem:s2+$0xF258] =	vst v0  }
0x172: {  	v0 =	vld [tilespmem:s0+$0xF268];
	_ =	sdelay $0x4  }
0x173: {  	[tilespmem:s2+$0xF268] =	vst v0  }
0x174: {  	v0 =	vld [tilespmem:s0+$0xF278];
	_ =	sdelay $0x4  }
0x175: {  	[tilespmem:s2+$0xF278] =	vst v0  }
0x176: {  	v0 =	vld [tilespmem:s0+$0xF288];
	_ =	sdelay $0x4  }
0x177: {  	[tilespmem:s2+$0xF288] =	vst v0  }
0x178: {  	v0 =	vld [tilespmem:s0+$0xF298];
	_ =	sdelay $0x4  }
0x179: {  	[tilespmem:s2+$0xF298] =	vst v0  }
0x17a: {  	v0 =	vld [tilespmem:s0+$0xF2A8];
	_ =	sdelay $0x4  }
0x17b: {  	s6 =	sadd.s32 $0x1, s6;
	[tilespmem:s2+$0xF2A8] =	vst v0  }
.LBB2_33:
0x17c: {  	s11 =	sadd.s32 $0x1, s11  }
0x17d: {  	p1 =	sne.s32 s11, $0x20  }
.Ltmp20:
0x17e: {  	_ = 	snop;
	(pc) =	sbr.rel @!p1 .LBB2_34-.Ltmp20, $1  }
0x17f: {  	_ =	sdelay $0x3  }
.LBB2_26:
0x180: {  	v0 =	vld.msk [tilespmem:s11+$0xF218], $0x1;
	_ =	sdelay $0x4  }
0x181: {  	(v2sf) =	vpush v0, $0x0;
	_ =	sdelay $0xe  }
0x182: {  	s12 =	spop (v2sf)  }
0x183: {  	p1 =	seq.s32 s12, $0xFFFFFFFF  }
.Ltmp21:
0x184: {  	_ = 	snop;
	(pc) =	sbr.rel @p1 .LBB2_33-.Ltmp21, $1  }
0x185: {  	_ =	sdelay $0x3  }
0x186: {  	p1 =	slt.s32 s6, $0x1  }
.Ltmp22:
0x187: {  	_ = 	snop;
	(pc) =	sbr.rel @p1 .LBB2_32-.Ltmp22, $1  }
0x188: {  	_ =	sdelay $0x3  }
0x189: {  	s13 =	simm.s32 $0xF218;
	p1 =	por $0x0, $0x0  }
0x18a: {  	v1 =	vld.msk @!p1 [tilespmem:s13+$0x0], $0x1;
	_ =	sdelay $0x4  }
0x18b: {  	(v2sf) =	vpush @!p1 v1, $0x0;
	_ =	sdelay $0xd  }
0x18c: {  	p3 =	sne.s32 s6, $0x1  }
.Ltmp23:
0x18d: {  	s0 =	spop @!p1 (v2sf);
	(pc) =	sbr.rel @!p3 .LBB2_30-.Ltmp23, $4  }
0x18e: {  	p2 =	seq.s32 @!p1 s12, s0  }
0x18f: {  	s14 =	simm.s32 $0x0;
	p2 =	por !p2, p1  }
0x190: {  	s0 =	simm.s32 $0xFFFFFFFF;
	s14 =	simm.s32 @p2 $0xFFFFFFFF  }
0x191: {  	s15 =	simm.s32 $0x1;
	s14 =	smov.u32 @p1 s0  }
.LBB2_29:
0x192: {  	s0 =	smov.u32 s14;
	p1 =	sne.s32 s14, $0xFFFFFFFF  }
0x193: {  	s13 =	sadd.s32 $0x1, s13;
	s14 =	smov.u32 s15;
	s15 =	sadd.s32 $0x1, s15  }
0x194: {  	p2 =	sne.s32 s6, s15;
	v1 =	vld.msk @!p1 [tilespmem:s13+$0x0], $0x1;
	_ =	sdelay $0x4  }
0x195: {  	(v2sf) =	vpush @!p1 v1, $0x0;
	_ =	sdelay $0xe  }
.Ltmp24:
0x196: {  	s2 =	spop @!p1 (v2sf);
	(pc) =	sbr.rel @p2 .LBB2_29-.Ltmp24, $4  }
0x197: {  	p3 =	seq.s32 @!p1 s12, s2  }
0x198: {  	p3 =	por !p3, p1  }
0x199: {  	s14 =	simm.s32 @p3 $0xFFFFFFFF  }
0x19a: {  	s14 =	smov.u32 @p1 s0  }
.LBB2_30:
0x19b: {  	p1 =	seq.s32 s14, $0xFFFFFFFF  }
.Ltmp25:
0x19c: {  	_ = 	snop;
	(pc) =	sbr.rel @p1 .LBB2_32-.Ltmp25, $1  }
0x19d: {  	_ =	sdelay $0x3  }
0x19e: {  	s0 =	sshll.u32 s11, $0x7  }
0x19f: {  	s0 =	sand.u32 $0x3FFFFF80, s0  }
0x1a0: {  	v0 =	vld [tilespmem:s0+$0xF238];
	_ =	sdelay $0x2  }
0x1a1: {  	s2 =	sshll.u32 s14, $0x9  }
0x1a2: {  	s2 =	sshra.s32 s2, $0x2  }
0x1a3: {  	[tilespmem:s2+$0xF238] =	vst.add.f32.msk $0xffff, v0  }
0x1a4: {  	v0 =	vld [tilespmem:s0+$0xF248];
	_ =	sdelay $0x4  }
0x1a5: {  	[tilespmem:s2+$0xF248] =	vst.add.f32.msk $0xffff, v0  }
0x1a6: {  	v0 =	vld [tilespmem:s0+$0xF258];
	_ =	sdelay $0x4  }
0x1a7: {  	[tilespmem:s2+$0xF258] =	vst.add.f32.msk $0xffff, v0  }
0x1a8: {  	v0 =	vld [tilespmem:s0+$0xF268];
	_ =	sdelay $0x4  }
0x1a9: {  	[tilespmem:s2+$0xF268] =	vst.add.f32.msk $0xffff, v0  }
0x1aa: {  	v0 =	vld [tilespmem:s0+$0xF278];
	_ =	sdelay $0x4  }
0x1ab: {  	[tilespmem:s2+$0xF278] =	vst.add.f32.msk $0xffff, v0  }
0x1ac: {  	v0 =	vld [tilespmem:s0+$0xF288];
	_ =	sdelay $0x4  }
0x1ad: {  	[tilespmem:s2+$0xF288] =	vst.add.f32.msk $0xffff, v0  }
0x1ae: {  	v0 =	vld [tilespmem:s0+$0xF298];
	_ =	sdelay $0x4  }
0x1af: {  	[tilespmem:s2+$0xF298] =	vst.add.f32.msk $0xffff, v0  }
0x1b0: {  	v0 =	vld [tilespmem:s0+$0xF2A8]  }
.Ltmp26:
0x1b1: {  	_ = 	snop;
	(pc) =	sbr.rel .LBB2_33-.Ltmp26, $2  }
0x1b2: {  	_ =	sdelay $0x2  }
0x1b3: {  	[tilespmem:s2+$0xF2A8] =	vst.add.f32.msk $0xffff, v0  }
.LBB2_34:
0x1b4: {  	s0 =	simm.s32 $0x6;
	p1 =	seq.s32 s6, $0x0  }
0x1b5: {  	[sflag:s0] =	ssyncpa.u1 $0x1;
	v0 =	vimm.s32 @p1 $0xFFFFFFFF  }
0x1b6: {  	s9 =	sadd.s32 $0xFFFFFFFF, s6;
	[tilespmem:$0x10238] =	vst @p1 v0  }
0x1b7: {  	v0 =	vld.msk @!p1 [tilespmem:s9+$0xF218], $0x1;
	_ =	sdelay $0x1  }
0x1b8: {  	v1 =	vld.msk @!p1 [tilespmem:$0xF218], $0x1;
	_ =	sdelay $0x2  }
0x1b9: {  	p2 =	seq.s32 @!p1 s9, $0x0;
	v0 =	vbroadcast @!p1 v0, $0x0  }
0x1ba: {  	vm0 =	vmmov @!p1 $0x1;
	p2 =	por !p2, p1  }
0x1bb: {  	v1 =	vnsel @!p1 vm0, $0xFFFFFFFF, v1;
	vm0 =	vcmask @!p1 $0x308;
	v0 =	vpsel !p2, $0xFFFFFFFF, v0  }
0x1bc: {  	p2 =	sne.s32 @!p1 s8, s7;
	v0 =	vsel @!p1 vm0, v1, v0  }
0x1bd: {  	s0 =	simm.s32 @!p1 $0xF238;
	s2 =	simm.s32 @!p1 $0x0;
	p3 =	por !p2, p1;
	[tilespmem:$0x10238] =	vst @!p1 v0  }
0x1be: {  	[spmem:s2] =	stream.linear.scatter @!p1 [tilespmem:s0], [sflag:$0x1], $0x80, $0x38;
	[tilespmem:$0x1F6F8] =	vst v63  }
0x1bf: {  	s0 =	sshll.u32 @!p3 s9, $0x9  }
0x1c0: {  	s0 =	sshra.s32 @!p3 s0, $0x2  }
0x1c1: {  	s2 =	simm.s32 @!p3 $0x80;
	s0 =	sadd.s32 @!p3 $0xF238, s0  }
0x1c2: {  	[spmem:s2] =	stream.linear.scatter @!p3 [tilespmem:s0], [sflag:$0x1], $0x80, $0x38;
	[tilespmem:$0x1F6F8] =	vst v63  }
0x1c3: {  	s0 =	simm.s32 @!p3 $0x1  }
0x1c4: {  	_ =	swait.ge @!p3 [sflag:s0], $0x100  }
0x1c5: {  	p1 =	por p2, p1;
	[sflag:s0] =	ssyncset.done @!p3 $0x0  }
0x1c6: {  	[sflag:s0] =	ssyncadd.s32 @!p3 $0xFFFFFF00;
	s0 =	simm.s32 @!p1 $0x1  }
0x1c7: {  	_ =	swait.ge @!p1 [sflag:s0], $0x80  }
0x1c8: {  	s29 =	simm.s32 $0x10238;
	[sflag:s0] =	ssyncset.done @!p1 $0x0  }
0x1c9: {  	s30 =	simm.s32 $0x1000;
	s31 =	simm.s32 $0x1;
	[sflag:s0] =	ssyncadd.s32 @!p1 $0xFFFFFF80  }
0x1ca: {  	[spmem:s30] =	stream.linear.scatter [tilespmem:s29], [sflag:$0x1], $0x10, $0x38;
	[tilespmem:$0x1F6F8] =	vst v63  }
0x1cb: {  	_ =	swait.ge [sflag:s31], $0x10  }
0x1cc: {  	[sflag:s31] =	ssyncset.done $0x0  }
0x1cd: {  	p1 =	seq.s32 s16, $0x0;
	s8 =	rddreg [dreg:$0x1];
	[sflag:s31] =	ssyncadd.s32 $0xFFFFFFF0  }
0x1ce: {  	s2 =	sshll.u32 @p1 s8, $0xE;
	s7 =	rddreg [dreg:$0x2]  }
0x1cf: {  	s0 =	sadd.s32 @p1 $0x15C3C, s2;
	s2 =	sshll.u32 @p1 s7, $0x11  }
0x1d0: {  	_ =	sfence.stream.spmem;
	s0 =	sor.u32 @p1 s2, s0  }
0x1d1: {  	[sflag:s0] =	ssyncadd.remote.s32 @p1 $0x1;
	s0 =	simm.s32 @p1 $0x4  }
0x1d2: {  	s3 =	simm.s32 @!p1 $0x3C;
	s2 =	sand.u32 $0xFFFFFFFE, s8;
	_ =	swait.ge @p1 [sflag:s0], $0x22  }
0x1d3: {  	s4 =	simm.s32 @!p1 $0x0;
	s2 =	sadd.s32 @!p1 $0x4, s2;
	[sflag:s0] =	ssyncset.done @p1 $0x0  }
0x1d4: {  	s5 =	simm.s32 @!p1 $0x100;
	[sflag:s0] =	ssyncadd.s32 @p1 $0xFFFFFFDE;
	s0 =	sshll.u32 @!p1 s2, $0x1A  }
0x1d5: {  	s2 =	sshll.u32 @!p1 s2, $0xD;
	s0 =	sor.u32 @!p1 s0, s7;
	_ =	swait.eq @!p1 [sflag:s3], $0x1  }
0x1d6: {  	s2 =	sor.u32 @!p1 $0x1C04, s2;
	s3 =	simm.s32 @!p1 $0x1C03;
	s0 =	sor.u32 @!p1 $0x80004000, s0  }
0x1d7: {  	[spmem:s5], [sflag:s2] =	dma.general @!p1 [spmem:s4], [sflag:s3], length:$0x20, [dreg:$0x0], stride_count:$0x0, ici_dest:s0, dma_misc:DstOpCode:WRITE  }
0x1d8: {  	p2 =	slt.s32 s9, $0x2;
	s4 =	simm.s32 @!p1 $0x200;
	s5 =	simm.s32 @!p1 $0x202  }
0x1d9: {  	[spmem:s5], [sflag:s2] =	dma.general @!p1 [spmem:s4], [sflag:s3], length:$0x2, [dreg:$0x0], stride_count:$0x0, ici_dest:s0, dma_misc:DstOpCode:WRITE  }
.Ltmp27:
0x1da: {  	s0 =	simm.s32 @!p1 $0x3;
	(pc) =	sbr.rel @p2 .LBB2_38-.Ltmp27, $4  }
0x1db: {  	s2 =	sshll.u32 @!p1 s8, $0xE;
	_ =	swait.ge @!p1 [sflag:s0], $0x22  }
0x1dc: {  	s3 =	sshll.u32 @!p1 s7, $0x11;
	s2 =	sadd.s32 @!p1 $0x11C3C, s2;
	[sflag:s0] =	ssyncset.done @!p1 $0x0  }
0x1dd: {  	[sflag:s0] =	ssyncadd.s32 @!p1 $0xFFFFFFDE;
	s0 =	sor.u32 @!p1 s3, s2  }
0x1de: {  	[sflag:s0] =	ssyncadd.remote.s32 @!p1 $0xFFFFFFFF;
	s0 =	simm.s32 $0x0  }
0x1df: {  	s0 =	simm.s32 $0xF219  }
0x1e0: {  	v0 =	vld.msk [tilespmem:s0+$0x0], $0x1;
	_ =	sdelay $0x4  }
0x1e1: {  	(v2sf) =	vpush v0, $0x0;
	_ =	sdelay $0xd  }
0x1e2: {  	s2 =	sadd.s32 $0xFFFFFFFE, s6  }
0x1e3: {  	s5 =	sadd.s32 $0xFFFFFFFF, s2;
	s0 =	spop (v2sf)  }
0x1e4: {  	p2 =	sne.s32 s5, $0x0;
	p1 =	sgt.u32 s0, $0x27FFF0  }
.Ltmp28:
0x1e5: {  	s3 =	sand.u32 @!p1 $0x3FFFF8, s0;
	(pc) =	sbr.rel @!p2 .LBB2_37-.Ltmp28, $4  }
0x1e6: {  	s4 =	simm.s32 $0xF2B8;
	s0 =	sand.u32 @!p1 $0x7, s0;
	s2 =	sadd.s32 @!p1 s1, s3  }
0x1e7: {  	[hbm4b:s2+s0] =	stream.linear.scatter @!p1 [tilespmem:s4], [sflag:$0x5], $0x80, $0x38;
	[tilespmem:$0x1F6F8] =	vst v63  }
0x1e8: {  	s0 =	simm.s32 $0x0  }
0x1e9: {  	s6 =	simm.s32 $0x0;
	s7 =	simm.s32 $0xF21A;
	s0 =	simm.s32 @!p1 $0x200  }
.LBB2_36:
0x1ea: {  	v0 =	vld.msk [tilespmem:s7+$0x0], $0x1;
	s5 =	sadd.s32 $0xFFFFFFFF, s5;
	s6 =	sadd.s32 s6, s0  }
0x1eb: {  	p1 =	sne.s32 s5, $0x0;
	_ =	sdelay $0x3  }
0x1ec: {  	(v2sf) =	vpush v0, $0x0;
	_ =	sdelay $0xe  }
.Ltmp29:
0x1ed: {  	s2 =	spop (v2sf);
	(pc) =	sbr.rel @p1 .LBB2_36-.Ltmp29, $4  }
0x1ee: {  	s0 =	simm.s32 $0x0;
	p2 =	sgt.u32 s2, $0x27FFF0  }
0x1ef: {  	s4 =	sadd.s32 $0x80, s4;
	s0 =	simm.s32 @!p2 $0x200;
	s3 =	sand.u32 @!p2 $0x3FFFF8, s2  }
0x1f0: {  	s7 =	sadd.s32 $0x1, s7;
	s2 =	sand.u32 @!p2 $0x7, s2;
	s3 =	sadd.s32 @!p2 s1, s3  }
0x1f1: {  	[hbm4b:s3+s2] =	stream.linear.scatter @!p2 [tilespmem:s4], [sflag:$0x5], $0x80, $0x38;
	[tilespmem:$0x1F6F8] =	vst v63  }
.LBB2_37:
0x1f2: {  	s0 =	sadd.s32 s6, s0  }
0x1f3: {  	s0 =	sshrl.u32 s0, $0x2  }
.LBB2_38:
0x1f4: {  	s2 =	simm.s32 $0x5  }
0x1f5: {  	_ =	swait.ge [sflag:s2], s0  }
0x1f6: {  	s31 =	ssub.s32 $0x0, s0;
	[sflag:s2] =	ssyncset.done $0x0  }
0x1f7: {  	[sflag:s2] =	ssyncadd.s32 s31  }
0x1f8: {  	[sflag:s2] =	ssyncpa.u1 $0x1  }
.LBB2_39:
0x1f9: {  	s0 =	sor.u32 s16, s17  }
0x1fa: {  	p1 =	sne.s32 s0, $0x0  }
.Ltmp30:
0x1fb: {  	_ = 	snop;
	(pc) =	sbr.rel @p1 .LBB2_54-.Ltmp30, $3  }
0x1fc: {  	_ =	sdelay $0x1  }
0x1fd: {  	[bflag:$0x0] =	sbarrier.arrive $0xFFFF  }
0x1fe: {  	_ =	sfence  }
0x1ff: {  	s0 =	simm.s32 $0x7  }
0x200: {  	s2 =	simm.s32 $0x1000;
	s3 =	simm.s32 $0xF218;
	[sflag:s0] =	ssyncpa.u1 $0x0  }
0x201: {  	[tilespmem:s3], [sflag:$0x7] =	stream.linear.gather [spmem:s2], $0x20, $0x38;
	[tilespmem:$0x1F6F8] =	vst v63  }
0x202: {  	s30 =	simm.s32 $0xF238;
	s2 =	simm.s32 $0x0  }
0x203: {  	[tilespmem:s30], [sflag:$0x7] =	stream.linear.gather [spmem:s2], $0x1000, $0x38;
	[tilespmem:$0x1F6F8] =	vst v63  }
.Ltmp31:
0x204: {  	_ = 	snop;
	(pc) =	sbr.rel .LBB2_41-.Ltmp31, $4  }
0x205: {  	_ =	swait.ge [sflag:s0], $0x1020  }
0x206: {  	[sflag:s0] =	ssyncset.done $0x0  }
0x207: {  	s31 =	simm.s32 $0x8;
	[sflag:s0] =	ssyncadd.s32 $0xFFFFEFE0  }
0x208: {  	s3 =	simm.s32 $0x0;
	[sflag:s31] =	ssyncpa.u1 $0x0  }
.LBB2_47:
0x209: {  	p1 =	slt.u32 s4, $0x27FFF1  }
0x20a: {  	s0 =	sand.u32 @p1 $0x3FFFF8, s4  }
0x20b: {  	s4 =	sand.u32 @p1 $0x7, s4;
	s5 =	simm.s32 @p1 $0xF188;
	s0 =	sadd.s32 @p1 s1, s0  }
0x20c: {  	[tilespmem:s5], [sflag:$0x8] =	stream.linear.gather @p1 [hbm4b:s0+s4], $0x80, $0x38;
	[tilespmem:$0x1F6F8] =	vst v63  }
0x20d: {  	s0 =	simm.s32 @p1 $0x8  }
0x20e: {  	_ =	swait.ge @p1 [sflag:s0], $0x80  }
0x20f: {  	[sflag:s0] =	ssyncset.done @p1 $0x0  }
0x210: {  	[sflag:s0] =	ssyncadd.s32 @p1 $0xFFFFFF80  }
0x211: {  	v1 =	vld @p1 [tilespmem:$0xF188];
	_ =	sdelay $0x2  }
0x212: {  	s0 =	sshll.u32 @p1 s3, $0x9  }
0x213: {  	s4 =	sshrl.u32 @p1 s0, $0x2  }
0x214: {  	[tilespmem:s4+$0xF238] =	vst.add.f32.msk @p1 $0xffff, v1  }
0x215: {  	v1 =	vld @p1 [tilespmem:$0xF198];
	_ =	sdelay $0x4  }
0x216: {  	[tilespmem:s4+$0xF248] =	vst.add.f32.msk @p1 $0xffff, v1  }
0x217: {  	v1 =	vld @p1 [tilespmem:$0xF1A8];
	_ =	sdelay $0x4  }
0x218: {  	[tilespmem:s4+$0xF258] =	vst.add.f32.msk @p1 $0xffff, v1  }
0x219: {  	v1 =	vld @p1 [tilespmem:$0xF1B8];
	_ =	sdelay $0x4  }
0x21a: {  	[tilespmem:s4+$0xF268] =	vst.add.f32.msk @p1 $0xffff, v1  }
0x21b: {  	v1 =	vld @p1 [tilespmem:$0xF1C8];
	_ =	sdelay $0x4  }
0x21c: {  	[tilespmem:s4+$0xF278] =	vst.add.f32.msk @p1 $0xffff, v1  }
0x21d: {  	v1 =	vld @p1 [tilespmem:$0xF1D8];
	_ =	sdelay $0x4  }
0x21e: {  	[tilespmem:s4+$0xF288] =	vst.add.f32.msk @p1 $0xffff, v1  }
0x21f: {  	v1 =	vld @p1 [tilespmem:$0xF1E8];
	_ =	sdelay $0x4  }
0x220: {  	[tilespmem:s4+$0xF298] =	vst.add.f32.msk @p1 $0xffff, v1  }
0x221: {  	v1 =	vld @p1 [tilespmem:$0xF1F8];
	_ =	sdelay $0x3  }
0x222: {  	s5 =	sshll.u32 @!p1 s3, $0x9  }
0x223: {  	s5 =	smov.u32 @p1 s0;
	[tilespmem:s4+$0xF2A8] =	vst.add.f32.msk @p1 $0xffff, v1  }
0x224: {  	s0 =	sshrl.u32 s5, $0x2;
	[tilespmem:s2+$0xF218] =	vst.msk $0x1, v0  }
0x225: {  	v0 =	vld [tilespmem:s0+$0xF238];
	_ =	sdelay $0x2  }
0x226: {  	s31 =	sshll.u32 s2, $0x9  }
0x227: {  	s4 =	sshra.s32 s31, $0x2  }
0x228: {  	[tilespmem:s4+$0xF238] =	vst v0  }
0x229: {  	v0 =	vld [tilespmem:s0+$0xF248];
	_ =	sdelay $0x4  }
0x22a: {  	[tilespmem:s4+$0xF248] =	vst v0  }
0x22b: {  	v0 =	vld [tilespmem:s0+$0xF258];
	_ =	sdelay $0x4  }
0x22c: {  	[tilespmem:s4+$0xF258] =	vst v0  }
0x22d: {  	v0 =	vld [tilespmem:s0+$0xF268];
	_ =	sdelay $0x4  }
0x22e: {  	[tilespmem:s4+$0xF268] =	vst v0  }
0x22f: {  	v0 =	vld [tilespmem:s0+$0xF278];
	_ =	sdelay $0x4  }
0x230: {  	[tilespmem:s4+$0xF278] =	vst v0  }
0x231: {  	v0 =	vld [tilespmem:s0+$0xF288];
	_ =	sdelay $0x4  }
0x232: {  	[tilespmem:s4+$0xF288] =	vst v0  }
0x233: {  	v0 =	vld [tilespmem:s0+$0xF298];
	_ =	sdelay $0x4  }
0x234: {  	[tilespmem:s4+$0xF298] =	vst v0  }
0x235: {  	v0 =	vld [tilespmem:s0+$0xF2A8];
	_ =	sdelay $0x4  }
0x236: {  	s2 =	sadd.s32 $0x1, s2;
	[tilespmem:s4+$0xF2A8] =	vst v0  }
.LBB2_48:
0x237: {  	s3 =	sadd.s32 $0x1, s3  }
0x238: {  	p1 =	sne.s32 s3, $0x20  }
.Ltmp32:
0x239: {  	_ = 	snop;
	(pc) =	sbr.rel @!p1 .LBB2_49-.Ltmp32, $1  }
0x23a: {  	_ =	sdelay $0x3  }
.LBB2_41:
0x23b: {  	v0 =	vld.msk [tilespmem:s3+$0xF218], $0x1;
	_ =	sdelay $0x4  }
0x23c: {  	(v2sf) =	vpush v0, $0x0;
	_ =	sdelay $0xe  }
0x23d: {  	s4 =	spop (v2sf)  }
0x23e: {  	p1 =	seq.s32 s4, $0xFFFFFFFF  }
.Ltmp33:
0x23f: {  	_ = 	snop;
	(pc) =	sbr.rel @p1 .LBB2_48-.Ltmp33, $1  }
0x240: {  	_ =	sdelay $0x3  }
0x241: {  	p1 =	slt.s32 s2, $0x1  }
.Ltmp34:
0x242: {  	_ = 	snop;
	(pc) =	sbr.rel @p1 .LBB2_47-.Ltmp34, $1  }
0x243: {  	_ =	sdelay $0x3  }
0x244: {  	s5 =	simm.s32 $0xF218;
	p1 =	por $0x0, $0x0  }
0x245: {  	v1 =	vld.msk @!p1 [tilespmem:s5+$0x0], $0x1;
	_ =	sdelay $0x4  }
0x246: {  	(v2sf) =	vpush @!p1 v1, $0x0;
	_ =	sdelay $0xd  }
0x247: {  	p3 =	sne.s32 s2, $0x1  }
.Ltmp35:
0x248: {  	s0 =	spop @!p1 (v2sf);
	(pc) =	sbr.rel @!p3 .LBB2_45-.Ltmp35, $4  }
0x249: {  	p2 =	seq.s32 @!p1 s4, s0  }
0x24a: {  	s6 =	simm.s32 $0x0;
	p2 =	por !p2, p1  }
0x24b: {  	s0 =	simm.s32 $0xFFFFFFFF;
	s6 =	simm.s32 @p2 $0xFFFFFFFF  }
0x24c: {  	s7 =	simm.s32 $0x1;
	s6 =	smov.u32 @p1 s0  }
.LBB2_44:
0x24d: {  	s0 =	smov.u32 s6;
	p1 =	sne.s32 s6, $0xFFFFFFFF  }
0x24e: {  	s5 =	sadd.s32 $0x1, s5;
	s6 =	smov.u32 s7;
	s7 =	sadd.s32 $0x1, s7  }
0x24f: {  	p2 =	sne.s32 s2, s7;
	v1 =	vld.msk @!p1 [tilespmem:s5+$0x0], $0x1;
	_ =	sdelay $0x4  }
0x250: {  	(v2sf) =	vpush @!p1 v1, $0x0;
	_ =	sdelay $0xe  }
.Ltmp36:
0x251: {  	s8 =	spop @!p1 (v2sf);
	(pc) =	sbr.rel @p2 .LBB2_44-.Ltmp36, $4  }
0x252: {  	p3 =	seq.s32 @!p1 s4, s8  }
0x253: {  	p3 =	por !p3, p1  }
0x254: {  	s6 =	simm.s32 @p3 $0xFFFFFFFF  }
0x255: {  	s6 =	smov.u32 @p1 s0  }
.LBB2_45:
0x256: {  	p1 =	seq.s32 s6, $0xFFFFFFFF  }
.Ltmp37:
0x257: {  	_ = 	snop;
	(pc) =	sbr.rel @p1 .LBB2_47-.Ltmp37, $1  }
0x258: {  	_ =	sdelay $0x3  }
0x259: {  	s0 =	sshll.u32 s3, $0x7  }
0x25a: {  	s0 =	sand.u32 $0x3FFFFF80, s0  }
0x25b: {  	v0 =	vld [tilespmem:s0+$0xF238];
	_ =	sdelay $0x2  }
0x25c: {  	s4 =	sshll.u32 s6, $0x9  }
0x25d: {  	s4 =	sshra.s32 s4, $0x2  }
0x25e: {  	[tilespmem:s4+$0xF238] =	vst.add.f32.msk $0xffff, v0  }
0x25f: {  	v0 =	vld [tilespmem:s0+$0xF248];
	_ =	sdelay $0x4  }
0x260: {  	[tilespmem:s4+$0xF248] =	vst.add.f32.msk $0xffff, v0  }
0x261: {  	v0 =	vld [tilespmem:s0+$0xF258];
	_ =	sdelay $0x4  }
0x262: {  	[tilespmem:s4+$0xF258] =	vst.add.f32.msk $0xffff, v0  }
0x263: {  	v0 =	vld [tilespmem:s0+$0xF268];
	_ =	sdelay $0x4  }
0x264: {  	[tilespmem:s4+$0xF268] =	vst.add.f32.msk $0xffff, v0  }
0x265: {  	v0 =	vld [tilespmem:s0+$0xF278];
	_ =	sdelay $0x4  }
0x266: {  	[tilespmem:s4+$0xF278] =	vst.add.f32.msk $0xffff, v0  }
0x267: {  	v0 =	vld [tilespmem:s0+$0xF288];
	_ =	sdelay $0x4  }
0x268: {  	[tilespmem:s4+$0xF288] =	vst.add.f32.msk $0xffff, v0  }
0x269: {  	v0 =	vld [tilespmem:s0+$0xF298];
	_ =	sdelay $0x4  }
0x26a: {  	[tilespmem:s4+$0xF298] =	vst.add.f32.msk $0xffff, v0  }
0x26b: {  	v0 =	vld [tilespmem:s0+$0xF2A8]  }
.Ltmp38:
0x26c: {  	_ = 	snop;
	(pc) =	sbr.rel .LBB2_48-.Ltmp38, $2  }
0x26d: {  	_ =	sdelay $0x2  }
0x26e: {  	[tilespmem:s4+$0xF2A8] =	vst.add.f32.msk $0xffff, v0  }
.LBB2_49:
0x26f: {  	p1 =	slt.s32 s2, $0x1  }
.Ltmp39:
0x270: {  	_ = 	snop;
	(pc) =	sbr.rel @p1 .LBB2_53-.Ltmp39, $3  }
0x271: {  	_ =	sdelay $0x1  }
0x272: {  	s0 =	simm.s32 $0x8  }
0x273: {  	s3 =	simm.s32 $0x0;
	[sflag:s0] =	ssyncpa.u1 $0x1  }
0x274: {  	s0 =	simm.s32 $0xF218  }
0x275: {  	v0 =	vld.msk [tilespmem:s0+$0x0], $0x1;
	_ =	sdelay $0x4  }
0x276: {  	(v2sf) =	vpush v0, $0x0;
	_ =	sdelay $0xe  }
0x277: {  	s2 =	sadd.s32 $0xFFFFFFFF, s2;
	s0 =	spop (v2sf)  }
0x278: {  	p2 =	sne.s32 s2, $0x0;
	p1 =	sgt.u32 s0, $0x27FFF0  }
.Ltmp40:
0x279: {  	s5 =	sand.u32 @!p1 $0x3FFFF8, s0;
	(pc) =	sbr.rel @!p2 .LBB2_52-.Ltmp40, $4  }
0x27a: {  	s4 =	simm.s32 $0xF238;
	s0 =	sand.u32 @!p1 $0x7, s0;
	s5 =	sadd.s32 @!p1 s1, s5  }
0x27b: {  	[hbm4b:s5+s0] =	stream.linear.scatter @!p1 [tilespmem:s4], [sflag:$0x7], $0x80, $0x38;
	[tilespmem:$0x1F6F8] =	vst v63  }
0x27c: {  	s0 =	simm.s32 $0x0  }
0x27d: {  	s5 =	simm.s32 $0xF219;
	s0 =	simm.s32 @!p1 $0x200  }
.LBB2_51:
0x27e: {  	v0 =	vld.msk [tilespmem:s5+$0x0], $0x1;
	s2 =	sadd.s32 $0xFFFFFFFF, s2;
	s3 =	sadd.s32 s3, s0  }
0x27f: {  	p1 =	sne.s32 s2, $0x0;
	_ =	sdelay $0x3  }
0x280: {  	(v2sf) =	vpush v0, $0x0;
	_ =	sdelay $0xe  }
.Ltmp41:
0x281: {  	s6 =	spop (v2sf);
	(pc) =	sbr.rel @p1 .LBB2_51-.Ltmp41, $4  }
0x282: {  	s0 =	simm.s32 $0x0;
	p2 =	sgt.u32 s6, $0x27FFF0  }
0x283: {  	s4 =	sadd.s32 $0x80, s4;
	s0 =	simm.s32 @!p2 $0x200;
	s7 =	sand.u32 @!p2 $0x3FFFF8, s6  }
0x284: {  	s5 =	sadd.s32 $0x1, s5;
	s6 =	sand.u32 @!p2 $0x7, s6;
	s7 =	sadd.s32 @!p2 s1, s7  }
0x285: {  	[hbm4b:s7+s6] =	stream.linear.scatter @!p2 [tilespmem:s4], [sflag:$0x7], $0x80, $0x38;
	[tilespmem:$0x1F6F8] =	vst v63  }
.LBB2_52:
0x286: {  	s0 =	sadd.s32 s3, s0  }
0x287: {  	s3 =	sshrl.u32 s0, $0x2  }
.LBB2_53:
0x288: {  	s0 =	simm.s32 $0x7  }
0x289: {  	_ =	swait.ge [sflag:s0], s3  }
0x28a: {  	s1 =	ssub.s32 $0x0, s3;
	[sflag:s0] =	ssyncset.done $0x0  }
0x28b: {  	[sflag:s0] =	ssyncadd.s32 s1  }
0x28c: {  	[sflag:s0] =	ssyncpa.u1 $0x1  }
.LBB2_54:
0x28d: {  	_ =	sfence;
	s0 =	simm.s32 $0x1  }
0x28e: {  	[sflag:s0] =	ssyncpa.u1 $0x1  }
0x28f: {  	_ =	strace $0x9000004D  }
0x290: {  	[bflag:$0x2] =	sbarrier.arrive $0xFFFF  }
0x291: {  	s0 =	rddreg [dreg:$0x3]  }
0x292: {  	s0 =	sadd.s32 @!p0 $0x100000, s0  }
0x293: {  	[sflag:s0] =	ssyncadd.tile.s32 @!p0 $0x1;
	_ =	shalt  }
.Lfunc_end2:
_tile_overlayer_lowered:
.L_overlay_start_2:
0x294: {  	(tag) =	ssettag $0x2  }
0x295: {  	s0 =	rddreg [dreg:$0x0];
	s2 =	stileid.u32  }
0x296: {  	s1 =	rddreg [dreg:$0x1];
	p0 =	sne.s32 s2, $0x0  }
0x297: {  	s3 =	rddreg [dreg:$0x2];
	[bflag:$0x3] =	sbarrier.arrive $0xFFFF;
	s2 =	simm.s32 @!p0 $0x1C01  }
0x298: {  	[timem:s3], [sflag:s2] =	dma.local @!p0 [hbm:s0], s1  }
0x299: {  	s0 =	simm.s32 @!p0 $0x1  }
0x29a: {  	_ =	swait.ge @!p0 [sflag:s0], s1  }
0x29b: {  	s1 =	ssub.s32 @!p0 $0x0, s1;
	[sflag:s0] =	ssyncset.done @!p0 $0x0  }
0x29c: {  	[sflag:s0] =	ssyncadd.s32 @!p0 s1  }
0x29d: {  	[bflag:$0x3] =	sbarrier.arrive $0xFFFF  }
0x29e: {  	_ =	shalt  }

</sc_bundles>
